<compile_context>
chip_gen: v7x
topology: tpu7x:2x2x1
jax: 0.10.2.dev20260603
libtpu: 0.0.44.dev20260713+nightly
codegen_flags: <defaults>
</compile_context>

<pallas_src>
import functools

import jax
import jax.numpy as jnp
from jax import lax
from jax.experimental import pallas as pl
from jax.experimental.pallas import tpu as pltpu
from jax.experimental.pallas import tpu_sc as plsc

N = 10000
E = 320000
D = 128
NP = 10240

NC = 2
NS = 16
NW = NC * NS
EPW = E // NW
B = 80
CH = EPW // B
HB = B // 2
RPT = NP // NS

def _sc_body(with_deg, x_hbm, src_hbm, dst_hbm, z2_hbm, z1_hbm,
             out_hbm, deg_hbm, src_v, dst_v, rows_v, ones_v,
             acc_s, deg_s, semg0, semg1, sems0, sems1, semd):
    c = lax.axis_index("c")
    s = lax.axis_index("s")
    wid = s * NC + c
    row0 = s * RPT

    z = pltpu.async_copy(z2_hbm, acc_s.at[pl.ds(row0, RPT)], semg0)
    if with_deg:
        zd = pltpu.async_copy(z1_hbm, deg_s.at[pl.ds(row0, RPT)], semg1)
        for i in range(B // 16):
            ones_v[pl.ds(i * 16, 16)] = jnp.ones((16,), jnp.float32)
    pltpu.sync_copy(src_hbm.at[wid], src_v)
    pltpu.sync_copy(dst_hbm.at[wid], dst_v)
    z.wait()
    if with_deg:
        zd.wait()
    plsc.subcore_barrier()

    def gth(i, h):
        return pltpu.async_copy(
            x_hbm.at[src_v.at[i, pl.ds(h * HB, HB)]],
            rows_v.at[pl.ds(h * HB, HB)], semg0 if h == 0 else semg1)

    def sct(i, h):
        return pltpu.async_copy(
            rows_v.at[pl.ds(h * HB, HB)],
            acc_s.at[dst_v.at[i, pl.ds(h * HB, HB)]],
            sems0 if h == 0 else sems1, add=True)

    def run_chunks(i0, n):
        ga = gth(i0, 0)
        gb = gth(i0, 1)
        sa = sb = None
        sd = None
        for k in range(n):
            i = i0 + k
            ga.wait()
            sa = sct(i, 0)
            gb.wait()
            sb = sct(i, 1)
            if with_deg:
                if sd is not None:
                    sd.wait()
                sd = pltpu.async_copy(ones_v, deg_s.at[dst_v.at[i]],
                                      semd, add=True)
            if k + 1 < n:
                sa.wait()
                ga = gth(i + 1, 0)
                sb.wait()
                gb = gth(i + 1, 1)
        sa.wait()
        sb.wait()
        if with_deg:
            sd.wait()

    U = 5
    lax.fori_loop(0, CH // U, lambda q, c: (run_chunks(U * q, U), c)[1], 0)
    plsc.subcore_barrier()

    out0 = c * NP + row0
    pltpu.sync_copy(acc_s.at[pl.ds(row0, RPT)], out_hbm.at[pl.ds(out0, RPT)])
    if with_deg:
        pltpu.sync_copy(deg_s.at[pl.ds(row0, RPT)], deg_hbm.at[pl.ds(out0, RPT)])


@functools.lru_cache(maxsize=None)
def _make_sc_pass(with_deg):
    mesh = plsc.VectorSubcoreMesh(core_axis_name="c", subcore_axis_name="s")
    out_type = [jax.ShapeDtypeStruct((NC * NP, D), jnp.float32)]
    if with_deg:
        out_type.append(jax.ShapeDtypeStruct((NC * NP,), jnp.float32))
    kern = functools.partial(
        pl.kernel,
        mesh=mesh,
        out_type=out_type,
        scratch_types=[
            pltpu.VMEM((CH, B), jnp.int32),
            pltpu.VMEM((CH, B), jnp.int32),
            pltpu.VMEM((B, D), jnp.float32),
            pltpu.VMEM((B,), jnp.float32),
            pltpu.VMEM_SHARED((NP, D), jnp.float32),
            pltpu.VMEM_SHARED((NP,), jnp.float32),
            pltpu.SemaphoreType.DMA,
            pltpu.SemaphoreType.DMA,
            pltpu.SemaphoreType.DMA,
            pltpu.SemaphoreType.DMA,
            pltpu.SemaphoreType.DMA,
        ],
    )

    if with_deg:
        @kern
        def sc_pass(x_hbm, src_hbm, dst_hbm, z2_hbm, z1_hbm, out_hbm, deg_hbm,
                    *scratch):
            _sc_body(True, x_hbm, src_hbm, dst_hbm, z2_hbm, z1_hbm,
                     out_hbm, deg_hbm, *scratch)
    else:
        @kern
        def sc_pass(x_hbm, src_hbm, dst_hbm, z2_hbm, out_hbm, *scratch):
            _sc_body(False, x_hbm, src_hbm, dst_hbm, z2_hbm, None,
                     out_hbm, None, *scratch)

    return sc_pass

BR = 1024
NB = NP // BR


def _dense_body(sa, sb, da, db, x, wl, wr, b, o, *, relu):
    deg = jnp.maximum(da[...] + db[...], 1.0)
    agg = (sa[...] + sb[...]) * (1.0 / deg)[:, None]
    y = jnp.dot(agg, wl[...], preferred_element_type=jnp.float32)
    y = y + jnp.dot(x[...], wr[...], preferred_element_type=jnp.float32)
    y = y + b[...]
    o[...] = jnp.maximum(y, 0.0) if relu else y


def _dense(summed, deg, xin, WlT, WrT, b, relu):
    return pl.pallas_call(
        functools.partial(_dense_body, relu=relu),
        grid=(NB,),
        in_specs=[
            pl.BlockSpec((BR, D), lambda i: (i, 0)),
            pl.BlockSpec((BR, D), lambda i: (i + NB, 0)),
            pl.BlockSpec((BR,), lambda i: (i,)),
            pl.BlockSpec((BR,), lambda i: (i + NB,)),
            pl.BlockSpec((BR, D), lambda i: (i, 0)),
            pl.BlockSpec((D, D), lambda i: (0, 0)),
            pl.BlockSpec((D, D), lambda i: (0, 0)),
            pl.BlockSpec((1, D), lambda i: (0, 0)),
        ],
        out_specs=pl.BlockSpec((BR, D), lambda i: (i, 0)),
        out_shape=jax.ShapeDtypeStruct((NP, D), jnp.float32),
    )(summed, summed, deg, deg, xin, WlT, WrT, b)


def kernel(x, edge_index, W1_l, b1, W1_r, W2_l, b2, W2_r):
    src = edge_index[0].astype(jnp.int32).reshape(NW, CH, B)
    dst = edge_index[1].astype(jnp.int32).reshape(NW, CH, B)
    z2 = jnp.zeros((RPT, D), jnp.float32)
    z1 = jnp.zeros((RPT,), jnp.float32)

    summed1, deg = _make_sc_pass(True)(x, src, dst, z2, z1)
    h = _dense(summed1, deg, x, W1_l.T, W1_r.T, b1.reshape(1, D),
               relu=True)
    (summed2,) = _make_sc_pass(False)(h, src, dst, z2)
    out = _dense(summed2, deg, h, W2_l.T, W2_r.T, b2.reshape(1, D),
                 relu=False)
    return out[:N]

# --- scband reference (transcript-rebuilt; emitter-appended) ---
"""Pipeline reference for scband-graph-encoder-65103114273323 (READ-ONLY COPY).

The authoritative reference and input builder live on the scoring server;
editing this copy changes nothing except your own understanding.
"""

import jax, jax.numpy as jnp
import numpy as np

N = 10000
E = 320000
D_IN = 128
D_HID = 128
D_OUT = 128


def sage_conv(x, src, dst, W_l, b_l, W_r, num_nodes):
    # PyG SAGEConv with mean aggregation:
    #   out = lin_l(mean_{j in N(i)} x_j) + lin_r(x_i)
    msgs = jnp.take(x, src, axis=0)
    summed = jax.ops.segment_sum(msgs, dst, num_segments=num_nodes)
    deg = jax.ops.segment_sum(jnp.ones((src.shape[0],), dtype=x.dtype), dst, num_segments=num_nodes)
    agg = summed / jnp.clip(deg, 1.0)[:, None]
    return agg @ W_l.T + b_l + x @ W_r.T


def setup_inputs(seed: int = 0) -> dict:
    key = jax.random.key(seed)
    ks = jax.random.split(key, 8)
    x = jax.random.normal(ks[0], (N, D_IN), dtype=jnp.float32)
    edge_index = jax.random.randint(ks[1], (2, E), 0, N, dtype=jnp.int64)
    W1_l = jax.random.normal(ks[2], (D_HID, D_IN), dtype=jnp.float32) * 0.05
    b1 = jnp.zeros((D_HID,), dtype=jnp.float32)
    W1_r = jax.random.normal(ks[3], (D_HID, D_IN), dtype=jnp.float32) * 0.05
    W2_l = jax.random.normal(ks[4], (D_OUT, D_HID), dtype=jnp.float32) * 0.05
    b2 = jnp.zeros((D_OUT,), dtype=jnp.float32)
    W2_r = jax.random.normal(ks[5], (D_OUT, D_HID), dtype=jnp.float32) * 0.05
    return {"x": x, "edge_index": edge_index, "W1_l": W1_l, "b1": b1, "W1_r": W1_r, "W2_l": W2_l, "b2": b2, "W2_r": W2_r}


def reference(x, edge_index, W1_l, b1, W1_r, W2_l, b2, W2_r):
    src = edge_index[0]
    dst = edge_index[1]
    num_nodes = x.shape[0]
    h = sage_conv(x, src, dst, W1_l, b1, W1_r, num_nodes)
    h = jax.nn.relu(h)
    # dropout p=0.2 is identity in eval mode
    out = sage_conv(h, src, dst, W2_l, b2, W2_r, num_nodes)
    return out

if __name__ == "__main__":
    import jax
    _d = setup_inputs()
    print(jax.jit(kernel)(*tuple(_d.values())))

</pallas_src>

<mosaic_0001>
#map = affine_map<(d0, d1) -> (0, 0)>
#map1 = affine_map<(d0, d1) -> (0, 0, 0)>
#map2 = affine_map<(d0, d1) -> (0)>
module attributes {stable_mosaic.version = 14 : i64} {
  func.func @sc_pass(%arg0: i32, %arg1: i32, %arg2: memref<10000x128xf32, #tpu.memory_space<hbm>>, %arg3: memref<32x125x80xi32, #tpu.memory_space<hbm>>, %arg4: memref<32x125x80xi32, #tpu.memory_space<hbm>>, %arg5: memref<640x128xf32, #tpu.memory_space<hbm>>, %arg6: memref<640xf32, #tpu.memory_space<hbm>>, %arg7: memref<20480x128xf32, #tpu.memory_space<hbm>>, %arg8: memref<20480xf32, #tpu.memory_space<hbm>>, %arg9: memref<125x80xi32, #tpu.memory_space<vmem>>, %arg10: memref<125x80xi32, #tpu.memory_space<vmem>>, %arg11: memref<80x128xf32, #tpu.memory_space<vmem>>, %arg12: memref<80xf32, #tpu.memory_space<vmem>>, %arg13: memref<10240x128xf32, #tpu.memory_space<vmem_shared>>, %arg14: memref<10240xf32, #tpu.memory_space<vmem_shared>>, %arg15: memref<!tpu.dma_semaphore, #tpu.memory_space<semaphore_mem>>, %arg16: memref<!tpu.dma_semaphore, #tpu.memory_space<semaphore_mem>>, %arg17: memref<!tpu.dma_semaphore, #tpu.memory_space<semaphore_mem>>, %arg18: memref<!tpu.dma_semaphore, #tpu.memory_space<semaphore_mem>>, %arg19: memref<!tpu.dma_semaphore, #tpu.memory_space<semaphore_mem>>) attributes {dimension_semantics = [#tpu.dimension_semantics<core_parallel>, #tpu.dimension_semantics<subcore_parallel>], iteration_bounds = array<i64: 2, 16>, scalar_prefetch = 0 : i64, scratch_operands = 11 : i64, tpu.core_type = #tpu.core_type<sc_vector_subcore>, window_params = [{transform_indices = #map}, {transform_indices = #map1}, {transform_indices = #map1}, {transform_indices = #map}, {transform_indices = #map2}, {transform_indices = #map}, {transform_indices = #map2}]} {
    %mul3A = arith.constant 2 : i32
    %mul3A_0 = arith.muli %arg1, %mul3A : i32
    %add3A = arith.addi %mul3A_0, %arg0 : i32
    %mul3A_1 = arith.constant 640 : i32
    %mul3A_2 = arith.muli %arg1, %mul3A_1 : i32
    %dma_start3A = arith.constant 0 : i32
    %dma_start3A_3 = tpu.memref_slice %arg13[%mul3A_2, %dma_start3A] : memref<10240x128xf32, #tpu.memory_space<vmem_shared>> -> memref<640x128xf32, #tpu.memory_space<vmem_shared>>
    tpu.enqueue_dma source(%arg5 : memref<640x128xf32, #tpu.memory_space<hbm>>) target(%dma_start3A_3 : memref<640x128xf32, #tpu.memory_space<vmem_shared>>) target_semaphore(%arg15 : memref<!tpu.dma_semaphore, #tpu.memory_space<semaphore_mem>>)
    %dma_start3A_4 = tpu.memref_slice %arg14[%mul3A_2] : memref<10240xf32, #tpu.memory_space<vmem_shared>> -> memref<640xf32, #tpu.memory_space<vmem_shared>>
    tpu.enqueue_dma source(%arg6 : memref<640xf32, #tpu.memory_space<hbm>>) target(%dma_start3A_4 : memref<640xf32, #tpu.memory_space<vmem_shared>>) target_semaphore(%arg16 : memref<!tpu.dma_semaphore, #tpu.memory_space<semaphore_mem>>)
    %broadcast_in_dim3A = arith.constant 1.000000e+00 : f32
    %broadcast_in_dim3A_5 = vector.broadcast %broadcast_in_dim3A : f32 to vector<16xf32>
    %swap3A = arith.constant 0 : index
    %swap3A_6 = tpu.vector_load %arg12[%swap3A] {strides = array<i32>} : memref<80xf32, #tpu.memory_space<vmem>>, vector<16xf32>,
    %swap3A_7 = vector.shape_cast %swap3A_6 : vector<16xf32> to vector<16xf32>
    %swap3A_8 = vector.shape_cast %broadcast_in_dim3A_5 : vector<16xf32> to vector<16xf32>
    tpu.vector_store %arg12[%swap3A], %swap3A_8 {strides = array<i32>} : memref<80xf32, #tpu.memory_space<vmem>>, vector<16xf32>,
    %broadcast_in_dim3A_9 = arith.constant 1.000000e+00 : f32
    %broadcast_in_dim3A_10 = vector.broadcast %broadcast_in_dim3A_9 : f32 to vector<16xf32>
    %swap3A_11 = arith.constant 16 : index
    %swap3A_12 = tpu.vector_load %arg12[%swap3A_11] {strides = array<i32>} : memref<80xf32, #tpu.memory_space<vmem>>, vector<16xf32>,
    %swap3A_13 = vector.shape_cast %swap3A_12 : vector<16xf32> to vector<16xf32>
    %swap3A_14 = vector.shape_cast %broadcast_in_dim3A_10 : vector<16xf32> to vector<16xf32>
    tpu.vector_store %arg12[%swap3A_11], %swap3A_14 {strides = array<i32>} : memref<80xf32, #tpu.memory_space<vmem>>, vector<16xf32>,
    %broadcast_in_dim3A_15 = arith.constant 1.000000e+00 : f32
    %broadcast_in_dim3A_16 = vector.broadcast %broadcast_in_dim3A_15 : f32 to vector<16xf32>
    %swap3A_17 = arith.constant 32 : index
    %swap3A_18 = tpu.vector_load %arg12[%swap3A_17] {strides = array<i32>} : memref<80xf32, #tpu.memory_space<vmem>>, vector<16xf32>,
    %swap3A_19 = vector.shape_cast %swap3A_18 : vector<16xf32> to vector<16xf32>
    %swap3A_20 = vector.shape_cast %broadcast_in_dim3A_16 : vector<16xf32> to vector<16xf32>
    tpu.vector_store %arg12[%swap3A_17], %swap3A_20 {strides = array<i32>} : memref<80xf32, #tpu.memory_space<vmem>>, vector<16xf32>,
    %broadcast_in_dim3A_21 = arith.constant 1.000000e+00 : f32
    %broadcast_in_dim3A_22 = vector.broadcast %broadcast_in_dim3A_21 : f32 to vector<16xf32>
    %swap3A_23 = arith.constant 48 : index
    %swap3A_24 = tpu.vector_load %arg12[%swap3A_23] {strides = array<i32>} : memref<80xf32, #tpu.memory_space<vmem>>, vector<16xf32>,
    %swap3A_25 = vector.shape_cast %swap3A_24 : vector<16xf32> to vector<16xf32>
    %swap3A_26 = vector.shape_cast %broadcast_in_dim3A_22 : vector<16xf32> to vector<16xf32>
    tpu.vector_store %arg12[%swap3A_23], %swap3A_26 {strides = array<i32>} : memref<80xf32, #tpu.memory_space<vmem>>, vector<16xf32>,
    %broadcast_in_dim3A_27 = arith.constant 1.000000e+00 : f32
    %broadcast_in_dim3A_28 = vector.broadcast %broadcast_in_dim3A_27 : f32 to vector<16xf32>
    %swap3A_29 = arith.constant 64 : index
    %swap3A_30 = tpu.vector_load %arg12[%swap3A_29] {strides = array<i32>} : memref<80xf32, #tpu.memory_space<vmem>>, vector<16xf32>,
    %swap3A_31 = vector.shape_cast %swap3A_30 : vector<16xf32> to vector<16xf32>
    %swap3A_32 = vector.shape_cast %broadcast_in_dim3A_28 : vector<16xf32> to vector<16xf32>
    tpu.vector_store %arg12[%swap3A_29], %swap3A_32 {strides = array<i32>} : memref<80xf32, #tpu.memory_space<vmem>>, vector<16xf32>,
    "tpu.region"() ({
      %run_scoped3A = tpu.sem_alloc : memref<!tpu.dma_semaphore, #tpu.memory_space<semaphore_mem>>
      %dma_start3A_44 = arith.constant 0 : i32
      %dma_start3A_45 = arith.constant 0 : i32
      %dma_start3A_46 = tpu.memref_slice %arg3[%add3A, %dma_start3A_44, %dma_start3A_45] : memref<32x125x80xi32, #tpu.memory_space<hbm>> -> memref<1x125x80xi32, #tpu.memory_space<hbm>>
      %dma_start3A_47 = tpu.memref_squeeze %dma_start3A_46 : memref<1x125x80xi32, #tpu.memory_space<hbm>> -> memref<125x80xi32, #tpu.memory_space<hbm>>
      %dma_start3A_48 = arith.constant 0 : i32
      %dma_start3A_49 = arith.constant 0 : i32
      %dma_start3A_50 = tpu.memref_slice %arg3[%add3A, %dma_start3A_48, %dma_start3A_49] : memref<32x125x80xi32, #tpu.memory_space<hbm>> -> memref<1x125x80xi32, #tpu.memory_space<hbm>>
      %dma_start3A_51 = tpu.memref_squeeze %dma_start3A_50 : memref<1x125x80xi32, #tpu.memory_space<hbm>> -> memref<125x80xi32, #tpu.memory_space<hbm>>
      tpu.enqueue_dma source(%dma_start3A_51 : memref<125x80xi32, #tpu.memory_space<hbm>>) target(%arg9 : memref<125x80xi32, #tpu.memory_space<vmem>>) target_semaphore(%run_scoped3A : memref<!tpu.dma_semaphore, #tpu.memory_space<semaphore_mem>>)
      %dma_wait3A_52 = arith.constant 0 : i32
      %dma_wait3A_53 = arith.constant 0 : i32
      %dma_wait3A_54 = tpu.memref_slice %arg3[%add3A, %dma_wait3A_52, %dma_wait3A_53] : memref<32x125x80xi32, #tpu.memory_space<hbm>> -> memref<1x125x80xi32, #tpu.memory_space<hbm>>
      %dma_wait3A_55 = tpu.memref_squeeze %dma_wait3A_54 : memref<1x125x80xi32, #tpu.memory_space<hbm>> -> memref<125x80xi32, #tpu.memory_space<hbm>>
      %dma_wait3A_56 = arith.constant 0 : i32
      %dma_wait3A_57 = arith.constant 0 : i32
      %dma_wait3A_58 = tpu.memref_slice %arg3[%add3A, %dma_wait3A_56, %dma_wait3A_57] : memref<32x125x80xi32, #tpu.memory_space<hbm>> -> memref<1x125x80xi32, #tpu.memory_space<hbm>>
      %dma_wait3A_59 = tpu.memref_squeeze %dma_wait3A_58 : memref<1x125x80xi32, #tpu.memory_space<hbm>> -> memref<125x80xi32, #tpu.memory_space<hbm>>
      tpu.wait_dma2 semaphore(%run_scoped3A : memref<!tpu.dma_semaphore, #tpu.memory_space<semaphore_mem>>) src(%dma_wait3A_59 : memref<125x80xi32, #tpu.memory_space<hbm>>) dst(%arg9 : memref<125x80xi32, #tpu.memory_space<vmem>>)
      tpu.yield
    }) : () -> ()
    "tpu.region"() ({
      %run_scoped3A = tpu.sem_alloc : memref<!tpu.dma_semaphore, #tpu.memory_space<semaphore_mem>>
      %dma_start3A_44 = arith.constant 0 : i32
      %dma_start3A_45 = arith.constant 0 : i32
      %dma_start3A_46 = tpu.memref_slice %arg4[%add3A, %dma_start3A_44, %dma_start3A_45] : memref<32x125x80xi32, #tpu.memory_space<hbm>> -> memref<1x125x80xi32, #tpu.memory_space<hbm>>
      %dma_start3A_47 = tpu.memref_squeeze %dma_start3A_46 : memref<1x125x80xi32, #tpu.memory_space<hbm>> -> memref<125x80xi32, #tpu.memory_space<hbm>>
      %dma_start3A_48 = arith.constant 0 : i32
      %dma_start3A_49 = arith.constant 0 : i32
      %dma_start3A_50 = tpu.memref_slice %arg4[%add3A, %dma_start3A_48, %dma_start3A_49] : memref<32x125x80xi32, #tpu.memory_space<hbm>> -> memref<1x125x80xi32, #tpu.memory_space<hbm>>
      %dma_start3A_51 = tpu.memref_squeeze %dma_start3A_50 : memref<1x125x80xi32, #tpu.memory_space<hbm>> -> memref<125x80xi32, #tpu.memory_space<hbm>>
      tpu.enqueue_dma source(%dma_start3A_51 : memref<125x80xi32, #tpu.memory_space<hbm>>) target(%arg10 : memref<125x80xi32, #tpu.memory_space<vmem>>) target_semaphore(%run_scoped3A : memref<!tpu.dma_semaphore, #tpu.memory_space<semaphore_mem>>)
      %dma_wait3A_52 = arith.constant 0 : i32
      %dma_wait3A_53 = arith.constant 0 : i32
      %dma_wait3A_54 = tpu.memref_slice %arg4[%add3A, %dma_wait3A_52, %dma_wait3A_53] : memref<32x125x80xi32, #tpu.memory_space<hbm>> -> memref<1x125x80xi32, #tpu.memory_space<hbm>>
      %dma_wait3A_55 = tpu.memref_squeeze %dma_wait3A_54 : memref<1x125x80xi32, #tpu.memory_space<hbm>> -> memref<125x80xi32, #tpu.memory_space<hbm>>
      %dma_wait3A_56 = arith.constant 0 : i32
      %dma_wait3A_57 = arith.constant 0 : i32
      %dma_wait3A_58 = tpu.memref_slice %arg4[%add3A, %dma_wait3A_56, %dma_wait3A_57] : memref<32x125x80xi32, #tpu.memory_space<hbm>> -> memref<1x125x80xi32, #tpu.memory_space<hbm>>
      %dma_wait3A_59 = tpu.memref_squeeze %dma_wait3A_58 : memref<1x125x80xi32, #tpu.memory_space<hbm>> -> memref<125x80xi32, #tpu.memory_space<hbm>>
      tpu.wait_dma2 semaphore(%run_scoped3A : memref<!tpu.dma_semaphore, #tpu.memory_space<semaphore_mem>>) src(%dma_wait3A_59 : memref<125x80xi32, #tpu.memory_space<hbm>>) dst(%arg10 : memref<125x80xi32, #tpu.memory_space<vmem>>)
      tpu.yield
    }) : () -> ()
    %dma_wait3A = arith.constant 0 : i32
    %dma_wait3A_33 = tpu.memref_slice %arg13[%mul3A_2, %dma_wait3A] : memref<10240x128xf32, #tpu.memory_space<vmem_shared>> -> memref<640x128xf32, #tpu.memory_space<vmem_shared>>
    tpu.wait_dma2 semaphore(%arg15 : memref<!tpu.dma_semaphore, #tpu.memory_space<semaphore_mem>>) src(%arg5 : memref<640x128xf32, #tpu.memory_space<hbm>>) dst(%dma_wait3A_33 : memref<640x128xf32, #tpu.memory_space<vmem_shared>>)
    %dma_wait3A_34 = tpu.memref_slice %arg14[%mul3A_2] : memref<10240xf32, #tpu.memory_space<vmem_shared>> -> memref<640xf32, #tpu.memory_space<vmem_shared>>
    tpu.wait_dma2 semaphore(%arg16 : memref<!tpu.dma_semaphore, #tpu.memory_space<semaphore_mem>>) src(%arg6 : memref<640xf32, #tpu.memory_space<hbm>>) dst(%dma_wait3A_34 : memref<640xf32, #tpu.memory_space<vmem_shared>>)
    %barrier3A = arith.constant 0 : index
    tpu.barrier barrier_id(%barrier3A)
    %scan3A = arith.constant 0 : i32
    %scan3A_35 = arith.constant 0 : i32
    %scan3A_36 = arith.constant 25 : i32
    %scan3A_37 = arith.addi %scan3A_35, %scan3A_36 : i32
    %scan3A_38 = arith.constant 1 : i32
    scf.for %scan3A_44 = %scan3A_35 to %scan3A_37 step %scan3A_38  : i32 {
      %mul3A_45 = arith.constant 5 : i32
      %mul3A_46 = arith.muli %mul3A_45, %scan3A_44 : i32
      %dma_start3A_47 = arith.constant 0 : i32
      %dma_start3A_48 = arith.constant 0 : i32
      %dma_start3A_49 = tpu.memref_slice %arg11[%dma_start3A_47, %dma_start3A_48] : memref<80x128xf32, #tpu.memory_space<vmem>> -> memref<40x128xf32, #tpu.memory_space<vmem>>
      %dma_start3A_50 = arith.constant 0 : i32
      %dma_start3A_51 = tpu.memref_slice %arg9[%mul3A_46, %dma_start3A_50] : memref<125x80xi32, #tpu.memory_space<vmem>> -> memref<1x40xi32, #tpu.memory_space<vmem>>
      %dma_start3A_52 = tpu.memref_squeeze %dma_start3A_51 : memref<1x40xi32, #tpu.memory_space<vmem>> -> memref<40xi32, #tpu.memory_space<vmem>>
      %dma_start3A_53 = arith.constant 0 : i32
      %dma_start3A_54 = arith.constant 0 : i32
      %dma_start3A_55 = tpu.memref_slice %arg2[%dma_start3A_53, %dma_start3A_54] : memref<10000x128xf32, #tpu.memory_space<hbm>> -> memref<10000x128xf32, #tpu.memory_space<hbm>>
      tpu.enqueue_indirect_dma source(%dma_start3A_55 : memref<10000x128xf32, #tpu.memory_space<hbm>>) target(%dma_start3A_49 : memref<40x128xf32, #tpu.memory_space<vmem>>) offsets(%dma_start3A_52 : memref<40xi32, #tpu.memory_space<vmem>>) semaphore(%arg15 : memref<!tpu.dma_semaphore, #tpu.memory_space<semaphore_mem>>)
      %dma_start3A_56 = arith.constant 40 : i32
      %dma_start3A_57 = arith.constant 0 : i32
      %dma_start3A_58 = tpu.memref_slice %arg11[%dma_start3A_56, %dma_start3A_57] : memref<80x128xf32, #tpu.memory_space<vmem>> -> memref<40x128xf32, #tpu.memory_space<vmem>>
      %dma_start3A_59 = arith.constant 40 : i32
      %dma_start3A_60 = tpu.memref_slice %arg9[%mul3A_46, %dma_start3A_59] : memref<125x80xi32, #tpu.memory_space<vmem>> -> memref<1x40xi32, #tpu.memory_space<vmem>>
      %dma_start3A_61 = tpu.memref_squeeze %dma_start3A_60 : memref<1x40xi32, #tpu.memory_space<vmem>> -> memref<40xi32, #tpu.memory_space<vmem>>
      %dma_start3A_62 = arith.constant 0 : i32
      %dma_start3A_63 = arith.constant 0 : i32
      %dma_start3A_64 = tpu.memref_slice %arg2[%dma_start3A_62, %dma_start3A_63] : memref<10000x128xf32, #tpu.memory_space<hbm>> -> memref<10000x128xf32, #tpu.memory_space<hbm>>
      tpu.enqueue_indirect_dma source(%dma_start3A_64 : memref<10000x128xf32, #tpu.memory_space<hbm>>) target(%dma_start3A_58 : memref<40x128xf32, #tpu.memory_space<vmem>>) offsets(%dma_start3A_61 : memref<40xi32, #tpu.memory_space<vmem>>) semaphore(%arg16 : memref<!tpu.dma_semaphore, #tpu.memory_space<semaphore_mem>>)
      %add3A_65 = arith.constant 0 : i32
      %add3A_66 = arith.addi %mul3A_46, %add3A_65 : i32
      %dma_wait3A_67 = arith.constant 0 : i32
      %dma_wait3A_68 = arith.constant 0 : i32
      %dma_wait3A_69 = tpu.memref_slice %arg11[%dma_wait3A_67, %dma_wait3A_68] : memref<80x128xf32, #tpu.memory_space<vmem>> -> memref<40x128xf32, #tpu.memory_space<vmem>>
      %dma_wait3A_70 = arith.constant 0 : i32
      %dma_wait3A_71 = tpu.memref_slice %arg9[%mul3A_46, %dma_wait3A_70] : memref<125x80xi32, #tpu.memory_space<vmem>> -> memref<1x40xi32, #tpu.memory_space<vmem>>
      %dma_wait3A_72 = tpu.memref_squeeze %dma_wait3A_71 : memref<1x40xi32, #tpu.memory_space<vmem>> -> memref<40xi32, #tpu.memory_space<vmem>>
      %dma_wait3A_73 = arith.constant 0 : i32
      %dma_wait3A_74 = arith.constant 0 : i32
      %dma_wait3A_75 = tpu.memref_slice %arg2[%dma_wait3A_73, %dma_wait3A_74] : memref<10000x128xf32, #tpu.memory_space<hbm>> -> memref<10000x128xf32, #tpu.memory_space<hbm>>
      tpu.wait_indirect_dma semaphore(%arg15 : memref<!tpu.dma_semaphore, #tpu.memory_space<semaphore_mem>>) src(%dma_wait3A_75 : memref<10000x128xf32, #tpu.memory_space<hbm>>) dst(%dma_wait3A_69 : memref<40x128xf32, #tpu.memory_space<vmem>>)
      %dma_start3A_76 = arith.constant 0 : i32
      %dma_start3A_77 = arith.constant 0 : i32
      %dma_start3A_78 = tpu.memref_slice %arg11[%dma_start3A_76, %dma_start3A_77] : memref<80x128xf32, #tpu.memory_space<vmem>> -> memref<40x128xf32, #tpu.memory_space<vmem>>
      %dma_start3A_79 = arith.constant 0 : i32
      %dma_start3A_80 = tpu.memref_slice %arg10[%add3A_66, %dma_start3A_79] : memref<125x80xi32, #tpu.memory_space<vmem>> -> memref<1x40xi32, #tpu.memory_space<vmem>>
      %dma_start3A_81 = tpu.memref_squeeze %dma_start3A_80 : memref<1x40xi32, #tpu.memory_space<vmem>> -> memref<40xi32, #tpu.memory_space<vmem>>
      %dma_start3A_82 = arith.constant 0 : i32
      %dma_start3A_83 = arith.constant 0 : i32
      %dma_start3A_84 = tpu.memref_slice %arg13[%dma_start3A_82, %dma_start3A_83] : memref<10240x128xf32, #tpu.memory_space<vmem_shared>> -> memref<10240x128xf32, #tpu.memory_space<vmem_shared>>
      tpu.enqueue_indirect_dma source(%dma_start3A_78 : memref<40x128xf32, #tpu.memory_space<vmem>>) target(%dma_start3A_84 : memref<10240x128xf32, #tpu.memory_space<vmem_shared>>) offsets(%dma_start3A_81 : memref<40xi32, #tpu.memory_space<vmem>>) semaphore(%arg17 : memref<!tpu.dma_semaphore, #tpu.memory_space<semaphore_mem>>) {add = true}
      %dma_wait3A_85 = arith.constant 40 : i32
      %dma_wait3A_86 = arith.constant 0 : i32
      %dma_wait3A_87 = tpu.memref_slice %arg11[%dma_wait3A_85, %dma_wait3A_86] : memref<80x128xf32, #tpu.memory_space<vmem>> -> memref<40x128xf32, #tpu.memory_space<vmem>>
      %dma_wait3A_88 = arith.constant 40 : i32
      %dma_wait3A_89 = tpu.memref_slice %arg9[%mul3A_46, %dma_wait3A_88] : memref<125x80xi32, #tpu.memory_space<vmem>> -> memref<1x40xi32, #tpu.memory_space<vmem>>
      %dma_wait3A_90 = tpu.memref_squeeze %dma_wait3A_89 : memref<1x40xi32, #tpu.memory_space<vmem>> -> memref<40xi32, #tpu.memory_space<vmem>>
      %dma_wait3A_91 = arith.constant 0 : i32
      %dma_wait3A_92 = arith.constant 0 : i32
      %dma_wait3A_93 = tpu.memref_slice %arg2[%dma_wait3A_91, %dma_wait3A_92] : memref<10000x128xf32, #tpu.memory_space<hbm>> -> memref<10000x128xf32, #tpu.memory_space<hbm>>
      tpu.wait_indirect_dma semaphore(%arg16 : memref<!tpu.dma_semaphore, #tpu.memory_space<semaphore_mem>>) src(%dma_wait3A_93 : memref<10000x128xf32, #tpu.memory_space<hbm>>) dst(%dma_wait3A_87 : memref<40x128xf32, #tpu.memory_space<vmem>>)
      %dma_start3A_94 = arith.constant 40 : i32
      %dma_start3A_95 = arith.constant 0 : i32
      %dma_start3A_96 = tpu.memref_slice %arg11[%dma_start3A_94, %dma_start3A_95] : memref<80x128xf32, #tpu.memory_space<vmem>> -> memref<40x128xf32, #tpu.memory_space<vmem>>
      %dma_start3A_97 = arith.constant 40 : i32
      %dma_start3A_98 = tpu.memref_slice %arg10[%add3A_66, %dma_start3A_97] : memref<125x80xi32, #tpu.memory_space<vmem>> -> memref<1x40xi32, #tpu.memory_space<vmem>>
      %dma_start3A_99 = tpu.memref_squeeze %dma_start3A_98 : memref<1x40xi32, #tpu.memory_space<vmem>> -> memref<40xi32, #tpu.memory_space<vmem>>
      %dma_start3A_100 = arith.constant 0 : i32
      %dma_start3A_101 = arith.constant 0 : i32
      %dma_start3A_102 = tpu.memref_slice %arg13[%dma_start3A_100, %dma_start3A_101] : memref<10240x128xf32, #tpu.memory_space<vmem_shared>> -> memref<10240x128xf32, #tpu.memory_space<vmem_shared>>
      tpu.enqueue_indirect_dma source(%dma_start3A_96 : memref<40x128xf32, #tpu.memory_space<vmem>>) target(%dma_start3A_102 : memref<10240x128xf32, #tpu.memory_space<vmem_shared>>) offsets(%dma_start3A_99 : memref<40xi32, #tpu.memory_space<vmem>>) semaphore(%arg18 : memref<!tpu.dma_semaphore, #tpu.memory_space<semaphore_mem>>) {add = true}
      %dma_start3A_103 = arith.constant 0 : i32
      %dma_start3A_104 = tpu.memref_slice %arg10[%add3A_66, %dma_start3A_103] : memref<125x80xi32, #tpu.memory_space<vmem>> -> memref<1x80xi32, #tpu.memory_space<vmem>>
      %dma_start3A_105 = tpu.memref_squeeze %dma_start3A_104 : memref<1x80xi32, #tpu.memory_space<vmem>> -> memref<80xi32, #tpu.memory_space<vmem>>
      %dma_start3A_106 = arith.constant 0 : i32
      %dma_start3A_107 = tpu.memref_slice %arg14[%dma_start3A_106] : memref<10240xf32, #tpu.memory_space<vmem_shared>> -> memref<10240xf32, #tpu.memory_space<vmem_shared>>
      tpu.enqueue_indirect_dma source(%arg12 : memref<80xf32, #tpu.memory_space<vmem>>) target(%dma_start3A_107 : memref<10240xf32, #tpu.memory_space<vmem_shared>>) offsets(%dma_start3A_105 : memref<80xi32, #tpu.memory_space<vmem>>) semaphore(%arg19 : memref<!tpu.dma_semaphore, #tpu.memory_space<semaphore_mem>>) {add = true}
      %dma_wait3A_108 = arith.constant 0 : i32
      %dma_wait3A_109 = arith.constant 0 : i32
      %dma_wait3A_110 = tpu.memref_slice %arg11[%dma_wait3A_108, %dma_wait3A_109] : memref<80x128xf32, #tpu.memory_space<vmem>> -> memref<40x128xf32, #tpu.memory_space<vmem>>
      %dma_wait3A_111 = arith.constant 0 : i32
      %dma_wait3A_112 = tpu.memref_slice %arg10[%add3A_66, %dma_wait3A_111] : memref<125x80xi32, #tpu.memory_space<vmem>> -> memref<1x40xi32, #tpu.memory_space<vmem>>
      %dma_wait3A_113 = tpu.memref_squeeze %dma_wait3A_112 : memref<1x40xi32, #tpu.memory_space<vmem>> -> memref<40xi32, #tpu.memory_space<vmem>>
      %dma_wait3A_114 = arith.constant 0 : i32
      %dma_wait3A_115 = arith.constant 0 : i32
      %dma_wait3A_116 = tpu.memref_slice %arg13[%dma_wait3A_114, %dma_wait3A_115] : memref<10240x128xf32, #tpu.memory_space<vmem_shared>> -> memref<10240x128xf32, #tpu.memory_space<vmem_shared>>
      tpu.wait_indirect_dma semaphore(%arg17 : memref<!tpu.dma_semaphore, #tpu.memory_space<semaphore_mem>>) src(%dma_wait3A_110 : memref<40x128xf32, #tpu.memory_space<vmem>>) dst(%dma_wait3A_116 : memref<10240x128xf32, #tpu.memory_space<vmem_shared>>)
      %add3A_117 = arith.constant 1 : i32
      %add3A_118 = arith.addi %add3A_66, %add3A_117 : i32
      %dma_start3A_119 = arith.constant 0 : i32
      %dma_start3A_120 = arith.constant 0 : i32
      %dma_start3A_121 = tpu.memref_slice %arg11[%dma_start3A_119, %dma_start3A_120] : memref<80x128xf32, #tpu.memory_space<vmem>> -> memref<40x128xf32, #tpu.memory_space<vmem>>
      %dma_start3A_122 = arith.constant 0 : i32
      %dma_start3A_123 = tpu.memref_slice %arg9[%add3A_118, %dma_start3A_122] : memref<125x80xi32, #tpu.memory_space<vmem>> -> memref<1x40xi32, #tpu.memory_space<vmem>>
      %dma_start3A_124 = tpu.memref_squeeze %dma_start3A_123 : memref<1x40xi32, #tpu.memory_space<vmem>> -> memref<40xi32, #tpu.memory_space<vmem>>
      %dma_start3A_125 = arith.constant 0 : i32
      %dma_start3A_126 = arith.constant 0 : i32
      %dma_start3A_127 = tpu.memref_slice %arg2[%dma_start3A_125, %dma_start3A_126] : memref<10000x128xf32, #tpu.memory_space<hbm>> -> memref<10000x128xf32, #tpu.memory_space<hbm>>
      tpu.enqueue_indirect_dma source(%dma_start3A_127 : memref<10000x128xf32, #tpu.memory_space<hbm>>) target(%dma_start3A_121 : memref<40x128xf32, #tpu.memory_space<vmem>>) offsets(%dma_start3A_124 : memref<40xi32, #tpu.memory_space<vmem>>) semaphore(%arg15 : memref<!tpu.dma_semaphore, #tpu.memory_space<semaphore_mem>>)
      %dma_wait3A_128 = arith.constant 40 : i32
      %dma_wait3A_129 = arith.constant 0 : i32
      %dma_wait3A_130 = tpu.memref_slice %arg11[%dma_wait3A_128, %dma_wait3A_129] : memref<80x128xf32, #tpu.memory_space<vmem>> -> memref<40x128xf32, #tpu.memory_space<vmem>>
      %dma_wait3A_131 = arith.constant 40 : i32
      %dma_wait3A_132 = tpu.memref_slice %arg10[%add3A_66, %dma_wait3A_131] : memref<125x80xi32, #tpu.memory_space<vmem>> -> memref<1x40xi32, #tpu.memory_space<vmem>>
      %dma_wait3A_133 = tpu.memref_squeeze %dma_wait3A_132 : memref<1x40xi32, #tpu.memory_space<vmem>> -> memref<40xi32, #tpu.memory_space<vmem>>
      %dma_wait3A_134 = arith.constant 0 : i32
      %dma_wait3A_135 = arith.constant 0 : i32
      %dma_wait3A_136 = tpu.memref_slice %arg13[%dma_wait3A_134, %dma_wait3A_135] : memref<10240x128xf32, #tpu.memory_space<vmem_shared>> -> memref<10240x128xf32, #tpu.memory_space<vmem_shared>>
      tpu.wait_indirect_dma semaphore(%arg18 : memref<!tpu.dma_semaphore, #tpu.memory_space<semaphore_mem>>) src(%dma_wait3A_130 : memref<40x128xf32, #tpu.memory_space<vmem>>) dst(%dma_wait3A_136 : memref<10240x128xf32, #tpu.memory_space<vmem_shared>>)
      %add3A_137 = arith.constant 1 : i32
      %add3A_138 = arith.addi %add3A_66, %add3A_137 : i32
      %dma_start3A_139 = arith.constant 40 : i32
      %dma_start3A_140 = arith.constant 0 : i32
      %dma_start3A_141 = tpu.memref_slice %arg11[%dma_start3A_139, %dma_start3A_140] : memref<80x128xf32, #tpu.memory_space<vmem>> -> memref<40x128xf32, #tpu.memory_space<vmem>>
      %dma_start3A_142 = arith.constant 40 : i32
      %dma_start3A_143 = tpu.memref_slice %arg9[%add3A_138, %dma_start3A_142] : memref<125x80xi32, #tpu.memory_space<vmem>> -> memref<1x40xi32, #tpu.memory_space<vmem>>
      %dma_start3A_144 = tpu.memref_squeeze %dma_start3A_143 : memref<1x40xi32, #tpu.memory_space<vmem>> -> memref<40xi32, #tpu.memory_space<vmem>>
      %dma_start3A_145 = arith.constant 0 : i32
      %dma_start3A_146 = arith.constant 0 : i32
      %dma_start3A_147 = tpu.memref_slice %arg2[%dma_start3A_145, %dma_start3A_146] : memref<10000x128xf32, #tpu.memory_space<hbm>> -> memref<10000x128xf32, #tpu.memory_space<hbm>>
      tpu.enqueue_indirect_dma source(%dma_start3A_147 : memref<10000x128xf32, #tpu.memory_space<hbm>>) target(%dma_start3A_141 : memref<40x128xf32, #tpu.memory_space<vmem>>) offsets(%dma_start3A_144 : memref<40xi32, #tpu.memory_space<vmem>>) semaphore(%arg16 : memref<!tpu.dma_semaphore, #tpu.memory_space<semaphore_mem>>)
      %add3A_148 = arith.constant 1 : i32
      %add3A_149 = arith.addi %mul3A_46, %add3A_148 : i32
      %dma_wait3A_150 = arith.constant 0 : i32
      %dma_wait3A_151 = arith.constant 0 : i32
      %dma_wait3A_152 = tpu.memref_slice %arg11[%dma_wait3A_150, %dma_wait3A_151] : memref<80x128xf32, #tpu.memory_space<vmem>> -> memref<40x128xf32, #tpu.memory_space<vmem>>
      %dma_wait3A_153 = arith.constant 0 : i32
      %dma_wait3A_154 = tpu.memref_slice %arg9[%add3A_118, %dma_wait3A_153] : memref<125x80xi32, #tpu.memory_space<vmem>> -> memref<1x40xi32, #tpu.memory_space<vmem>>
      %dma_wait3A_155 = tpu.memref_squeeze %dma_wait3A_154 : memref<1x40xi32, #tpu.memory_space<vmem>> -> memref<40xi32, #tpu.memory_space<vmem>>
      %dma_wait3A_156 = arith.constant 0 : i32
      %dma_wait3A_157 = arith.constant 0 : i32
      %dma_wait3A_158 = tpu.memref_slice %arg2[%dma_wait3A_156, %dma_wait3A_157] : memref<10000x128xf32, #tpu.memory_space<hbm>> -> memref<10000x128xf32, #tpu.memory_space<hbm>>
      tpu.wait_indirect_dma semaphore(%arg15 : memref<!tpu.dma_semaphore, #tpu.memory_space<semaphore_mem>>) src(%dma_wait3A_158 : memref<10000x128xf32, #tpu.memory_space<hbm>>) dst(%dma_wait3A_152 : memref<40x128xf32, #tpu.memory_space<vmem>>)
      %dma_start3A_159 = arith.constant 0 : i32
      %dma_start3A_160 = arith.constant 0 : i32
      %dma_start3A_161 = tpu.memref_slice %arg11[%dma_start3A_159, %dma_start3A_160] : memref<80x128xf32, #tpu.memory_space<vmem>> -> memref<40x128xf32, #tpu.memory_space<vmem>>
      %dma_start3A_162 = arith.constant 0 : i32
      %dma_start3A_163 = tpu.memref_slice %arg10[%add3A_149, %dma_start3A_162] : memref<125x80xi32, #tpu.memory_space<vmem>> -> memref<1x40xi32, #tpu.memory_space<vmem>>
      %dma_start3A_164 = tpu.memref_squeeze %dma_start3A_163 : memref<1x40xi32, #tpu.memory_space<vmem>> -> memref<40xi32, #tpu.memory_space<vmem>>
      %dma_start3A_165 = arith.constant 0 : i32
      %dma_start3A_166 = arith.constant 0 : i32
      %dma_start3A_167 = tpu.memref_slice %arg13[%dma_start3A_165, %dma_start3A_166] : memref<10240x128xf32, #tpu.memory_space<vmem_shared>> -> memref<10240x128xf32, #tpu.memory_space<vmem_shared>>
      tpu.enqueue_indirect_dma source(%dma_start3A_161 : memref<40x128xf32, #tpu.memory_space<vmem>>) target(%dma_start3A_167 : memref<10240x128xf32, #tpu.memory_space<vmem_shared>>) offsets(%dma_start3A_164 : memref<40xi32, #tpu.memory_space<vmem>>) semaphore(%arg17 : memref<!tpu.dma_semaphore, #tpu.memory_space<semaphore_mem>>) {add = true}
      %dma_wait3A_168 = arith.constant 40 : i32
      %dma_wait3A_169 = arith.constant 0 : i32
      %dma_wait3A_170 = tpu.memref_slice %arg11[%dma_wait3A_168, %dma_wait3A_169] : memref<80x128xf32, #tpu.memory_space<vmem>> -> memref<40x128xf32, #tpu.memory_space<vmem>>
      %dma_wait3A_171 = arith.constant 40 : i32
      %dma_wait3A_172 = tpu.memref_slice %arg9[%add3A_138, %dma_wait3A_171] : memref<125x80xi32, #tpu.memory_space<vmem>> -> memref<1x40xi32, #tpu.memory_space<vmem>>
      %dma_wait3A_173 = tpu.memref_squeeze %dma_wait3A_172 : memref<1x40xi32, #tpu.memory_space<vmem>> -> memref<40xi32, #tpu.memory_space<vmem>>
      %dma_wait3A_174 = arith.constant 0 : i32
      %dma_wait3A_175 = arith.constant 0 : i32
      %dma_wait3A_176 = tpu.memref_slice %arg2[%dma_wait3A_174, %dma_wait3A_175] : memref<10000x128xf32, #tpu.memory_space<hbm>> -> memref<10000x128xf32, #tpu.memory_space<hbm>>
      tpu.wait_indirect_dma semaphore(%arg16 : memref<!tpu.dma_semaphore, #tpu.memory_space<semaphore_mem>>) src(%dma_wait3A_176 : memref<10000x128xf32, #tpu.memory_space<hbm>>) dst(%dma_wait3A_170 : memref<40x128xf32, #tpu.memory_space<vmem>>)
      %dma_start3A_177 = arith.constant 40 : i32
      %dma_start3A_178 = arith.constant 0 : i32
      %dma_start3A_179 = tpu.memref_slice %arg11[%dma_start3A_177, %dma_start3A_178] : memref<80x128xf32, #tpu.memory_space<vmem>> -> memref<40x128xf32, #tpu.memory_space<vmem>>
      %dma_start3A_180 = arith.constant 40 : i32
      %dma_start3A_181 = tpu.memref_slice %arg10[%add3A_149, %dma_start3A_180] : memref<125x80xi32, #tpu.memory_space<vmem>> -> memref<1x40xi32, #tpu.memory_space<vmem>>
      %dma_start3A_182 = tpu.memref_squeeze %dma_start3A_181 : memref<1x40xi32, #tpu.memory_space<vmem>> -> memref<40xi32, #tpu.memory_space<vmem>>
      %dma_start3A_183 = arith.constant 0 : i32
      %dma_start3A_184 = arith.constant 0 : i32
      %dma_start3A_185 = tpu.memref_slice %arg13[%dma_start3A_183, %dma_start3A_184] : memref<10240x128xf32, #tpu.memory_space<vmem_shared>> -> memref<10240x128xf32, #tpu.memory_space<vmem_shared>>
      tpu.enqueue_indirect_dma source(%dma_start3A_179 : memref<40x128xf32, #tpu.memory_space<vmem>>) target(%dma_start3A_185 : memref<10240x128xf32, #tpu.memory_space<vmem_shared>>) offsets(%dma_start3A_182 : memref<40xi32, #tpu.memory_space<vmem>>) semaphore(%arg18 : memref<!tpu.dma_semaphore, #tpu.memory_space<semaphore_mem>>) {add = true}
      %dma_wait3A_186 = arith.constant 0 : i32
      %dma_wait3A_187 = tpu.memref_slice %arg10[%add3A_66, %dma_wait3A_186] : memref<125x80xi32, #tpu.memory_space<vmem>> -> memref<1x80xi32, #tpu.memory_space<vmem>>
      %dma_wait3A_188 = tpu.memref_squeeze %dma_wait3A_187 : memref<1x80xi32, #tpu.memory_space<vmem>> -> memref<80xi32, #tpu.memory_space<vmem>>
      %dma_wait3A_189 = arith.constant 0 : i32
      %dma_wait3A_190 = tpu.memref_slice %arg14[%dma_wait3A_189] : memref<10240xf32, #tpu.memory_space<vmem_shared>> -> memref<10240xf32, #tpu.memory_space<vmem_shared>>
      tpu.wait_indirect_dma semaphore(%arg19 : memref<!tpu.dma_semaphore, #tpu.memory_space<semaphore_mem>>) src(%arg12 : memref<80xf32, #tpu.memory_space<vmem>>) dst(%dma_wait3A_190 : memref<10240xf32, #tpu.memory_space<vmem_shared>>)
      %dma_start3A_191 = arith.constant 0 : i32
      %dma_start3A_192 = tpu.memref_slice %arg10[%add3A_149, %dma_start3A_191] : memref<125x80xi32, #tpu.memory_space<vmem>> -> memref<1x80xi32, #tpu.memory_space<vmem>>
      %dma_start3A_193 = tpu.memref_squeeze %dma_start3A_192 : memref<1x80xi32, #tpu.memory_space<vmem>> -> memref<80xi32, #tpu.memory_space<vmem>>
      %dma_start3A_194 = arith.constant 0 : i32
      %dma_start3A_195 = tpu.memref_slice %arg14[%dma_start3A_194] : memref<10240xf32, #tpu.memory_space<vmem_shared>> -> memref<10240xf32, #tpu.memory_space<vmem_shared>>
      tpu.enqueue_indirect_dma source(%arg12 : memref<80xf32, #tpu.memory_space<vmem>>) target(%dma_start3A_195 : memref<10240xf32, #tpu.memory_space<vmem_shared>>) offsets(%dma_start3A_193 : memref<80xi32, #tpu.memory_space<vmem>>) semaphore(%arg19 : memref<!tpu.dma_semaphore, #tpu.memory_space<semaphore_mem>>) {add = true}
      %dma_wait3A_196 = arith.constant 0 : i32
      %dma_wait3A_197 = arith.constant 0 : i32
      %dma_wait3A_198 = tpu.memref_slice %arg11[%dma_wait3A_196, %dma_wait3A_197] : memref<80x128xf32, #tpu.memory_space<vmem>> -> memref<40x128xf32, #tpu.memory_space<vmem>>
      %dma_wait3A_199 = arith.constant 0 : i32
      %dma_wait3A_200 = tpu.memref_slice %arg10[%add3A_149, %dma_wait3A_199] : memref<125x80xi32, #tpu.memory_space<vmem>> -> memref<1x40xi32, #tpu.memory_space<vmem>>
      %dma_wait3A_201 = tpu.memref_squeeze %dma_wait3A_200 : memref<1x40xi32, #tpu.memory_space<vmem>> -> memref<40xi32, #tpu.memory_space<vmem>>
      %dma_wait3A_202 = arith.constant 0 : i32
      %dma_wait3A_203 = arith.constant 0 : i32
      %dma_wait3A_204 = tpu.memref_slice %arg13[%dma_wait3A_202, %dma_wait3A_203] : memref<10240x128xf32, #tpu.memory_space<vmem_shared>> -> memref<10240x128xf32, #tpu.memory_space<vmem_shared>>
      tpu.wait_indirect_dma semaphore(%arg17 : memref<!tpu.dma_semaphore, #tpu.memory_space<semaphore_mem>>) src(%dma_wait3A_198 : memref<40x128xf32, #tpu.memory_space<vmem>>) dst(%dma_wait3A_204 : memref<10240x128xf32, #tpu.memory_space<vmem_shared>>)
      %add3A_205 = arith.constant 1 : i32
      %add3A_206 = arith.addi %add3A_149, %add3A_205 : i32
      %dma_start3A_207 = arith.constant 0 : i32
      %dma_start3A_208 = arith.constant 0 : i32
      %dma_start3A_209 = tpu.memref_slice %arg11[%dma_start3A_207, %dma_start3A_208] : memref<80x128xf32, #tpu.memory_space<vmem>> -> memref<40x128xf32, #tpu.memory_space<vmem>>
      %dma_start3A_210 = arith.constant 0 : i32
      %dma_start3A_211 = tpu.memref_slice %arg9[%add3A_206, %dma_start3A_210] : memref<125x80xi32, #tpu.memory_space<vmem>> -> memref<1x40xi32, #tpu.memory_space<vmem>>
      %dma_start3A_212 = tpu.memref_squeeze %dma_start3A_211 : memref<1x40xi32, #tpu.memory_space<vmem>> -> memref<40xi32, #tpu.memory_space<vmem>>
      %dma_start3A_213 = arith.constant 0 : i32
      %dma_start3A_214 = arith.constant 0 : i32
      %dma_start3A_215 = tpu.memref_slice %arg2[%dma_start3A_213, %dma_start3A_214] : memref<10000x128xf32, #tpu.memory_space<hbm>> -> memref<10000x128xf32, #tpu.memory_space<hbm>>
      tpu.enqueue_indirect_dma source(%dma_start3A_215 : memref<10000x128xf32, #tpu.memory_space<hbm>>) target(%dma_start3A_209 : memref<40x128xf32, #tpu.memory_space<vmem>>) offsets(%dma_start3A_212 : memref<40xi32, #tpu.memory_space<vmem>>) semaphore(%arg15 : memref<!tpu.dma_semaphore, #tpu.memory_space<semaphore_mem>>)
      %dma_wait3A_216 = arith.constant 40 : i32
      %dma_wait3A_217 = arith.constant 0 : i32
      %dma_wait3A_218 = tpu.memref_slice %arg11[%dma_wait3A_216, %dma_wait3A_217] : memref<80x128xf32, #tpu.memory_space<vmem>> -> memref<40x128xf32, #tpu.memory_space<vmem>>
      %dma_wait3A_219 = arith.constant 40 : i32
      %dma_wait3A_220 = tpu.memref_slice %arg10[%add3A_149, %dma_wait3A_219] : memref<125x80xi32, #tpu.memory_space<vmem>> -> memref<1x40xi32, #tpu.memory_space<vmem>>
      %dma_wait3A_221 = tpu.memref_squeeze %dma_wait3A_220 : memref<1x40xi32, #tpu.memory_space<vmem>> -> memref<40xi32, #tpu.memory_space<vmem>>
      %dma_wait3A_222 = arith.constant 0 : i32
      %dma_wait3A_223 = arith.constant 0 : i32
      %dma_wait3A_224 = tpu.memref_slice %arg13[%dma_wait3A_222, %dma_wait3A_223] : memref<10240x128xf32, #tpu.memory_space<vmem_shared>> -> memref<10240x128xf32, #tpu.memory_space<vmem_shared>>
      tpu.wait_indirect_dma semaphore(%arg18 : memref<!tpu.dma_semaphore, #tpu.memory_space<semaphore_mem>>) src(%dma_wait3A_218 : memref<40x128xf32, #tpu.memory_space<vmem>>) dst(%dma_wait3A_224 : memref<10240x128xf32, #tpu.memory_space<vmem_shared>>)
      %add3A_225 = arith.constant 1 : i32
      %add3A_226 = arith.addi %add3A_149, %add3A_225 : i32
      %dma_start3A_227 = arith.constant 40 : i32
      %dma_start3A_228 = arith.constant 0 : i32
      %dma_start3A_229 = tpu.memref_slice %arg11[%dma_start3A_227, %dma_start3A_228] : memref<80x128xf32, #tpu.memory_space<vmem>> -> memref<40x128xf32, #tpu.memory_space<vmem>>
      %dma_start3A_230 = arith.constant 40 : i32
      %dma_start3A_231 = tpu.memref_slice %arg9[%add3A_226, %dma_start3A_230] : memref<125x80xi32, #tpu.memory_space<vmem>> -> memref<1x40xi32, #tpu.memory_space<vmem>>
      %dma_start3A_232 = tpu.memref_squeeze %dma_start3A_231 : memref<1x40xi32, #tpu.memory_space<vmem>> -> memref<40xi32, #tpu.memory_space<vmem>>
      %dma_start3A_233 = arith.constant 0 : i32
      %dma_start3A_234 = arith.constant 0 : i32
      %dma_start3A_235 = tpu.memref_slice %arg2[%dma_start3A_233, %dma_start3A_234] : memref<10000x128xf32, #tpu.memory_space<hbm>> -> memref<10000x128xf32, #tpu.memory_space<hbm>>
      tpu.enqueue_indirect_dma source(%dma_start3A_235 : memref<10000x128xf32, #tpu.memory_space<hbm>>) target(%dma_start3A_229 : memref<40x128xf32, #tpu.memory_space<vmem>>) offsets(%dma_start3A_232 : memref<40xi32, #tpu.memory_space<vmem>>) semaphore(%arg16 : memref<!tpu.dma_semaphore, #tpu.memory_space<semaphore_mem>>)
      %add3A_236 = arith.constant 2 : i32
      %add3A_237 = arith.addi %mul3A_46, %add3A_236 : i32
      %dma_wait3A_238 = arith.constant 0 : i32
      %dma_wait3A_239 = arith.constant 0 : i32
      %dma_wait3A_240 = tpu.memref_slice %arg11[%dma_wait3A_238, %dma_wait3A_239] : memref<80x128xf32, #tpu.memory_space<vmem>> -> memref<40x128xf32, #tpu.memory_space<vmem>>
      %dma_wait3A_241 = arith.constant 0 : i32
      %dma_wait3A_242 = tpu.memref_slice %arg9[%add3A_206, %dma_wait3A_241] : memref<125x80xi32, #tpu.memory_space<vmem>> -> memref<1x40xi32, #tpu.memory_space<vmem>>
      %dma_wait3A_243 = tpu.memref_squeeze %dma_wait3A_242 : memref<1x40xi32, #tpu.memory_space<vmem>> -> memref<40xi32, #tpu.memory_space<vmem>>
      %dma_wait3A_244 = arith.constant 0 : i32
      %dma_wait3A_245 = arith.constant 0 : i32
      %dma_wait3A_246 = tpu.memref_slice %arg2[%dma_wait3A_244, %dma_wait3A_245] : memref<10000x128xf32, #tpu.memory_space<hbm>> -> memref<10000x128xf32, #tpu.memory_space<hbm>>
      tpu.wait_indirect_dma semaphore(%arg15 : memref<!tpu.dma_semaphore, #tpu.memory_space<semaphore_mem>>) src(%dma_wait3A_246 : memref<10000x128xf32, #tpu.memory_space<hbm>>) dst(%dma_wait3A_240 : memref<40x128xf32, #tpu.memory_space<vmem>>)
      %dma_start3A_247 = arith.constant 0 : i32
      %dma_start3A_248 = arith.constant 0 : i32
      %dma_start3A_249 = tpu.memref_slice %arg11[%dma_start3A_247, %dma_start3A_248] : memref<80x128xf32, #tpu.memory_space<vmem>> -> memref<40x128xf32, #tpu.memory_space<vmem>>
      %dma_start3A_250 = arith.constant 0 : i32
      %dma_start3A_251 = tpu.memref_slice %arg10[%add3A_237, %dma_start3A_250] : memref<125x80xi32, #tpu.memory_space<vmem>> -> memref<1x40xi32, #tpu.memory_space<vmem>>
      %dma_start3A_252 = tpu.memref_squeeze %dma_start3A_251 : memref<1x40xi32, #tpu.memory_space<vmem>> -> memref<40xi32, #tpu.memory_space<vmem>>
      %dma_start3A_253 = arith.constant 0 : i32
      %dma_start3A_254 = arith.constant 0 : i32
      %dma_start3A_255 = tpu.memref_slice %arg13[%dma_start3A_253, %dma_start3A_254] : memref<10240x128xf32, #tpu.memory_space<vmem_shared>> -> memref<10240x128xf32, #tpu.memory_space<vmem_shared>>
      tpu.enqueue_indirect_dma source(%dma_start3A_249 : memref<40x128xf32, #tpu.memory_space<vmem>>) target(%dma_start3A_255 : memref<10240x128xf32, #tpu.memory_space<vmem_shared>>) offsets(%dma_start3A_252 : memref<40xi32, #tpu.memory_space<vmem>>) semaphore(%arg17 : memref<!tpu.dma_semaphore, #tpu.memory_space<semaphore_mem>>) {add = true}
      %dma_wait3A_256 = arith.constant 40 : i32
      %dma_wait3A_257 = arith.constant 0 : i32
      %dma_wait3A_258 = tpu.memref_slice %arg11[%dma_wait3A_256, %dma_wait3A_257] : memref<80x128xf32, #tpu.memory_space<vmem>> -> memref<40x128xf32, #tpu.memory_space<vmem>>
      %dma_wait3A_259 = arith.constant 40 : i32
      %dma_wait3A_260 = tpu.memref_slice %arg9[%add3A_226, %dma_wait3A_259] : memref<125x80xi32, #tpu.memory_space<vmem>> -> memref<1x40xi32, #tpu.memory_space<vmem>>
      %dma_wait3A_261 = tpu.memref_squeeze %dma_wait3A_260 : memref<1x40xi32, #tpu.memory_space<vmem>> -> memref<40xi32, #tpu.memory_space<vmem>>
      %dma_wait3A_262 = arith.constant 0 : i32
      %dma_wait3A_263 = arith.constant 0 : i32
      %dma_wait3A_264 = tpu.memref_slice %arg2[%dma_wait3A_262, %dma_wait3A_263] : memref<10000x128xf32, #tpu.memory_space<hbm>> -> memref<10000x128xf32, #tpu.memory_space<hbm>>
      tpu.wait_indirect_dma semaphore(%arg16 : memref<!tpu.dma_semaphore, #tpu.memory_space<semaphore_mem>>) src(%dma_wait3A_264 : memref<10000x128xf32, #tpu.memory_space<hbm>>) dst(%dma_wait3A_258 : memref<40x128xf32, #tpu.memory_space<vmem>>)
      %dma_start3A_265 = arith.constant 40 : i32
      %dma_start3A_266 = arith.constant 0 : i32
      %dma_start3A_267 = tpu.memref_slice %arg11[%dma_start3A_265, %dma_start3A_266] : memref<80x128xf32, #tpu.memory_space<vmem>> -> memref<40x128xf32, #tpu.memory_space<vmem>>
      %dma_start3A_268 = arith.constant 40 : i32
      %dma_start3A_269 = tpu.memref_slice %arg10[%add3A_237, %dma_start3A_268] : memref<125x80xi32, #tpu.memory_space<vmem>> -> memref<1x40xi32, #tpu.memory_space<vmem>>
      %dma_start3A_270 = tpu.memref_squeeze %dma_start3A_269 : memref<1x40xi32, #tpu.memory_space<vmem>> -> memref<40xi32, #tpu.memory_space<vmem>>
      %dma_start3A_271 = arith.constant 0 : i32
      %dma_start3A_272 = arith.constant 0 : i32
      %dma_start3A_273 = tpu.memref_slice %arg13[%dma_start3A_271, %dma_start3A_272] : memref<10240x128xf32, #tpu.memory_space<vmem_shared>> -> memref<10240x128xf32, #tpu.memory_space<vmem_shared>>
      tpu.enqueue_indirect_dma source(%dma_start3A_267 : memref<40x128xf32, #tpu.memory_space<vmem>>) target(%dma_start3A_273 : memref<10240x128xf32, #tpu.memory_space<vmem_shared>>) offsets(%dma_start3A_270 : memref<40xi32, #tpu.memory_space<vmem>>) semaphore(%arg18 : memref<!tpu.dma_semaphore, #tpu.memory_space<semaphore_mem>>) {add = true}
      %dma_wait3A_274 = arith.constant 0 : i32
      %dma_wait3A_275 = tpu.memref_slice %arg10[%add3A_149, %dma_wait3A_274] : memref<125x80xi32, #tpu.memory_space<vmem>> -> memref<1x80xi32, #tpu.memory_space<vmem>>
      %dma_wait3A_276 = tpu.memref_squeeze %dma_wait3A_275 : memref<1x80xi32, #tpu.memory_space<vmem>> -> memref<80xi32, #tpu.memory_space<vmem>>
      %dma_wait3A_277 = arith.constant 0 : i32
      %dma_wait3A_278 = tpu.memref_slice %arg14[%dma_wait3A_277] : memref<10240xf32, #tpu.memory_space<vmem_shared>> -> memref<10240xf32, #tpu.memory_space<vmem_shared>>
      tpu.wait_indirect_dma semaphore(%arg19 : memref<!tpu.dma_semaphore, #tpu.memory_space<semaphore_mem>>) src(%arg12 : memref<80xf32, #tpu.memory_space<vmem>>) dst(%dma_wait3A_278 : memref<10240xf32, #tpu.memory_space<vmem_shared>>)
      %dma_start3A_279 = arith.constant 0 : i32
      %dma_start3A_280 = tpu.memref_slice %arg10[%add3A_237, %dma_start3A_279] : memref<125x80xi32, #tpu.memory_space<vmem>> -> memref<1x80xi32, #tpu.memory_space<vmem>>
      %dma_start3A_281 = tpu.memref_squeeze %dma_start3A_280 : memref<1x80xi32, #tpu.memory_space<vmem>> -> memref<80xi32, #tpu.memory_space<vmem>>
      %dma_start3A_282 = arith.constant 0 : i32
      %dma_start3A_283 = tpu.memref_slice %arg14[%dma_start3A_282] : memref<10240xf32, #tpu.memory_space<vmem_shared>> -> memref<10240xf32, #tpu.memory_space<vmem_shared>>
      tpu.enqueue_indirect_dma source(%arg12 : memref<80xf32, #tpu.memory_space<vmem>>) target(%dma_start3A_283 : memref<10240xf32, #tpu.memory_space<vmem_shared>>) offsets(%dma_start3A_281 : memref<80xi32, #tpu.memory_space<vmem>>) semaphore(%arg19 : memref<!tpu.dma_semaphore, #tpu.memory_space<semaphore_mem>>) {add = true}
      %dma_wait3A_284 = arith.constant 0 : i32
      %dma_wait3A_285 = arith.constant 0 : i32
      %dma_wait3A_286 = tpu.memref_slice %arg11[%dma_wait3A_284, %dma_wait3A_285] : memref<80x128xf32, #tpu.memory_space<vmem>> -> memref<40x128xf32, #tpu.memory_space<vmem>>
      %dma_wait3A_287 = arith.constant 0 : i32
      %dma_wait3A_288 = tpu.memref_slice %arg10[%add3A_237, %dma_wait3A_287] : memref<125x80xi32, #tpu.memory_space<vmem>> -> memref<1x40xi32, #tpu.memory_space<vmem>>
      %dma_wait3A_289 = tpu.memref_squeeze %dma_wait3A_288 : memref<1x40xi32, #tpu.memory_space<vmem>> -> memref<40xi32, #tpu.memory_space<vmem>>
      %dma_wait3A_290 = arith.constant 0 : i32
      %dma_wait3A_291 = arith.constant 0 : i32
      %dma_wait3A_292 = tpu.memref_slice %arg13[%dma_wait3A_290, %dma_wait3A_291] : memref<10240x128xf32, #tpu.memory_space<vmem_shared>> -> memref<10240x128xf32, #tpu.memory_space<vmem_shared>>
      tpu.wait_indirect_dma semaphore(%arg17 : memref<!tpu.dma_semaphore, #tpu.memory_space<semaphore_mem>>) src(%dma_wait3A_286 : memref<40x128xf32, #tpu.memory_space<vmem>>) dst(%dma_wait3A_292 : memref<10240x128xf32, #tpu.memory_space<vmem_shared>>)
      %add3A_293 = arith.constant 1 : i32
      %add3A_294 = arith.addi %add3A_237, %add3A_293 : i32
      %dma_start3A_295 = arith.constant 0 : i32
      %dma_start3A_296 = arith.constant 0 : i32
      %dma_start3A_297 = tpu.memref_slice %arg11[%dma_start3A_295, %dma_start3A_296] : memref<80x128xf32, #tpu.memory_space<vmem>> -> memref<40x128xf32, #tpu.memory_space<vmem>>
      %dma_start3A_298 = arith.constant 0 : i32
      %dma_start3A_299 = tpu.memref_slice %arg9[%add3A_294, %dma_start3A_298] : memref<125x80xi32, #tpu.memory_space<vmem>> -> memref<1x40xi32, #tpu.memory_space<vmem>>
      %dma_start3A_300 = tpu.memref_squeeze %dma_start3A_299 : memref<1x40xi32, #tpu.memory_space<vmem>> -> memref<40xi32, #tpu.memory_space<vmem>>
      %dma_start3A_301 = arith.constant 0 : i32
      %dma_start3A_302 = arith.constant 0 : i32
      %dma_start3A_303 = tpu.memref_slice %arg2[%dma_start3A_301, %dma_start3A_302] : memref<10000x128xf32, #tpu.memory_space<hbm>> -> memref<10000x128xf32, #tpu.memory_space<hbm>>
      tpu.enqueue_indirect_dma source(%dma_start3A_303 : memref<10000x128xf32, #tpu.memory_space<hbm>>) target(%dma_start3A_297 : memref<40x128xf32, #tpu.memory_space<vmem>>) offsets(%dma_start3A_300 : memref<40xi32, #tpu.memory_space<vmem>>) semaphore(%arg15 : memref<!tpu.dma_semaphore, #tpu.memory_space<semaphore_mem>>)
      %dma_wait3A_304 = arith.constant 40 : i32
      %dma_wait3A_305 = arith.constant 0 : i32
      %dma_wait3A_306 = tpu.memref_slice %arg11[%dma_wait3A_304, %dma_wait3A_305] : memref<80x128xf32, #tpu.memory_space<vmem>> -> memref<40x128xf32, #tpu.memory_space<vmem>>
      %dma_wait3A_307 = arith.constant 40 : i32
      %dma_wait3A_308 = tpu.memref_slice %arg10[%add3A_237, %dma_wait3A_307] : memref<125x80xi32, #tpu.memory_space<vmem>> -> memref<1x40xi32, #tpu.memory_space<vmem>>
      %dma_wait3A_309 = tpu.memref_squeeze %dma_wait3A_308 : memref<1x40xi32, #tpu.memory_space<vmem>> -> memref<40xi32, #tpu.memory_space<vmem>>
      %dma_wait3A_310 = arith.constant 0 : i32
      %dma_wait3A_311 = arith.constant 0 : i32
      %dma_wait3A_312 = tpu.memref_slice %arg13[%dma_wait3A_310, %dma_wait3A_311] : memref<10240x128xf32, #tpu.memory_space<vmem_shared>> -> memref<10240x128xf32, #tpu.memory_space<vmem_shared>>
      tpu.wait_indirect_dma semaphore(%arg18 : memref<!tpu.dma_semaphore, #tpu.memory_space<semaphore_mem>>) src(%dma_wait3A_306 : memref<40x128xf32, #tpu.memory_space<vmem>>) dst(%dma_wait3A_312 : memref<10240x128xf32, #tpu.memory_space<vmem_shared>>)
      %add3A_313 = arith.constant 1 : i32
      %add3A_314 = arith.addi %add3A_237, %add3A_313 : i32
      %dma_start3A_315 = arith.constant 40 : i32
      %dma_start3A_316 = arith.constant 0 : i32
      %dma_start3A_317 = tpu.memref_slice %arg11[%dma_start3A_315, %dma_start3A_316] : memref<80x128xf32, #tpu.memory_space<vmem>> -> memref<40x128xf32, #tpu.memory_space<vmem>>
      %dma_start3A_318 = arith.constant 40 : i32
      %dma_start3A_319 = tpu.memref_slice %arg9[%add3A_314, %dma_start3A_318] : memref<125x80xi32, #tpu.memory_space<vmem>> -> memref<1x40xi32, #tpu.memory_space<vmem>>
      %dma_start3A_320 = tpu.memref_squeeze %dma_start3A_319 : memref<1x40xi32, #tpu.memory_space<vmem>> -> memref<40xi32, #tpu.memory_space<vmem>>
      %dma_start3A_321 = arith.constant 0 : i32
      %dma_start3A_322 = arith.constant 0 : i32
      %dma_start3A_323 = tpu.memref_slice %arg2[%dma_start3A_321, %dma_start3A_322] : memref<10000x128xf32, #tpu.memory_space<hbm>> -> memref<10000x128xf32, #tpu.memory_space<hbm>>
      tpu.enqueue_indirect_dma source(%dma_start3A_323 : memref<10000x128xf32, #tpu.memory_space<hbm>>) target(%dma_start3A_317 : memref<40x128xf32, #tpu.memory_space<vmem>>) offsets(%dma_start3A_320 : memref<40xi32, #tpu.memory_space<vmem>>) semaphore(%arg16 : memref<!tpu.dma_semaphore, #tpu.memory_space<semaphore_mem>>)
      %add3A_324 = arith.constant 3 : i32
      %add3A_325 = arith.addi %mul3A_46, %add3A_324 : i32
      %dma_wait3A_326 = arith.constant 0 : i32
      %dma_wait3A_327 = arith.constant 0 : i32
      %dma_wait3A_328 = tpu.memref_slice %arg11[%dma_wait3A_326, %dma_wait3A_327] : memref<80x128xf32, #tpu.memory_space<vmem>> -> memref<40x128xf32, #tpu.memory_space<vmem>>
      %dma_wait3A_329 = arith.constant 0 : i32
      %dma_wait3A_330 = tpu.memref_slice %arg9[%add3A_294, %dma_wait3A_329] : memref<125x80xi32, #tpu.memory_space<vmem>> -> memref<1x40xi32, #tpu.memory_space<vmem>>
      %dma_wait3A_331 = tpu.memref_squeeze %dma_wait3A_330 : memref<1x40xi32, #tpu.memory_space<vmem>> -> memref<40xi32, #tpu.memory_space<vmem>>
      %dma_wait3A_332 = arith.constant 0 : i32
      %dma_wait3A_333 = arith.constant 0 : i32
      %dma_wait3A_334 = tpu.memref_slice %arg2[%dma_wait3A_332, %dma_wait3A_333] : memref<10000x128xf32, #tpu.memory_space<hbm>> -> memref<10000x128xf32, #tpu.memory_space<hbm>>
      tpu.wait_indirect_dma semaphore(%arg15 : memref<!tpu.dma_semaphore, #tpu.memory_space<semaphore_mem>>) src(%dma_wait3A_334 : memref<10000x128xf32, #tpu.memory_space<hbm>>) dst(%dma_wait3A_328 : memref<40x128xf32, #tpu.memory_space<vmem>>)
      %dma_start3A_335 = arith.constant 0 : i32
      %dma_start3A_336 = arith.constant 0 : i32
      %dma_start3A_337 = tpu.memref_slice %arg11[%dma_start3A_335, %dma_start3A_336] : memref<80x128xf32, #tpu.memory_space<vmem>> -> memref<40x128xf32, #tpu.memory_space<vmem>>
      %dma_start3A_338 = arith.constant 0 : i32
      %dma_start3A_339 = tpu.memref_slice %arg10[%add3A_325, %dma_start3A_338] : memref<125x80xi32, #tpu.memory_space<vmem>> -> memref<1x40xi32, #tpu.memory_space<vmem>>
      %dma_start3A_340 = tpu.memref_squeeze %dma_start3A_339 : memref<1x40xi32, #tpu.memory_space<vmem>> -> memref<40xi32, #tpu.memory_space<vmem>>
      %dma_start3A_341 = arith.constant 0 : i32
      %dma_start3A_342 = arith.constant 0 : i32
      %dma_start3A_343 = tpu.memref_slice %arg13[%dma_start3A_341, %dma_start3A_342] : memref<10240x128xf32, #tpu.memory_space<vmem_shared>> -> memref<10240x128xf32, #tpu.memory_space<vmem_shared>>
      tpu.enqueue_indirect_dma source(%dma_start3A_337 : memref<40x128xf32, #tpu.memory_space<vmem>>) target(%dma_start3A_343 : memref<10240x128xf32, #tpu.memory_space<vmem_shared>>) offsets(%dma_start3A_340 : memref<40xi32, #tpu.memory_space<vmem>>) semaphore(%arg17 : memref<!tpu.dma_semaphore, #tpu.memory_space<semaphore_mem>>) {add = true}
      %dma_wait3A_344 = arith.constant 40 : i32
      %dma_wait3A_345 = arith.constant 0 : i32
      %dma_wait3A_346 = tpu.memref_slice %arg11[%dma_wait3A_344, %dma_wait3A_345] : memref<80x128xf32, #tpu.memory_space<vmem>> -> memref<40x128xf32, #tpu.memory_space<vmem>>
      %dma_wait3A_347 = arith.constant 40 : i32
      %dma_wait3A_348 = tpu.memref_slice %arg9[%add3A_314, %dma_wait3A_347] : memref<125x80xi32, #tpu.memory_space<vmem>> -> memref<1x40xi32, #tpu.memory_space<vmem>>
      %dma_wait3A_349 = tpu.memref_squeeze %dma_wait3A_348 : memref<1x40xi32, #tpu.memory_space<vmem>> -> memref<40xi32, #tpu.memory_space<vmem>>
      %dma_wait3A_350 = arith.constant 0 : i32
      %dma_wait3A_351 = arith.constant 0 : i32
      %dma_wait3A_352 = tpu.memref_slice %arg2[%dma_wait3A_350, %dma_wait3A_351] : memref<10000x128xf32, #tpu.memory_space<hbm>> -> memref<10000x128xf32, #tpu.memory_space<hbm>>
      tpu.wait_indirect_dma semaphore(%arg16 : memref<!tpu.dma_semaphore, #tpu.memory_space<semaphore_mem>>) src(%dma_wait3A_352 : memref<10000x128xf32, #tpu.memory_space<hbm>>) dst(%dma_wait3A_346 : memref<40x128xf32, #tpu.memory_space<vmem>>)
      %dma_start3A_353 = arith.constant 40 : i32
      %dma_start3A_354 = arith.constant 0 : i32
      %dma_start3A_355 = tpu.memref_slice %arg11[%dma_start3A_353, %dma_start3A_354] : memref<80x128xf32, #tpu.memory_space<vmem>> -> memref<40x128xf32, #tpu.memory_space<vmem>>
      %dma_start3A_356 = arith.constant 40 : i32
      %dma_start3A_357 = tpu.memref_slice %arg10[%add3A_325, %dma_start3A_356] : memref<125x80xi32, #tpu.memory_space<vmem>> -> memref<1x40xi32, #tpu.memory_space<vmem>>
      %dma_start3A_358 = tpu.memref_squeeze %dma_start3A_357 : memref<1x40xi32, #tpu.memory_space<vmem>> -> memref<40xi32, #tpu.memory_space<vmem>>
      %dma_start3A_359 = arith.constant 0 : i32
      %dma_start3A_360 = arith.constant 0 : i32
      %dma_start3A_361 = tpu.memref_slice %arg13[%dma_start3A_359, %dma_start3A_360] : memref<10240x128xf32, #tpu.memory_space<vmem_shared>> -> memref<10240x128xf32, #tpu.memory_space<vmem_shared>>
      tpu.enqueue_indirect_dma source(%dma_start3A_355 : memref<40x128xf32, #tpu.memory_space<vmem>>) target(%dma_start3A_361 : memref<10240x128xf32, #tpu.memory_space<vmem_shared>>) offsets(%dma_start3A_358 : memref<40xi32, #tpu.memory_space<vmem>>) semaphore(%arg18 : memref<!tpu.dma_semaphore, #tpu.memory_space<semaphore_mem>>) {add = true}
      %dma_wait3A_362 = arith.constant 0 : i32
      %dma_wait3A_363 = tpu.memref_slice %arg10[%add3A_237, %dma_wait3A_362] : memref<125x80xi32, #tpu.memory_space<vmem>> -> memref<1x80xi32, #tpu.memory_space<vmem>>
      %dma_wait3A_364 = tpu.memref_squeeze %dma_wait3A_363 : memref<1x80xi32, #tpu.memory_space<vmem>> -> memref<80xi32, #tpu.memory_space<vmem>>
      %dma_wait3A_365 = arith.constant 0 : i32
      %dma_wait3A_366 = tpu.memref_slice %arg14[%dma_wait3A_365] : memref<10240xf32, #tpu.memory_space<vmem_shared>> -> memref<10240xf32, #tpu.memory_space<vmem_shared>>
      tpu.wait_indirect_dma semaphore(%arg19 : memref<!tpu.dma_semaphore, #tpu.memory_space<semaphore_mem>>) src(%arg12 : memref<80xf32, #tpu.memory_space<vmem>>) dst(%dma_wait3A_366 : memref<10240xf32, #tpu.memory_space<vmem_shared>>)
      %dma_start3A_367 = arith.constant 0 : i32
      %dma_start3A_368 = tpu.memref_slice %arg10[%add3A_325, %dma_start3A_367] : memref<125x80xi32, #tpu.memory_space<vmem>> -> memref<1x80xi32, #tpu.memory_space<vmem>>
      %dma_start3A_369 = tpu.memref_squeeze %dma_start3A_368 : memref<1x80xi32, #tpu.memory_space<vmem>> -> memref<80xi32, #tpu.memory_space<vmem>>
      %dma_start3A_370 = arith.constant 0 : i32
      %dma_start3A_371 = tpu.memref_slice %arg14[%dma_start3A_370] : memref<10240xf32, #tpu.memory_space<vmem_shared>> -> memref<10240xf32, #tpu.memory_space<vmem_shared>>
      tpu.enqueue_indirect_dma source(%arg12 : memref<80xf32, #tpu.memory_space<vmem>>) target(%dma_start3A_371 : memref<10240xf32, #tpu.memory_space<vmem_shared>>) offsets(%dma_start3A_369 : memref<80xi32, #tpu.memory_space<vmem>>) semaphore(%arg19 : memref<!tpu.dma_semaphore, #tpu.memory_space<semaphore_mem>>) {add = true}
      %dma_wait3A_372 = arith.constant 0 : i32
      %dma_wait3A_373 = arith.constant 0 : i32
      %dma_wait3A_374 = tpu.memref_slice %arg11[%dma_wait3A_372, %dma_wait3A_373] : memref<80x128xf32, #tpu.memory_space<vmem>> -> memref<40x128xf32, #tpu.memory_space<vmem>>
      %dma_wait3A_375 = arith.constant 0 : i32
      %dma_wait3A_376 = tpu.memref_slice %arg10[%add3A_325, %dma_wait3A_375] : memref<125x80xi32, #tpu.memory_space<vmem>> -> memref<1x40xi32, #tpu.memory_space<vmem>>
      %dma_wait3A_377 = tpu.memref_squeeze %dma_wait3A_376 : memref<1x40xi32, #tpu.memory_space<vmem>> -> memref<40xi32, #tpu.memory_space<vmem>>
      %dma_wait3A_378 = arith.constant 0 : i32
      %dma_wait3A_379 = arith.constant 0 : i32
      %dma_wait3A_380 = tpu.memref_slice %arg13[%dma_wait3A_378, %dma_wait3A_379] : memref<10240x128xf32, #tpu.memory_space<vmem_shared>> -> memref<10240x128xf32, #tpu.memory_space<vmem_shared>>
      tpu.wait_indirect_dma semaphore(%arg17 : memref<!tpu.dma_semaphore, #tpu.memory_space<semaphore_mem>>) src(%dma_wait3A_374 : memref<40x128xf32, #tpu.memory_space<vmem>>) dst(%dma_wait3A_380 : memref<10240x128xf32, #tpu.memory_space<vmem_shared>>)
      %add3A_381 = arith.constant 1 : i32
      %add3A_382 = arith.addi %add3A_325, %add3A_381 : i32
      %dma_start3A_383 = arith.constant 0 : i32
      %dma_start3A_384 = arith.constant 0 : i32
      %dma_start3A_385 = tpu.memref_slice %arg11[%dma_start3A_383, %dma_start3A_384] : memref<80x128xf32, #tpu.memory_space<vmem>> -> memref<40x128xf32, #tpu.memory_space<vmem>>
      %dma_start3A_386 = arith.constant 0 : i32
      %dma_start3A_387 = tpu.memref_slice %arg9[%add3A_382, %dma_start3A_386] : memref<125x80xi32, #tpu.memory_space<vmem>> -> memref<1x40xi32, #tpu.memory_space<vmem>>
      %dma_start3A_388 = tpu.memref_squeeze %dma_start3A_387 : memref<1x40xi32, #tpu.memory_space<vmem>> -> memref<40xi32, #tpu.memory_space<vmem>>
      %dma_start3A_389 = arith.constant 0 : i32
      %dma_start3A_390 = arith.constant 0 : i32
      %dma_start3A_391 = tpu.memref_slice %arg2[%dma_start3A_389, %dma_start3A_390] : memref<10000x128xf32, #tpu.memory_space<hbm>> -> memref<10000x128xf32, #tpu.memory_space<hbm>>
      tpu.enqueue_indirect_dma source(%dma_start3A_391 : memref<10000x128xf32, #tpu.memory_space<hbm>>) target(%dma_start3A_385 : memref<40x128xf32, #tpu.memory_space<vmem>>) offsets(%dma_start3A_388 : memref<40xi32, #tpu.memory_space<vmem>>) semaphore(%arg15 : memref<!tpu.dma_semaphore, #tpu.memory_space<semaphore_mem>>)
      %dma_wait3A_392 = arith.constant 40 : i32
      %dma_wait3A_393 = arith.constant 0 : i32
      %dma_wait3A_394 = tpu.memref_slice %arg11[%dma_wait3A_392, %dma_wait3A_393] : memref<80x128xf32, #tpu.memory_space<vmem>> -> memref<40x128xf32, #tpu.memory_space<vmem>>
      %dma_wait3A_395 = arith.constant 40 : i32
      %dma_wait3A_396 = tpu.memref_slice %arg10[%add3A_325, %dma_wait3A_395] : memref<125x80xi32, #tpu.memory_space<vmem>> -> memref<1x40xi32, #tpu.memory_space<vmem>>
      %dma_wait3A_397 = tpu.memref_squeeze %dma_wait3A_396 : memref<1x40xi32, #tpu.memory_space<vmem>> -> memref<40xi32, #tpu.memory_space<vmem>>
      %dma_wait3A_398 = arith.constant 0 : i32
      %dma_wait3A_399 = arith.constant 0 : i32
      %dma_wait3A_400 = tpu.memref_slice %arg13[%dma_wait3A_398, %dma_wait3A_399] : memref<10240x128xf32, #tpu.memory_space<vmem_shared>> -> memref<10240x128xf32, #tpu.memory_space<vmem_shared>>
      tpu.wait_indirect_dma semaphore(%arg18 : memref<!tpu.dma_semaphore, #tpu.memory_space<semaphore_mem>>) src(%dma_wait3A_394 : memref<40x128xf32, #tpu.memory_space<vmem>>) dst(%dma_wait3A_400 : memref<10240x128xf32, #tpu.memory_space<vmem_shared>>)
      %add3A_401 = arith.constant 1 : i32
      %add3A_402 = arith.addi %add3A_325, %add3A_401 : i32
      %dma_start3A_403 = arith.constant 40 : i32
      %dma_start3A_404 = arith.constant 0 : i32
      %dma_start3A_405 = tpu.memref_slice %arg11[%dma_start3A_403, %dma_start3A_404] : memref<80x128xf32, #tpu.memory_space<vmem>> -> memref<40x128xf32, #tpu.memory_space<vmem>>
      %dma_start3A_406 = arith.constant 40 : i32
      %dma_start3A_407 = tpu.memref_slice %arg9[%add3A_402, %dma_start3A_406] : memref<125x80xi32, #tpu.memory_space<vmem>> -> memref<1x40xi32, #tpu.memory_space<vmem>>
      %dma_start3A_408 = tpu.memref_squeeze %dma_start3A_407 : memref<1x40xi32, #tpu.memory_space<vmem>> -> memref<40xi32, #tpu.memory_space<vmem>>
      %dma_start3A_409 = arith.constant 0 : i32
      %dma_start3A_410 = arith.constant 0 : i32
      %dma_start3A_411 = tpu.memref_slice %arg2[%dma_start3A_409, %dma_start3A_410] : memref<10000x128xf32, #tpu.memory_space<hbm>> -> memref<10000x128xf32, #tpu.memory_space<hbm>>
      tpu.enqueue_indirect_dma source(%dma_start3A_411 : memref<10000x128xf32, #tpu.memory_space<hbm>>) target(%dma_start3A_405 : memref<40x128xf32, #tpu.memory_space<vmem>>) offsets(%dma_start3A_408 : memref<40xi32, #tpu.memory_space<vmem>>) semaphore(%arg16 : memref<!tpu.dma_semaphore, #tpu.memory_space<semaphore_mem>>)
      %add3A_412 = arith.constant 4 : i32
      %add3A_413 = arith.addi %mul3A_46, %add3A_412 : i32
      %dma_wait3A_414 = arith.constant 0 : i32
      %dma_wait3A_415 = arith.constant 0 : i32
      %dma_wait3A_416 = tpu.memref_slice %arg11[%dma_wait3A_414, %dma_wait3A_415] : memref<80x128xf32, #tpu.memory_space<vmem>> -> memref<40x128xf32, #tpu.memory_space<vmem>>
      %dma_wait3A_417 = arith.constant 0 : i32
      %dma_wait3A_418 = tpu.memref_slice %arg9[%add3A_382, %dma_wait3A_417] : memref<125x80xi32, #tpu.memory_space<vmem>> -> memref<1x40xi32, #tpu.memory_space<vmem>>
      %dma_wait3A_419 = tpu.memref_squeeze %dma_wait3A_418 : memref<1x40xi32, #tpu.memory_space<vmem>> -> memref<40xi32, #tpu.memory_space<vmem>>
      %dma_wait3A_420 = arith.constant 0 : i32
      %dma_wait3A_421 = arith.constant 0 : i32
      %dma_wait3A_422 = tpu.memref_slice %arg2[%dma_wait3A_420, %dma_wait3A_421] : memref<10000x128xf32, #tpu.memory_space<hbm>> -> memref<10000x128xf32, #tpu.memory_space<hbm>>
      tpu.wait_indirect_dma semaphore(%arg15 : memref<!tpu.dma_semaphore, #tpu.memory_space<semaphore_mem>>) src(%dma_wait3A_422 : memref<10000x128xf32, #tpu.memory_space<hbm>>) dst(%dma_wait3A_416 : memref<40x128xf32, #tpu.memory_space<vmem>>)
      %dma_start3A_423 = arith.constant 0 : i32
      %dma_start3A_424 = arith.constant 0 : i32
      %dma_start3A_425 = tpu.memref_slice %arg11[%dma_start3A_423, %dma_start3A_424] : memref<80x128xf32, #tpu.memory_space<vmem>> -> memref<40x128xf32, #tpu.memory_space<vmem>>
      %dma_start3A_426 = arith.constant 0 : i32
      %dma_start3A_427 = tpu.memref_slice %arg10[%add3A_413, %dma_start3A_426] : memref<125x80xi32, #tpu.memory_space<vmem>> -> memref<1x40xi32, #tpu.memory_space<vmem>>
      %dma_start3A_428 = tpu.memref_squeeze %dma_start3A_427 : memref<1x40xi32, #tpu.memory_space<vmem>> -> memref<40xi32, #tpu.memory_space<vmem>>
      %dma_start3A_429 = arith.constant 0 : i32
      %dma_start3A_430 = arith.constant 0 : i32
      %dma_start3A_431 = tpu.memref_slice %arg13[%dma_start3A_429, %dma_start3A_430] : memref<10240x128xf32, #tpu.memory_space<vmem_shared>> -> memref<10240x128xf32, #tpu.memory_space<vmem_shared>>
      tpu.enqueue_indirect_dma source(%dma_start3A_425 : memref<40x128xf32, #tpu.memory_space<vmem>>) target(%dma_start3A_431 : memref<10240x128xf32, #tpu.memory_space<vmem_shared>>) offsets(%dma_start3A_428 : memref<40xi32, #tpu.memory_space<vmem>>) semaphore(%arg17 : memref<!tpu.dma_semaphore, #tpu.memory_space<semaphore_mem>>) {add = true}
      %dma_wait3A_432 = arith.constant 40 : i32
      %dma_wait3A_433 = arith.constant 0 : i32
      %dma_wait3A_434 = tpu.memref_slice %arg11[%dma_wait3A_432, %dma_wait3A_433] : memref<80x128xf32, #tpu.memory_space<vmem>> -> memref<40x128xf32, #tpu.memory_space<vmem>>
      %dma_wait3A_435 = arith.constant 40 : i32
      %dma_wait3A_436 = tpu.memref_slice %arg9[%add3A_402, %dma_wait3A_435] : memref<125x80xi32, #tpu.memory_space<vmem>> -> memref<1x40xi32, #tpu.memory_space<vmem>>
      %dma_wait3A_437 = tpu.memref_squeeze %dma_wait3A_436 : memref<1x40xi32, #tpu.memory_space<vmem>> -> memref<40xi32, #tpu.memory_space<vmem>>
      %dma_wait3A_438 = arith.constant 0 : i32
      %dma_wait3A_439 = arith.constant 0 : i32
      %dma_wait3A_440 = tpu.memref_slice %arg2[%dma_wait3A_438, %dma_wait3A_439] : memref<10000x128xf32, #tpu.memory_space<hbm>> -> memref<10000x128xf32, #tpu.memory_space<hbm>>
      tpu.wait_indirect_dma semaphore(%arg16 : memref<!tpu.dma_semaphore, #tpu.memory_space<semaphore_mem>>) src(%dma_wait3A_440 : memref<10000x128xf32, #tpu.memory_space<hbm>>) dst(%dma_wait3A_434 : memref<40x128xf32, #tpu.memory_space<vmem>>)
      %dma_start3A_441 = arith.constant 40 : i32
      %dma_start3A_442 = arith.constant 0 : i32
      %dma_start3A_443 = tpu.memref_slice %arg11[%dma_start3A_441, %dma_start3A_442] : memref<80x128xf32, #tpu.memory_space<vmem>> -> memref<40x128xf32, #tpu.memory_space<vmem>>
      %dma_start3A_444 = arith.constant 40 : i32
      %dma_start3A_445 = tpu.memref_slice %arg10[%add3A_413, %dma_start3A_444] : memref<125x80xi32, #tpu.memory_space<vmem>> -> memref<1x40xi32, #tpu.memory_space<vmem>>
      %dma_start3A_446 = tpu.memref_squeeze %dma_start3A_445 : memref<1x40xi32, #tpu.memory_space<vmem>> -> memref<40xi32, #tpu.memory_space<vmem>>
      %dma_start3A_447 = arith.constant 0 : i32
      %dma_start3A_448 = arith.constant 0 : i32
      %dma_start3A_449 = tpu.memref_slice %arg13[%dma_start3A_447, %dma_start3A_448] : memref<10240x128xf32, #tpu.memory_space<vmem_shared>> -> memref<10240x128xf32, #tpu.memory_space<vmem_shared>>
      tpu.enqueue_indirect_dma source(%dma_start3A_443 : memref<40x128xf32, #tpu.memory_space<vmem>>) target(%dma_start3A_449 : memref<10240x128xf32, #tpu.memory_space<vmem_shared>>) offsets(%dma_start3A_446 : memref<40xi32, #tpu.memory_space<vmem>>) semaphore(%arg18 : memref<!tpu.dma_semaphore, #tpu.memory_space<semaphore_mem>>) {add = true}
      %dma_wait3A_450 = arith.constant 0 : i32
      %dma_wait3A_451 = tpu.memref_slice %arg10[%add3A_325, %dma_wait3A_450] : memref<125x80xi32, #tpu.memory_space<vmem>> -> memref<1x80xi32, #tpu.memory_space<vmem>>
      %dma_wait3A_452 = tpu.memref_squeeze %dma_wait3A_451 : memref<1x80xi32, #tpu.memory_space<vmem>> -> memref<80xi32, #tpu.memory_space<vmem>>
      %dma_wait3A_453 = arith.constant 0 : i32
      %dma_wait3A_454 = tpu.memref_slice %arg14[%dma_wait3A_453] : memref<10240xf32, #tpu.memory_space<vmem_shared>> -> memref<10240xf32, #tpu.memory_space<vmem_shared>>
      tpu.wait_indirect_dma semaphore(%arg19 : memref<!tpu.dma_semaphore, #tpu.memory_space<semaphore_mem>>) src(%arg12 : memref<80xf32, #tpu.memory_space<vmem>>) dst(%dma_wait3A_454 : memref<10240xf32, #tpu.memory_space<vmem_shared>>)
      %dma_start3A_455 = arith.constant 0 : i32
      %dma_start3A_456 = tpu.memref_slice %arg10[%add3A_413, %dma_start3A_455] : memref<125x80xi32, #tpu.memory_space<vmem>> -> memref<1x80xi32, #tpu.memory_space<vmem>>
      %dma_start3A_457 = tpu.memref_squeeze %dma_start3A_456 : memref<1x80xi32, #tpu.memory_space<vmem>> -> memref<80xi32, #tpu.memory_space<vmem>>
      %dma_start3A_458 = arith.constant 0 : i32
      %dma_start3A_459 = tpu.memref_slice %arg14[%dma_start3A_458] : memref<10240xf32, #tpu.memory_space<vmem_shared>> -> memref<10240xf32, #tpu.memory_space<vmem_shared>>
      tpu.enqueue_indirect_dma source(%arg12 : memref<80xf32, #tpu.memory_space<vmem>>) target(%dma_start3A_459 : memref<10240xf32, #tpu.memory_space<vmem_shared>>) offsets(%dma_start3A_457 : memref<80xi32, #tpu.memory_space<vmem>>) semaphore(%arg19 : memref<!tpu.dma_semaphore, #tpu.memory_space<semaphore_mem>>) {add = true}
      %dma_wait3A_460 = arith.constant 0 : i32
      %dma_wait3A_461 = arith.constant 0 : i32
      %dma_wait3A_462 = tpu.memref_slice %arg11[%dma_wait3A_460, %dma_wait3A_461] : memref<80x128xf32, #tpu.memory_space<vmem>> -> memref<40x128xf32, #tpu.memory_space<vmem>>
      %dma_wait3A_463 = arith.constant 0 : i32
      %dma_wait3A_464 = tpu.memref_slice %arg10[%add3A_413, %dma_wait3A_463] : memref<125x80xi32, #tpu.memory_space<vmem>> -> memref<1x40xi32, #tpu.memory_space<vmem>>
      %dma_wait3A_465 = tpu.memref_squeeze %dma_wait3A_464 : memref<1x40xi32, #tpu.memory_space<vmem>> -> memref<40xi32, #tpu.memory_space<vmem>>
      %dma_wait3A_466 = arith.constant 0 : i32
      %dma_wait3A_467 = arith.constant 0 : i32
      %dma_wait3A_468 = tpu.memref_slice %arg13[%dma_wait3A_466, %dma_wait3A_467] : memref<10240x128xf32, #tpu.memory_space<vmem_shared>> -> memref<10240x128xf32, #tpu.memory_space<vmem_shared>>
      tpu.wait_indirect_dma semaphore(%arg17 : memref<!tpu.dma_semaphore, #tpu.memory_space<semaphore_mem>>) src(%dma_wait3A_462 : memref<40x128xf32, #tpu.memory_space<vmem>>) dst(%dma_wait3A_468 : memref<10240x128xf32, #tpu.memory_space<vmem_shared>>)
      %dma_wait3A_469 = arith.constant 40 : i32
      %dma_wait3A_470 = arith.constant 0 : i32
      %dma_wait3A_471 = tpu.memref_slice %arg11[%dma_wait3A_469, %dma_wait3A_470] : memref<80x128xf32, #tpu.memory_space<vmem>> -> memref<40x128xf32, #tpu.memory_space<vmem>>
      %dma_wait3A_472 = arith.constant 40 : i32
      %dma_wait3A_473 = tpu.memref_slice %arg10[%add3A_413, %dma_wait3A_472] : memref<125x80xi32, #tpu.memory_space<vmem>> -> memref<1x40xi32, #tpu.memory_space<vmem>>
      %dma_wait3A_474 = tpu.memref_squeeze %dma_wait3A_473 : memref<1x40xi32, #tpu.memory_space<vmem>> -> memref<40xi32, #tpu.memory_space<vmem>>
      %dma_wait3A_475 = arith.constant 0 : i32
      %dma_wait3A_476 = arith.constant 0 : i32
      %dma_wait3A_477 = tpu.memref_slice %arg13[%dma_wait3A_475, %dma_wait3A_476] : memref<10240x128xf32, #tpu.memory_space<vmem_shared>> -> memref<10240x128xf32, #tpu.memory_space<vmem_shared>>
      tpu.wait_indirect_dma semaphore(%arg18 : memref<!tpu.dma_semaphore, #tpu.memory_space<semaphore_mem>>) src(%dma_wait3A_471 : memref<40x128xf32, #tpu.memory_space<vmem>>) dst(%dma_wait3A_477 : memref<10240x128xf32, #tpu.memory_space<vmem_shared>>)
      %dma_wait3A_478 = arith.constant 0 : i32
      %dma_wait3A_479 = tpu.memref_slice %arg10[%add3A_413, %dma_wait3A_478] : memref<125x80xi32, #tpu.memory_space<vmem>> -> memref<1x80xi32, #tpu.memory_space<vmem>>
      %dma_wait3A_480 = tpu.memref_squeeze %dma_wait3A_479 : memref<1x80xi32, #tpu.memory_space<vmem>> -> memref<80xi32, #tpu.memory_space<vmem>>
      %dma_wait3A_481 = arith.constant 0 : i32
      %dma_wait3A_482 = tpu.memref_slice %arg14[%dma_wait3A_481] : memref<10240xf32, #tpu.memory_space<vmem_shared>> -> memref<10240xf32, #tpu.memory_space<vmem_shared>>
      tpu.wait_indirect_dma semaphore(%arg19 : memref<!tpu.dma_semaphore, #tpu.memory_space<semaphore_mem>>) src(%arg12 : memref<80xf32, #tpu.memory_space<vmem>>) dst(%dma_wait3A_482 : memref<10240xf32, #tpu.memory_space<vmem_shared>>)
    }
    %scan3A_39 = arith.constant 25 : i32
    %barrier3A_40 = arith.constant 0 : index
    tpu.barrier barrier_id(%barrier3A_40)
    %mul3A_41 = arith.constant 10240 : i32
    %mul3A_42 = arith.muli %arg0, %mul3A_41 : i32
    %add3A_43 = arith.addi %mul3A_42, %mul3A_2 : i32
    "tpu.region"() ({
      %run_scoped3A = tpu.sem_alloc : memref<!tpu.dma_semaphore, #tpu.memory_space<semaphore_mem>>
      %dma_start3A_44 = arith.constant 0 : i32
      %dma_start3A_45 = tpu.memref_slice %arg7[%add3A_43, %dma_start3A_44] : memref<20480x128xf32, #tpu.memory_space<hbm>> -> memref<640x128xf32, #tpu.memory_space<hbm>>
      %dma_start3A_46 = arith.constant 0 : i32
      %dma_start3A_47 = tpu.memref_slice %arg13[%mul3A_2, %dma_start3A_46] : memref<10240x128xf32, #tpu.memory_space<vmem_shared>> -> memref<640x128xf32, #tpu.memory_space<vmem_shared>>
      tpu.enqueue_dma source(%dma_start3A_47 : memref<640x128xf32, #tpu.memory_space<vmem_shared>>) target(%dma_start3A_45 : memref<640x128xf32, #tpu.memory_space<hbm>>) target_semaphore(%run_scoped3A : memref<!tpu.dma_semaphore, #tpu.memory_space<semaphore_mem>>)
      %dma_wait3A_48 = arith.constant 0 : i32
      %dma_wait3A_49 = tpu.memref_slice %arg7[%add3A_43, %dma_wait3A_48] : memref<20480x128xf32, #tpu.memory_space<hbm>> -> memref<640x128xf32, #tpu.memory_space<hbm>>
      %dma_wait3A_50 = arith.constant 0 : i32
      %dma_wait3A_51 = tpu.memref_slice %arg13[%mul3A_2, %dma_wait3A_50] : memref<10240x128xf32, #tpu.memory_space<vmem_shared>> -> memref<640x128xf32, #tpu.memory_space<vmem_shared>>
      tpu.wait_dma2 semaphore(%run_scoped3A : memref<!tpu.dma_semaphore, #tpu.memory_space<semaphore_mem>>) src(%dma_wait3A_51 : memref<640x128xf32, #tpu.memory_space<vmem_shared>>) dst(%dma_wait3A_49 : memref<640x128xf32, #tpu.memory_space<hbm>>)
      tpu.yield
    }) : () -> ()
    "tpu.region"() ({
      %run_scoped3A = tpu.sem_alloc : memref<!tpu.dma_semaphore, #tpu.memory_space<semaphore_mem>>
      %dma_start3A_44 = tpu.memref_slice %arg8[%add3A_43] : memref<20480xf32, #tpu.memory_space<hbm>> -> memref<640xf32, #tpu.memory_space<hbm>>
      %dma_start3A_45 = tpu.memref_slice %arg14[%mul3A_2] : memref<10240xf32, #tpu.memory_space<vmem_shared>> -> memref<640xf32, #tpu.memory_space<vmem_shared>>
      tpu.enqueue_dma source(%dma_start3A_45 : memref<640xf32, #tpu.memory_space<vmem_shared>>) target(%dma_start3A_44 : memref<640xf32, #tpu.memory_space<hbm>>) target_semaphore(%run_scoped3A : memref<!tpu.dma_semaphore, #tpu.memory_space<semaphore_mem>>)
      %dma_wait3A_46 = tpu.memref_slice %arg8[%add3A_43] : memref<20480xf32, #tpu.memory_space<hbm>> -> memref<640xf32, #tpu.memory_space<hbm>>
      %dma_wait3A_47 = tpu.memref_slice %arg14[%mul3A_2] : memref<10240xf32, #tpu.memory_space<vmem_shared>> -> memref<640xf32, #tpu.memory_space<vmem_shared>>
      tpu.wait_dma2 semaphore(%run_scoped3A : memref<!tpu.dma_semaphore, #tpu.memory_space<semaphore_mem>>) src(%dma_wait3A_47 : memref<640xf32, #tpu.memory_space<vmem_shared>>) dst(%dma_wait3A_46 : memref<640xf32, #tpu.memory_space<hbm>>)
      tpu.yield
    }) : () -> ()
    return
  }
}

#map = affine_map<(d0, d1) -> (0, 0)>
#map1 = affine_map<(d0, d1) -> (0, 0, 0)>
module attributes {stable_mosaic.version = 14 : i64} {
  func.func @sc_pass(%arg0: i32, %arg1: i32, %arg2: memref<10240x128xf32, #tpu.memory_space<hbm>>, %arg3: memref<32x125x80xi32, #tpu.memory_space<hbm>>, %arg4: memref<32x125x80xi32, #tpu.memory_space<hbm>>, %arg5: memref<640x128xf32, #tpu.memory_space<hbm>>, %arg6: memref<20480x128xf32, #tpu.memory_space<hbm>>, %arg7: memref<125x80xi32, #tpu.memory_space<vmem>>, %arg8: memref<125x80xi32, #tpu.memory_space<vmem>>, %arg9: memref<80x128xf32, #tpu.memory_space<vmem>>, %arg10: memref<80xf32, #tpu.memory_space<vmem>>, %arg11: memref<10240x128xf32, #tpu.memory_space<vmem_shared>>, %arg12: memref<10240xf32, #tpu.memory_space<vmem_shared>>, %arg13: memref<!tpu.dma_semaphore, #tpu.memory_space<semaphore_mem>>, %arg14: memref<!tpu.dma_semaphore, #tpu.memory_space<semaphore_mem>>, %arg15: memref<!tpu.dma_semaphore, #tpu.memory_space<semaphore_mem>>, %arg16: memref<!tpu.dma_semaphore, #tpu.memory_space<semaphore_mem>>, %arg17: memref<!tpu.dma_semaphore, #tpu.memory_space<semaphore_mem>>) attributes {dimension_semantics = [#tpu.dimension_semantics<core_parallel>, #tpu.dimension_semantics<subcore_parallel>], iteration_bounds = array<i64: 2, 16>, scalar_prefetch = 0 : i64, scratch_operands = 11 : i64, tpu.core_type = #tpu.core_type<sc_vector_subcore>, window_params = [{transform_indices = #map}, {transform_indices = #map1}, {transform_indices = #map1}, {transform_indices = #map}, {transform_indices = #map}]} {
    %mul3A = arith.constant 2 : i32
    %mul3A_0 = arith.muli %arg1, %mul3A : i32
    %add3A = arith.addi %mul3A_0, %arg0 : i32
    %mul3A_1 = arith.constant 640 : i32
    %mul3A_2 = arith.muli %arg1, %mul3A_1 : i32
    %dma_start3A = arith.constant 0 : i32
    %dma_start3A_3 = tpu.memref_slice %arg11[%mul3A_2, %dma_start3A] : memref<10240x128xf32, #tpu.memory_space<vmem_shared>> -> memref<640x128xf32, #tpu.memory_space<vmem_shared>>
    tpu.enqueue_dma source(%arg5 : memref<640x128xf32, #tpu.memory_space<hbm>>) target(%dma_start3A_3 : memref<640x128xf32, #tpu.memory_space<vmem_shared>>) target_semaphore(%arg13 : memref<!tpu.dma_semaphore, #tpu.memory_space<semaphore_mem>>)
    "tpu.region"() ({
      %run_scoped3A = tpu.sem_alloc : memref<!tpu.dma_semaphore, #tpu.memory_space<semaphore_mem>>
      %dma_start3A_14 = arith.constant 0 : i32
      %dma_start3A_15 = arith.constant 0 : i32
      %dma_start3A_16 = tpu.memref_slice %arg3[%add3A, %dma_start3A_14, %dma_start3A_15] : memref<32x125x80xi32, #tpu.memory_space<hbm>> -> memref<1x125x80xi32, #tpu.memory_space<hbm>>
      %dma_start3A_17 = tpu.memref_squeeze %dma_start3A_16 : memref<1x125x80xi32, #tpu.memory_space<hbm>> -> memref<125x80xi32, #tpu.memory_space<hbm>>
      %dma_start3A_18 = arith.constant 0 : i32
      %dma_start3A_19 = arith.constant 0 : i32
      %dma_start3A_20 = tpu.memref_slice %arg3[%add3A, %dma_start3A_18, %dma_start3A_19] : memref<32x125x80xi32, #tpu.memory_space<hbm>> -> memref<1x125x80xi32, #tpu.memory_space<hbm>>
      %dma_start3A_21 = tpu.memref_squeeze %dma_start3A_20 : memref<1x125x80xi32, #tpu.memory_space<hbm>> -> memref<125x80xi32, #tpu.memory_space<hbm>>
      tpu.enqueue_dma source(%dma_start3A_21 : memref<125x80xi32, #tpu.memory_space<hbm>>) target(%arg7 : memref<125x80xi32, #tpu.memory_space<vmem>>) target_semaphore(%run_scoped3A : memref<!tpu.dma_semaphore, #tpu.memory_space<semaphore_mem>>)
      %dma_wait3A_22 = arith.constant 0 : i32
      %dma_wait3A_23 = arith.constant 0 : i32
      %dma_wait3A_24 = tpu.memref_slice %arg3[%add3A, %dma_wait3A_22, %dma_wait3A_23] : memref<32x125x80xi32, #tpu.memory_space<hbm>> -> memref<1x125x80xi32, #tpu.memory_space<hbm>>
      %dma_wait3A_25 = tpu.memref_squeeze %dma_wait3A_24 : memref<1x125x80xi32, #tpu.memory_space<hbm>> -> memref<125x80xi32, #tpu.memory_space<hbm>>
      %dma_wait3A_26 = arith.constant 0 : i32
      %dma_wait3A_27 = arith.constant 0 : i32
      %dma_wait3A_28 = tpu.memref_slice %arg3[%add3A, %dma_wait3A_26, %dma_wait3A_27] : memref<32x125x80xi32, #tpu.memory_space<hbm>> -> memref<1x125x80xi32, #tpu.memory_space<hbm>>
      %dma_wait3A_29 = tpu.memref_squeeze %dma_wait3A_28 : memref<1x125x80xi32, #tpu.memory_space<hbm>> -> memref<125x80xi32, #tpu.memory_space<hbm>>
      tpu.wait_dma2 semaphore(%run_scoped3A : memref<!tpu.dma_semaphore, #tpu.memory_space<semaphore_mem>>) src(%dma_wait3A_29 : memref<125x80xi32, #tpu.memory_space<hbm>>) dst(%arg7 : memref<125x80xi32, #tpu.memory_space<vmem>>)
      tpu.yield
    }) : () -> ()
    "tpu.region"() ({
      %run_scoped3A = tpu.sem_alloc : memref<!tpu.dma_semaphore, #tpu.memory_space<semaphore_mem>>
      %dma_start3A_14 = arith.constant 0 : i32
      %dma_start3A_15 = arith.constant 0 : i32
      %dma_start3A_16 = tpu.memref_slice %arg4[%add3A, %dma_start3A_14, %dma_start3A_15] : memref<32x125x80xi32, #tpu.memory_space<hbm>> -> memref<1x125x80xi32, #tpu.memory_space<hbm>>
      %dma_start3A_17 = tpu.memref_squeeze %dma_start3A_16 : memref<1x125x80xi32, #tpu.memory_space<hbm>> -> memref<125x80xi32, #tpu.memory_space<hbm>>
      %dma_start3A_18 = arith.constant 0 : i32
      %dma_start3A_19 = arith.constant 0 : i32
      %dma_start3A_20 = tpu.memref_slice %arg4[%add3A, %dma_start3A_18, %dma_start3A_19] : memref<32x125x80xi32, #tpu.memory_space<hbm>> -> memref<1x125x80xi32, #tpu.memory_space<hbm>>
      %dma_start3A_21 = tpu.memref_squeeze %dma_start3A_20 : memref<1x125x80xi32, #tpu.memory_space<hbm>> -> memref<125x80xi32, #tpu.memory_space<hbm>>
      tpu.enqueue_dma source(%dma_start3A_21 : memref<125x80xi32, #tpu.memory_space<hbm>>) target(%arg8 : memref<125x80xi32, #tpu.memory_space<vmem>>) target_semaphore(%run_scoped3A : memref<!tpu.dma_semaphore, #tpu.memory_space<semaphore_mem>>)
      %dma_wait3A_22 = arith.constant 0 : i32
      %dma_wait3A_23 = arith.constant 0 : i32
      %dma_wait3A_24 = tpu.memref_slice %arg4[%add3A, %dma_wait3A_22, %dma_wait3A_23] : memref<32x125x80xi32, #tpu.memory_space<hbm>> -> memref<1x125x80xi32, #tpu.memory_space<hbm>>
      %dma_wait3A_25 = tpu.memref_squeeze %dma_wait3A_24 : memref<1x125x80xi32, #tpu.memory_space<hbm>> -> memref<125x80xi32, #tpu.memory_space<hbm>>
      %dma_wait3A_26 = arith.constant 0 : i32
      %dma_wait3A_27 = arith.constant 0 : i32
      %dma_wait3A_28 = tpu.memref_slice %arg4[%add3A, %dma_wait3A_26, %dma_wait3A_27] : memref<32x125x80xi32, #tpu.memory_space<hbm>> -> memref<1x125x80xi32, #tpu.memory_space<hbm>>
      %dma_wait3A_29 = tpu.memref_squeeze %dma_wait3A_28 : memref<1x125x80xi32, #tpu.memory_space<hbm>> -> memref<125x80xi32, #tpu.memory_space<hbm>>
      tpu.wait_dma2 semaphore(%run_scoped3A : memref<!tpu.dma_semaphore, #tpu.memory_space<semaphore_mem>>) src(%dma_wait3A_29 : memref<125x80xi32, #tpu.memory_space<hbm>>) dst(%arg8 : memref<125x80xi32, #tpu.memory_space<vmem>>)
      tpu.yield
    }) : () -> ()
    %dma_wait3A = arith.constant 0 : i32
    %dma_wait3A_4 = tpu.memref_slice %arg11[%mul3A_2, %dma_wait3A] : memref<10240x128xf32, #tpu.memory_space<vmem_shared>> -> memref<640x128xf32, #tpu.memory_space<vmem_shared>>
    tpu.wait_dma2 semaphore(%arg13 : memref<!tpu.dma_semaphore, #tpu.memory_space<semaphore_mem>>) src(%arg5 : memref<640x128xf32, #tpu.memory_space<hbm>>) dst(%dma_wait3A_4 : memref<640x128xf32, #tpu.memory_space<vmem_shared>>)
    %barrier3A = arith.constant 0 : index
    tpu.barrier barrier_id(%barrier3A)
    %scan3A = arith.constant 0 : i32
    %scan3A_5 = arith.constant 0 : i32
    %scan3A_6 = arith.constant 25 : i32
    %scan3A_7 = arith.addi %scan3A_5, %scan3A_6 : i32
    %scan3A_8 = arith.constant 1 : i32
    scf.for %scan3A_14 = %scan3A_5 to %scan3A_7 step %scan3A_8  : i32 {
      %mul3A_15 = arith.constant 5 : i32
      %mul3A_16 = arith.muli %mul3A_15, %scan3A_14 : i32
      %dma_start3A_17 = arith.constant 0 : i32
      %dma_start3A_18 = arith.constant 0 : i32
      %dma_start3A_19 = tpu.memref_slice %arg9[%dma_start3A_17, %dma_start3A_18] : memref<80x128xf32, #tpu.memory_space<vmem>> -> memref<40x128xf32, #tpu.memory_space<vmem>>
      %dma_start3A_20 = arith.constant 0 : i32
      %dma_start3A_21 = tpu.memref_slice %arg7[%mul3A_16, %dma_start3A_20] : memref<125x80xi32, #tpu.memory_space<vmem>> -> memref<1x40xi32, #tpu.memory_space<vmem>>
      %dma_start3A_22 = tpu.memref_squeeze %dma_start3A_21 : memref<1x40xi32, #tpu.memory_space<vmem>> -> memref<40xi32, #tpu.memory_space<vmem>>
      %dma_start3A_23 = arith.constant 0 : i32
      %dma_start3A_24 = arith.constant 0 : i32
      %dma_start3A_25 = tpu.memref_slice %arg2[%dma_start3A_23, %dma_start3A_24] : memref<10240x128xf32, #tpu.memory_space<hbm>> -> memref<10240x128xf32, #tpu.memory_space<hbm>>
      tpu.enqueue_indirect_dma source(%dma_start3A_25 : memref<10240x128xf32, #tpu.memory_space<hbm>>) target(%dma_start3A_19 : memref<40x128xf32, #tpu.memory_space<vmem>>) offsets(%dma_start3A_22 : memref<40xi32, #tpu.memory_space<vmem>>) semaphore(%arg13 : memref<!tpu.dma_semaphore, #tpu.memory_space<semaphore_mem>>)
      %dma_start3A_26 = arith.constant 40 : i32
      %dma_start3A_27 = arith.constant 0 : i32
      %dma_start3A_28 = tpu.memref_slice %arg9[%dma_start3A_26, %dma_start3A_27] : memref<80x128xf32, #tpu.memory_space<vmem>> -> memref<40x128xf32, #tpu.memory_space<vmem>>
      %dma_start3A_29 = arith.constant 40 : i32
      %dma_start3A_30 = tpu.memref_slice %arg7[%mul3A_16, %dma_start3A_29] : memref<125x80xi32, #tpu.memory_space<vmem>> -> memref<1x40xi32, #tpu.memory_space<vmem>>
      %dma_start3A_31 = tpu.memref_squeeze %dma_start3A_30 : memref<1x40xi32, #tpu.memory_space<vmem>> -> memref<40xi32, #tpu.memory_space<vmem>>
      %dma_start3A_32 = arith.constant 0 : i32
      %dma_start3A_33 = arith.constant 0 : i32
      %dma_start3A_34 = tpu.memref_slice %arg2[%dma_start3A_32, %dma_start3A_33] : memref<10240x128xf32, #tpu.memory_space<hbm>> -> memref<10240x128xf32, #tpu.memory_space<hbm>>
      tpu.enqueue_indirect_dma source(%dma_start3A_34 : memref<10240x128xf32, #tpu.memory_space<hbm>>) target(%dma_start3A_28 : memref<40x128xf32, #tpu.memory_space<vmem>>) offsets(%dma_start3A_31 : memref<40xi32, #tpu.memory_space<vmem>>) semaphore(%arg14 : memref<!tpu.dma_semaphore, #tpu.memory_space<semaphore_mem>>)
      %add3A_35 = arith.constant 0 : i32
      %add3A_36 = arith.addi %mul3A_16, %add3A_35 : i32
      %dma_wait3A_37 = arith.constant 0 : i32
      %dma_wait3A_38 = arith.constant 0 : i32
      %dma_wait3A_39 = tpu.memref_slice %arg9[%dma_wait3A_37, %dma_wait3A_38] : memref<80x128xf32, #tpu.memory_space<vmem>> -> memref<40x128xf32, #tpu.memory_space<vmem>>
      %dma_wait3A_40 = arith.constant 0 : i32
      %dma_wait3A_41 = tpu.memref_slice %arg7[%mul3A_16, %dma_wait3A_40] : memref<125x80xi32, #tpu.memory_space<vmem>> -> memref<1x40xi32, #tpu.memory_space<vmem>>
      %dma_wait3A_42 = tpu.memref_squeeze %dma_wait3A_41 : memref<1x40xi32, #tpu.memory_space<vmem>> -> memref<40xi32, #tpu.memory_space<vmem>>
      %dma_wait3A_43 = arith.constant 0 : i32
      %dma_wait3A_44 = arith.constant 0 : i32
      %dma_wait3A_45 = tpu.memref_slice %arg2[%dma_wait3A_43, %dma_wait3A_44] : memref<10240x128xf32, #tpu.memory_space<hbm>> -> memref<10240x128xf32, #tpu.memory_space<hbm>>
      tpu.wait_indirect_dma semaphore(%arg13 : memref<!tpu.dma_semaphore, #tpu.memory_space<semaphore_mem>>) src(%dma_wait3A_45 : memref<10240x128xf32, #tpu.memory_space<hbm>>) dst(%dma_wait3A_39 : memref<40x128xf32, #tpu.memory_space<vmem>>)
      %dma_start3A_46 = arith.constant 0 : i32
      %dma_start3A_47 = arith.constant 0 : i32
      %dma_start3A_48 = tpu.memref_slice %arg9[%dma_start3A_46, %dma_start3A_47] : memref<80x128xf32, #tpu.memory_space<vmem>> -> memref<40x128xf32, #tpu.memory_space<vmem>>
      %dma_start3A_49 = arith.constant 0 : i32
      %dma_start3A_50 = tpu.memref_slice %arg8[%add3A_36, %dma_start3A_49] : memref<125x80xi32, #tpu.memory_space<vmem>> -> memref<1x40xi32, #tpu.memory_space<vmem>>
      %dma_start3A_51 = tpu.memref_squeeze %dma_start3A_50 : memref<1x40xi32, #tpu.memory_space<vmem>> -> memref<40xi32, #tpu.memory_space<vmem>>
      %dma_start3A_52 = arith.constant 0 : i32
      %dma_start3A_53 = arith.constant 0 : i32
      %dma_start3A_54 = tpu.memref_slice %arg11[%dma_start3A_52, %dma_start3A_53] : memref<10240x128xf32, #tpu.memory_space<vmem_shared>> -> memref<10240x128xf32, #tpu.memory_space<vmem_shared>>
      tpu.enqueue_indirect_dma source(%dma_start3A_48 : memref<40x128xf32, #tpu.memory_space<vmem>>) target(%dma_start3A_54 : memref<10240x128xf32, #tpu.memory_space<vmem_shared>>) offsets(%dma_start3A_51 : memref<40xi32, #tpu.memory_space<vmem>>) semaphore(%arg15 : memref<!tpu.dma_semaphore, #tpu.memory_space<semaphore_mem>>) {add = true}
      %dma_wait3A_55 = arith.constant 40 : i32
      %dma_wait3A_56 = arith.constant 0 : i32
      %dma_wait3A_57 = tpu.memref_slice %arg9[%dma_wait3A_55, %dma_wait3A_56] : memref<80x128xf32, #tpu.memory_space<vmem>> -> memref<40x128xf32, #tpu.memory_space<vmem>>
      %dma_wait3A_58 = arith.constant 40 : i32
      %dma_wait3A_59 = tpu.memref_slice %arg7[%mul3A_16, %dma_wait3A_58] : memref<125x80xi32, #tpu.memory_space<vmem>> -> memref<1x40xi32, #tpu.memory_space<vmem>>
      %dma_wait3A_60 = tpu.memref_squeeze %dma_wait3A_59 : memref<1x40xi32, #tpu.memory_space<vmem>> -> memref<40xi32, #tpu.memory_space<vmem>>
      %dma_wait3A_61 = arith.constant 0 : i32
      %dma_wait3A_62 = arith.constant 0 : i32
      %dma_wait3A_63 = tpu.memref_slice %arg2[%dma_wait3A_61, %dma_wait3A_62] : memref<10240x128xf32, #tpu.memory_space<hbm>> -> memref<10240x128xf32, #tpu.memory_space<hbm>>
      tpu.wait_indirect_dma semaphore(%arg14 : memref<!tpu.dma_semaphore, #tpu.memory_space<semaphore_mem>>) src(%dma_wait3A_63 : memref<10240x128xf32, #tpu.memory_space<hbm>>) dst(%dma_wait3A_57 : memref<40x128xf32, #tpu.memory_space<vmem>>)
      %dma_start3A_64 = arith.constant 40 : i32
      %dma_start3A_65 = arith.constant 0 : i32
      %dma_start3A_66 = tpu.memref_slice %arg9[%dma_start3A_64, %dma_start3A_65] : memref<80x128xf32, #tpu.memory_space<vmem>> -> memref<40x128xf32, #tpu.memory_space<vmem>>
      %dma_start3A_67 = arith.constant 40 : i32
      %dma_start3A_68 = tpu.memref_slice %arg8[%add3A_36, %dma_start3A_67] : memref<125x80xi32, #tpu.memory_space<vmem>> -> memref<1x40xi32, #tpu.memory_space<vmem>>
      %dma_start3A_69 = tpu.memref_squeeze %dma_start3A_68 : memref<1x40xi32, #tpu.memory_space<vmem>> -> memref<40xi32, #tpu.memory_space<vmem>>
      %dma_start3A_70 = arith.constant 0 : i32
      %dma_start3A_71 = arith.constant 0 : i32
      %dma_start3A_72 = tpu.memref_slice %arg11[%dma_start3A_70, %dma_start3A_71] : memref<10240x128xf32, #tpu.memory_space<vmem_shared>> -> memref<10240x128xf32, #tpu.memory_space<vmem_shared>>
      tpu.enqueue_indirect_dma source(%dma_start3A_66 : memref<40x128xf32, #tpu.memory_space<vmem>>) target(%dma_start3A_72 : memref<10240x128xf32, #tpu.memory_space<vmem_shared>>) offsets(%dma_start3A_69 : memref<40xi32, #tpu.memory_space<vmem>>) semaphore(%arg16 : memref<!tpu.dma_semaphore, #tpu.memory_space<semaphore_mem>>) {add = true}
      %dma_wait3A_73 = arith.constant 0 : i32
      %dma_wait3A_74 = arith.constant 0 : i32
      %dma_wait3A_75 = tpu.memref_slice %arg9[%dma_wait3A_73, %dma_wait3A_74] : memref<80x128xf32, #tpu.memory_space<vmem>> -> memref<40x128xf32, #tpu.memory_space<vmem>>
      %dma_wait3A_76 = arith.constant 0 : i32
      %dma_wait3A_77 = tpu.memref_slice %arg8[%add3A_36, %dma_wait3A_76] : memref<125x80xi32, #tpu.memory_space<vmem>> -> memref<1x40xi32, #tpu.memory_space<vmem>>
      %dma_wait3A_78 = tpu.memref_squeeze %dma_wait3A_77 : memref<1x40xi32, #tpu.memory_space<vmem>> -> memref<40xi32, #tpu.memory_space<vmem>>
      %dma_wait3A_79 = arith.constant 0 : i32
      %dma_wait3A_80 = arith.constant 0 : i32
      %dma_wait3A_81 = tpu.memref_slice %arg11[%dma_wait3A_79, %dma_wait3A_80] : memref<10240x128xf32, #tpu.memory_space<vmem_shared>> -> memref<10240x128xf32, #tpu.memory_space<vmem_shared>>
      tpu.wait_indirect_dma semaphore(%arg15 : memref<!tpu.dma_semaphore, #tpu.memory_space<semaphore_mem>>) src(%dma_wait3A_75 : memref<40x128xf32, #tpu.memory_space<vmem>>) dst(%dma_wait3A_81 : memref<10240x128xf32, #tpu.memory_space<vmem_shared>>)
      %add3A_82 = arith.constant 1 : i32
      %add3A_83 = arith.addi %add3A_36, %add3A_82 : i32
      %dma_start3A_84 = arith.constant 0 : i32
      %dma_start3A_85 = arith.constant 0 : i32
      %dma_start3A_86 = tpu.memref_slice %arg9[%dma_start3A_84, %dma_start3A_85] : memref<80x128xf32, #tpu.memory_space<vmem>> -> memref<40x128xf32, #tpu.memory_space<vmem>>
      %dma_start3A_87 = arith.constant 0 : i32
      %dma_start3A_88 = tpu.memref_slice %arg7[%add3A_83, %dma_start3A_87] : memref<125x80xi32, #tpu.memory_space<vmem>> -> memref<1x40xi32, #tpu.memory_space<vmem>>
      %dma_start3A_89 = tpu.memref_squeeze %dma_start3A_88 : memref<1x40xi32, #tpu.memory_space<vmem>> -> memref<40xi32, #tpu.memory_space<vmem>>
      %dma_start3A_90 = arith.constant 0 : i32
      %dma_start3A_91 = arith.constant 0 : i32
      %dma_start3A_92 = tpu.memref_slice %arg2[%dma_start3A_90, %dma_start3A_91] : memref<10240x128xf32, #tpu.memory_space<hbm>> -> memref<10240x128xf32, #tpu.memory_space<hbm>>
      tpu.enqueue_indirect_dma source(%dma_start3A_92 : memref<10240x128xf32, #tpu.memory_space<hbm>>) target(%dma_start3A_86 : memref<40x128xf32, #tpu.memory_space<vmem>>) offsets(%dma_start3A_89 : memref<40xi32, #tpu.memory_space<vmem>>) semaphore(%arg13 : memref<!tpu.dma_semaphore, #tpu.memory_space<semaphore_mem>>)
      %dma_wait3A_93 = arith.constant 40 : i32
      %dma_wait3A_94 = arith.constant 0 : i32
      %dma_wait3A_95 = tpu.memref_slice %arg9[%dma_wait3A_93, %dma_wait3A_94] : memref<80x128xf32, #tpu.memory_space<vmem>> -> memref<40x128xf32, #tpu.memory_space<vmem>>
      %dma_wait3A_96 = arith.constant 40 : i32
      %dma_wait3A_97 = tpu.memref_slice %arg8[%add3A_36, %dma_wait3A_96] : memref<125x80xi32, #tpu.memory_space<vmem>> -> memref<1x40xi32, #tpu.memory_space<vmem>>
      %dma_wait3A_98 = tpu.memref_squeeze %dma_wait3A_97 : memref<1x40xi32, #tpu.memory_space<vmem>> -> memref<40xi32, #tpu.memory_space<vmem>>
      %dma_wait3A_99 = arith.constant 0 : i32
      %dma_wait3A_100 = arith.constant 0 : i32
      %dma_wait3A_101 = tpu.memref_slice %arg11[%dma_wait3A_99, %dma_wait3A_100] : memref<10240x128xf32, #tpu.memory_space<vmem_shared>> -> memref<10240x128xf32, #tpu.memory_space<vmem_shared>>
      tpu.wait_indirect_dma semaphore(%arg16 : memref<!tpu.dma_semaphore, #tpu.memory_space<semaphore_mem>>) src(%dma_wait3A_95 : memref<40x128xf32, #tpu.memory_space<vmem>>) dst(%dma_wait3A_101 : memref<10240x128xf32, #tpu.memory_space<vmem_shared>>)
      %add3A_102 = arith.constant 1 : i32
      %add3A_103 = arith.addi %add3A_36, %add3A_102 : i32
      %dma_start3A_104 = arith.constant 40 : i32
      %dma_start3A_105 = arith.constant 0 : i32
      %dma_start3A_106 = tpu.memref_slice %arg9[%dma_start3A_104, %dma_start3A_105] : memref<80x128xf32, #tpu.memory_space<vmem>> -> memref<40x128xf32, #tpu.memory_space<vmem>>
      %dma_start3A_107 = arith.constant 40 : i32
      %dma_start3A_108 = tpu.memref_slice %arg7[%add3A_103, %dma_start3A_107] : memref<125x80xi32, #tpu.memory_space<vmem>> -> memref<1x40xi32, #tpu.memory_space<vmem>>
      %dma_start3A_109 = tpu.memref_squeeze %dma_start3A_108 : memref<1x40xi32, #tpu.memory_space<vmem>> -> memref<40xi32, #tpu.memory_space<vmem>>
      %dma_start3A_110 = arith.constant 0 : i32
      %dma_start3A_111 = arith.constant 0 : i32
      %dma_start3A_112 = tpu.memref_slice %arg2[%dma_start3A_110, %dma_start3A_111] : memref<10240x128xf32, #tpu.memory_space<hbm>> -> memref<10240x128xf32, #tpu.memory_space<hbm>>
      tpu.enqueue_indirect_dma source(%dma_start3A_112 : memref<10240x128xf32, #tpu.memory_space<hbm>>) target(%dma_start3A_106 : memref<40x128xf32, #tpu.memory_space<vmem>>) offsets(%dma_start3A_109 : memref<40xi32, #tpu.memory_space<vmem>>) semaphore(%arg14 : memref<!tpu.dma_semaphore, #tpu.memory_space<semaphore_mem>>)
      %add3A_113 = arith.constant 1 : i32
      %add3A_114 = arith.addi %mul3A_16, %add3A_113 : i32
      %dma_wait3A_115 = arith.constant 0 : i32
      %dma_wait3A_116 = arith.constant 0 : i32
      %dma_wait3A_117 = tpu.memref_slice %arg9[%dma_wait3A_115, %dma_wait3A_116] : memref<80x128xf32, #tpu.memory_space<vmem>> -> memref<40x128xf32, #tpu.memory_space<vmem>>
      %dma_wait3A_118 = arith.constant 0 : i32
      %dma_wait3A_119 = tpu.memref_slice %arg7[%add3A_83, %dma_wait3A_118] : memref<125x80xi32, #tpu.memory_space<vmem>> -> memref<1x40xi32, #tpu.memory_space<vmem>>
      %dma_wait3A_120 = tpu.memref_squeeze %dma_wait3A_119 : memref<1x40xi32, #tpu.memory_space<vmem>> -> memref<40xi32, #tpu.memory_space<vmem>>
      %dma_wait3A_121 = arith.constant 0 : i32
      %dma_wait3A_122 = arith.constant 0 : i32
      %dma_wait3A_123 = tpu.memref_slice %arg2[%dma_wait3A_121, %dma_wait3A_122] : memref<10240x128xf32, #tpu.memory_space<hbm>> -> memref<10240x128xf32, #tpu.memory_space<hbm>>
      tpu.wait_indirect_dma semaphore(%arg13 : memref<!tpu.dma_semaphore, #tpu.memory_space<semaphore_mem>>) src(%dma_wait3A_123 : memref<10240x128xf32, #tpu.memory_space<hbm>>) dst(%dma_wait3A_117 : memref<40x128xf32, #tpu.memory_space<vmem>>)
      %dma_start3A_124 = arith.constant 0 : i32
      %dma_start3A_125 = arith.constant 0 : i32
      %dma_start3A_126 = tpu.memref_slice %arg9[%dma_start3A_124, %dma_start3A_125] : memref<80x128xf32, #tpu.memory_space<vmem>> -> memref<40x128xf32, #tpu.memory_space<vmem>>
      %dma_start3A_127 = arith.constant 0 : i32
      %dma_start3A_128 = tpu.memref_slice %arg8[%add3A_114, %dma_start3A_127] : memref<125x80xi32, #tpu.memory_space<vmem>> -> memref<1x40xi32, #tpu.memory_space<vmem>>
      %dma_start3A_129 = tpu.memref_squeeze %dma_start3A_128 : memref<1x40xi32, #tpu.memory_space<vmem>> -> memref<40xi32, #tpu.memory_space<vmem>>
      %dma_start3A_130 = arith.constant 0 : i32
      %dma_start3A_131 = arith.constant 0 : i32
      %dma_start3A_132 = tpu.memref_slice %arg11[%dma_start3A_130, %dma_start3A_131] : memref<10240x128xf32, #tpu.memory_space<vmem_shared>> -> memref<10240x128xf32, #tpu.memory_space<vmem_shared>>
      tpu.enqueue_indirect_dma source(%dma_start3A_126 : memref<40x128xf32, #tpu.memory_space<vmem>>) target(%dma_start3A_132 : memref<10240x128xf32, #tpu.memory_space<vmem_shared>>) offsets(%dma_start3A_129 : memref<40xi32, #tpu.memory_space<vmem>>) semaphore(%arg15 : memref<!tpu.dma_semaphore, #tpu.memory_space<semaphore_mem>>) {add = true}
      %dma_wait3A_133 = arith.constant 40 : i32
      %dma_wait3A_134 = arith.constant 0 : i32
      %dma_wait3A_135 = tpu.memref_slice %arg9[%dma_wait3A_133, %dma_wait3A_134] : memref<80x128xf32, #tpu.memory_space<vmem>> -> memref<40x128xf32, #tpu.memory_space<vmem>>
      %dma_wait3A_136 = arith.constant 40 : i32
      %dma_wait3A_137 = tpu.memref_slice %arg7[%add3A_103, %dma_wait3A_136] : memref<125x80xi32, #tpu.memory_space<vmem>> -> memref<1x40xi32, #tpu.memory_space<vmem>>
      %dma_wait3A_138 = tpu.memref_squeeze %dma_wait3A_137 : memref<1x40xi32, #tpu.memory_space<vmem>> -> memref<40xi32, #tpu.memory_space<vmem>>
      %dma_wait3A_139 = arith.constant 0 : i32
      %dma_wait3A_140 = arith.constant 0 : i32
      %dma_wait3A_141 = tpu.memref_slice %arg2[%dma_wait3A_139, %dma_wait3A_140] : memref<10240x128xf32, #tpu.memory_space<hbm>> -> memref<10240x128xf32, #tpu.memory_space<hbm>>
      tpu.wait_indirect_dma semaphore(%arg14 : memref<!tpu.dma_semaphore, #tpu.memory_space<semaphore_mem>>) src(%dma_wait3A_141 : memref<10240x128xf32, #tpu.memory_space<hbm>>) dst(%dma_wait3A_135 : memref<40x128xf32, #tpu.memory_space<vmem>>)
      %dma_start3A_142 = arith.constant 40 : i32
      %dma_start3A_143 = arith.constant 0 : i32
      %dma_start3A_144 = tpu.memref_slice %arg9[%dma_start3A_142, %dma_start3A_143] : memref<80x128xf32, #tpu.memory_space<vmem>> -> memref<40x128xf32, #tpu.memory_space<vmem>>
      %dma_start3A_145 = arith.constant 40 : i32
      %dma_start3A_146 = tpu.memref_slice %arg8[%add3A_114, %dma_start3A_145] : memref<125x80xi32, #tpu.memory_space<vmem>> -> memref<1x40xi32, #tpu.memory_space<vmem>>
      %dma_start3A_147 = tpu.memref_squeeze %dma_start3A_146 : memref<1x40xi32, #tpu.memory_space<vmem>> -> memref<40xi32, #tpu.memory_space<vmem>>
      %dma_start3A_148 = arith.constant 0 : i32
      %dma_start3A_149 = arith.constant 0 : i32
      %dma_start3A_150 = tpu.memref_slice %arg11[%dma_start3A_148, %dma_start3A_149] : memref<10240x128xf32, #tpu.memory_space<vmem_shared>> -> memref<10240x128xf32, #tpu.memory_space<vmem_shared>>
      tpu.enqueue_indirect_dma source(%dma_start3A_144 : memref<40x128xf32, #tpu.memory_space<vmem>>) target(%dma_start3A_150 : memref<10240x128xf32, #tpu.memory_space<vmem_shared>>) offsets(%dma_start3A_147 : memref<40xi32, #tpu.memory_space<vmem>>) semaphore(%arg16 : memref<!tpu.dma_semaphore, #tpu.memory_space<semaphore_mem>>) {add = true}
      %dma_wait3A_151 = arith.constant 0 : i32
      %dma_wait3A_152 = arith.constant 0 : i32
      %dma_wait3A_153 = tpu.memref_slice %arg9[%dma_wait3A_151, %dma_wait3A_152] : memref<80x128xf32, #tpu.memory_space<vmem>> -> memref<40x128xf32, #tpu.memory_space<vmem>>
      %dma_wait3A_154 = arith.constant 0 : i32
      %dma_wait3A_155 = tpu.memref_slice %arg8[%add3A_114, %dma_wait3A_154] : memref<125x80xi32, #tpu.memory_space<vmem>> -> memref<1x40xi32, #tpu.memory_space<vmem>>
      %dma_wait3A_156 = tpu.memref_squeeze %dma_wait3A_155 : memref<1x40xi32, #tpu.memory_space<vmem>> -> memref<40xi32, #tpu.memory_space<vmem>>
      %dma_wait3A_157 = arith.constant 0 : i32
      %dma_wait3A_158 = arith.constant 0 : i32
      %dma_wait3A_159 = tpu.memref_slice %arg11[%dma_wait3A_157, %dma_wait3A_158] : memref<10240x128xf32, #tpu.memory_space<vmem_shared>> -> memref<10240x128xf32, #tpu.memory_space<vmem_shared>>
      tpu.wait_indirect_dma semaphore(%arg15 : memref<!tpu.dma_semaphore, #tpu.memory_space<semaphore_mem>>) src(%dma_wait3A_153 : memref<40x128xf32, #tpu.memory_space<vmem>>) dst(%dma_wait3A_159 : memref<10240x128xf32, #tpu.memory_space<vmem_shared>>)
      %add3A_160 = arith.constant 1 : i32
      %add3A_161 = arith.addi %add3A_114, %add3A_160 : i32
      %dma_start3A_162 = arith.constant 0 : i32
      %dma_start3A_163 = arith.constant 0 : i32
      %dma_start3A_164 = tpu.memref_slice %arg9[%dma_start3A_162, %dma_start3A_163] : memref<80x128xf32, #tpu.memory_space<vmem>> -> memref<40x128xf32, #tpu.memory_space<vmem>>
      %dma_start3A_165 = arith.constant 0 : i32
      %dma_start3A_166 = tpu.memref_slice %arg7[%add3A_161, %dma_start3A_165] : memref<125x80xi32, #tpu.memory_space<vmem>> -> memref<1x40xi32, #tpu.memory_space<vmem>>
      %dma_start3A_167 = tpu.memref_squeeze %dma_start3A_166 : memref<1x40xi32, #tpu.memory_space<vmem>> -> memref<40xi32, #tpu.memory_space<vmem>>
      %dma_start3A_168 = arith.constant 0 : i32
      %dma_start3A_169 = arith.constant 0 : i32
      %dma_start3A_170 = tpu.memref_slice %arg2[%dma_start3A_168, %dma_start3A_169] : memref<10240x128xf32, #tpu.memory_space<hbm>> -> memref<10240x128xf32, #tpu.memory_space<hbm>>
      tpu.enqueue_indirect_dma source(%dma_start3A_170 : memref<10240x128xf32, #tpu.memory_space<hbm>>) target(%dma_start3A_164 : memref<40x128xf32, #tpu.memory_space<vmem>>) offsets(%dma_start3A_167 : memref<40xi32, #tpu.memory_space<vmem>>) semaphore(%arg13 : memref<!tpu.dma_semaphore, #tpu.memory_space<semaphore_mem>>)
      %dma_wait3A_171 = arith.constant 40 : i32
      %dma_wait3A_172 = arith.constant 0 : i32
      %dma_wait3A_173 = tpu.memref_slice %arg9[%dma_wait3A_171, %dma_wait3A_172] : memref<80x128xf32, #tpu.memory_space<vmem>> -> memref<40x128xf32, #tpu.memory_space<vmem>>
      %dma_wait3A_174 = arith.constant 40 : i32
      %dma_wait3A_175 = tpu.memref_slice %arg8[%add3A_114, %dma_wait3A_174] : memref<125x80xi32, #tpu.memory_space<vmem>> -> memref<1x40xi32, #tpu.memory_space<vmem>>
      %dma_wait3A_176 = tpu.memref_squeeze %dma_wait3A_175 : memref<1x40xi32, #tpu.memory_space<vmem>> -> memref<40xi32, #tpu.memory_space<vmem>>
      %dma_wait3A_177 = arith.constant 0 : i32
      %dma_wait3A_178 = arith.constant 0 : i32
      %dma_wait3A_179 = tpu.memref_slice %arg11[%dma_wait3A_177, %dma_wait3A_178] : memref<10240x128xf32, #tpu.memory_space<vmem_shared>> -> memref<10240x128xf32, #tpu.memory_space<vmem_shared>>
      tpu.wait_indirect_dma semaphore(%arg16 : memref<!tpu.dma_semaphore, #tpu.memory_space<semaphore_mem>>) src(%dma_wait3A_173 : memref<40x128xf32, #tpu.memory_space<vmem>>) dst(%dma_wait3A_179 : memref<10240x128xf32, #tpu.memory_space<vmem_shared>>)
      %add3A_180 = arith.constant 1 : i32
      %add3A_181 = arith.addi %add3A_114, %add3A_180 : i32
      %dma_start3A_182 = arith.constant 40 : i32
      %dma_start3A_183 = arith.constant 0 : i32
      %dma_start3A_184 = tpu.memref_slice %arg9[%dma_start3A_182, %dma_start3A_183] : memref<80x128xf32, #tpu.memory_space<vmem>> -> memref<40x128xf32, #tpu.memory_space<vmem>>
      %dma_start3A_185 = arith.constant 40 : i32
      %dma_start3A_186 = tpu.memref_slice %arg7[%add3A_181, %dma_start3A_185] : memref<125x80xi32, #tpu.memory_space<vmem>> -> memref<1x40xi32, #tpu.memory_space<vmem>>
      %dma_start3A_187 = tpu.memref_squeeze %dma_start3A_186 : memref<1x40xi32, #tpu.memory_space<vmem>> -> memref<40xi32, #tpu.memory_space<vmem>>
      %dma_start3A_188 = arith.constant 0 : i32
      %dma_start3A_189 = arith.constant 0 : i32
      %dma_start3A_190 = tpu.memref_slice %arg2[%dma_start3A_188, %dma_start3A_189] : memref<10240x128xf32, #tpu.memory_space<hbm>> -> memref<10240x128xf32, #tpu.memory_space<hbm>>
      tpu.enqueue_indirect_dma source(%dma_start3A_190 : memref<10240x128xf32, #tpu.memory_space<hbm>>) target(%dma_start3A_184 : memref<40x128xf32, #tpu.memory_space<vmem>>) offsets(%dma_start3A_187 : memref<40xi32, #tpu.memory_space<vmem>>) semaphore(%arg14 : memref<!tpu.dma_semaphore, #tpu.memory_space<semaphore_mem>>)
      %add3A_191 = arith.constant 2 : i32
      %add3A_192 = arith.addi %mul3A_16, %add3A_191 : i32
      %dma_wait3A_193 = arith.constant 0 : i32
      %dma_wait3A_194 = arith.constant 0 : i32
      %dma_wait3A_195 = tpu.memref_slice %arg9[%dma_wait3A_193, %dma_wait3A_194] : memref<80x128xf32, #tpu.memory_space<vmem>> -> memref<40x128xf32, #tpu.memory_space<vmem>>
      %dma_wait3A_196 = arith.constant 0 : i32
      %dma_wait3A_197 = tpu.memref_slice %arg7[%add3A_161, %dma_wait3A_196] : memref<125x80xi32, #tpu.memory_space<vmem>> -> memref<1x40xi32, #tpu.memory_space<vmem>>
      %dma_wait3A_198 = tpu.memref_squeeze %dma_wait3A_197 : memref<1x40xi32, #tpu.memory_space<vmem>> -> memref<40xi32, #tpu.memory_space<vmem>>
      %dma_wait3A_199 = arith.constant 0 : i32
      %dma_wait3A_200 = arith.constant 0 : i32
      %dma_wait3A_201 = tpu.memref_slice %arg2[%dma_wait3A_199, %dma_wait3A_200] : memref<10240x128xf32, #tpu.memory_space<hbm>> -> memref<10240x128xf32, #tpu.memory_space<hbm>>
      tpu.wait_indirect_dma semaphore(%arg13 : memref<!tpu.dma_semaphore, #tpu.memory_space<semaphore_mem>>) src(%dma_wait3A_201 : memref<10240x128xf32, #tpu.memory_space<hbm>>) dst(%dma_wait3A_195 : memref<40x128xf32, #tpu.memory_space<vmem>>)
      %dma_start3A_202 = arith.constant 0 : i32
      %dma_start3A_203 = arith.constant 0 : i32
      %dma_start3A_204 = tpu.memref_slice %arg9[%dma_start3A_202, %dma_start3A_203] : memref<80x128xf32, #tpu.memory_space<vmem>> -> memref<40x128xf32, #tpu.memory_space<vmem>>
      %dma_start3A_205 = arith.constant 0 : i32
      %dma_start3A_206 = tpu.memref_slice %arg8[%add3A_192, %dma_start3A_205] : memref<125x80xi32, #tpu.memory_space<vmem>> -> memref<1x40xi32, #tpu.memory_space<vmem>>
      %dma_start3A_207 = tpu.memref_squeeze %dma_start3A_206 : memref<1x40xi32, #tpu.memory_space<vmem>> -> memref<40xi32, #tpu.memory_space<vmem>>
      %dma_start3A_208 = arith.constant 0 : i32
      %dma_start3A_209 = arith.constant 0 : i32
      %dma_start3A_210 = tpu.memref_slice %arg11[%dma_start3A_208, %dma_start3A_209] : memref<10240x128xf32, #tpu.memory_space<vmem_shared>> -> memref<10240x128xf32, #tpu.memory_space<vmem_shared>>
      tpu.enqueue_indirect_dma source(%dma_start3A_204 : memref<40x128xf32, #tpu.memory_space<vmem>>) target(%dma_start3A_210 : memref<10240x128xf32, #tpu.memory_space<vmem_shared>>) offsets(%dma_start3A_207 : memref<40xi32, #tpu.memory_space<vmem>>) semaphore(%arg15 : memref<!tpu.dma_semaphore, #tpu.memory_space<semaphore_mem>>) {add = true}
      %dma_wait3A_211 = arith.constant 40 : i32
      %dma_wait3A_212 = arith.constant 0 : i32
      %dma_wait3A_213 = tpu.memref_slice %arg9[%dma_wait3A_211, %dma_wait3A_212] : memref<80x128xf32, #tpu.memory_space<vmem>> -> memref<40x128xf32, #tpu.memory_space<vmem>>
      %dma_wait3A_214 = arith.constant 40 : i32
      %dma_wait3A_215 = tpu.memref_slice %arg7[%add3A_181, %dma_wait3A_214] : memref<125x80xi32, #tpu.memory_space<vmem>> -> memref<1x40xi32, #tpu.memory_space<vmem>>
      %dma_wait3A_216 = tpu.memref_squeeze %dma_wait3A_215 : memref<1x40xi32, #tpu.memory_space<vmem>> -> memref<40xi32, #tpu.memory_space<vmem>>
      %dma_wait3A_217 = arith.constant 0 : i32
      %dma_wait3A_218 = arith.constant 0 : i32
      %dma_wait3A_219 = tpu.memref_slice %arg2[%dma_wait3A_217, %dma_wait3A_218] : memref<10240x128xf32, #tpu.memory_space<hbm>> -> memref<10240x128xf32, #tpu.memory_space<hbm>>
      tpu.wait_indirect_dma semaphore(%arg14 : memref<!tpu.dma_semaphore, #tpu.memory_space<semaphore_mem>>) src(%dma_wait3A_219 : memref<10240x128xf32, #tpu.memory_space<hbm>>) dst(%dma_wait3A_213 : memref<40x128xf32, #tpu.memory_space<vmem>>)
      %dma_start3A_220 = arith.constant 40 : i32
      %dma_start3A_221 = arith.constant 0 : i32
      %dma_start3A_222 = tpu.memref_slice %arg9[%dma_start3A_220, %dma_start3A_221] : memref<80x128xf32, #tpu.memory_space<vmem>> -> memref<40x128xf32, #tpu.memory_space<vmem>>
      %dma_start3A_223 = arith.constant 40 : i32
      %dma_start3A_224 = tpu.memref_slice %arg8[%add3A_192, %dma_start3A_223] : memref<125x80xi32, #tpu.memory_space<vmem>> -> memref<1x40xi32, #tpu.memory_space<vmem>>
      %dma_start3A_225 = tpu.memref_squeeze %dma_start3A_224 : memref<1x40xi32, #tpu.memory_space<vmem>> -> memref<40xi32, #tpu.memory_space<vmem>>
      %dma_start3A_226 = arith.constant 0 : i32
      %dma_start3A_227 = arith.constant 0 : i32
      %dma_start3A_228 = tpu.memref_slice %arg11[%dma_start3A_226, %dma_start3A_227] : memref<10240x128xf32, #tpu.memory_space<vmem_shared>> -> memref<10240x128xf32, #tpu.memory_space<vmem_shared>>
      tpu.enqueue_indirect_dma source(%dma_start3A_222 : memref<40x128xf32, #tpu.memory_space<vmem>>) target(%dma_start3A_228 : memref<10240x128xf32, #tpu.memory_space<vmem_shared>>) offsets(%dma_start3A_225 : memref<40xi32, #tpu.memory_space<vmem>>) semaphore(%arg16 : memref<!tpu.dma_semaphore, #tpu.memory_space<semaphore_mem>>) {add = true}
      %dma_wait3A_229 = arith.constant 0 : i32
      %dma_wait3A_230 = arith.constant 0 : i32
      %dma_wait3A_231 = tpu.memref_slice %arg9[%dma_wait3A_229, %dma_wait3A_230] : memref<80x128xf32, #tpu.memory_space<vmem>> -> memref<40x128xf32, #tpu.memory_space<vmem>>
      %dma_wait3A_232 = arith.constant 0 : i32
      %dma_wait3A_233 = tpu.memref_slice %arg8[%add3A_192, %dma_wait3A_232] : memref<125x80xi32, #tpu.memory_space<vmem>> -> memref<1x40xi32, #tpu.memory_space<vmem>>
      %dma_wait3A_234 = tpu.memref_squeeze %dma_wait3A_233 : memref<1x40xi32, #tpu.memory_space<vmem>> -> memref<40xi32, #tpu.memory_space<vmem>>
      %dma_wait3A_235 = arith.constant 0 : i32
      %dma_wait3A_236 = arith.constant 0 : i32
      %dma_wait3A_237 = tpu.memref_slice %arg11[%dma_wait3A_235, %dma_wait3A_236] : memref<10240x128xf32, #tpu.memory_space<vmem_shared>> -> memref<10240x128xf32, #tpu.memory_space<vmem_shared>>
      tpu.wait_indirect_dma semaphore(%arg15 : memref<!tpu.dma_semaphore, #tpu.memory_space<semaphore_mem>>) src(%dma_wait3A_231 : memref<40x128xf32, #tpu.memory_space<vmem>>) dst(%dma_wait3A_237 : memref<10240x128xf32, #tpu.memory_space<vmem_shared>>)
      %add3A_238 = arith.constant 1 : i32
      %add3A_239 = arith.addi %add3A_192, %add3A_238 : i32
      %dma_start3A_240 = arith.constant 0 : i32
      %dma_start3A_241 = arith.constant 0 : i32
      %dma_start3A_242 = tpu.memref_slice %arg9[%dma_start3A_240, %dma_start3A_241] : memref<80x128xf32, #tpu.memory_space<vmem>> -> memref<40x128xf32, #tpu.memory_space<vmem>>
      %dma_start3A_243 = arith.constant 0 : i32
      %dma_start3A_244 = tpu.memref_slice %arg7[%add3A_239, %dma_start3A_243] : memref<125x80xi32, #tpu.memory_space<vmem>> -> memref<1x40xi32, #tpu.memory_space<vmem>>
      %dma_start3A_245 = tpu.memref_squeeze %dma_start3A_244 : memref<1x40xi32, #tpu.memory_space<vmem>> -> memref<40xi32, #tpu.memory_space<vmem>>
      %dma_start3A_246 = arith.constant 0 : i32
      %dma_start3A_247 = arith.constant 0 : i32
      %dma_start3A_248 = tpu.memref_slice %arg2[%dma_start3A_246, %dma_start3A_247] : memref<10240x128xf32, #tpu.memory_space<hbm>> -> memref<10240x128xf32, #tpu.memory_space<hbm>>
      tpu.enqueue_indirect_dma source(%dma_start3A_248 : memref<10240x128xf32, #tpu.memory_space<hbm>>) target(%dma_start3A_242 : memref<40x128xf32, #tpu.memory_space<vmem>>) offsets(%dma_start3A_245 : memref<40xi32, #tpu.memory_space<vmem>>) semaphore(%arg13 : memref<!tpu.dma_semaphore, #tpu.memory_space<semaphore_mem>>)
      %dma_wait3A_249 = arith.constant 40 : i32
      %dma_wait3A_250 = arith.constant 0 : i32
      %dma_wait3A_251 = tpu.memref_slice %arg9[%dma_wait3A_249, %dma_wait3A_250] : memref<80x128xf32, #tpu.memory_space<vmem>> -> memref<40x128xf32, #tpu.memory_space<vmem>>
      %dma_wait3A_252 = arith.constant 40 : i32
      %dma_wait3A_253 = tpu.memref_slice %arg8[%add3A_192, %dma_wait3A_252] : memref<125x80xi32, #tpu.memory_space<vmem>> -> memref<1x40xi32, #tpu.memory_space<vmem>>
      %dma_wait3A_254 = tpu.memref_squeeze %dma_wait3A_253 : memref<1x40xi32, #tpu.memory_space<vmem>> -> memref<40xi32, #tpu.memory_space<vmem>>
      %dma_wait3A_255 = arith.constant 0 : i32
      %dma_wait3A_256 = arith.constant 0 : i32
      %dma_wait3A_257 = tpu.memref_slice %arg11[%dma_wait3A_255, %dma_wait3A_256] : memref<10240x128xf32, #tpu.memory_space<vmem_shared>> -> memref<10240x128xf32, #tpu.memory_space<vmem_shared>>
      tpu.wait_indirect_dma semaphore(%arg16 : memref<!tpu.dma_semaphore, #tpu.memory_space<semaphore_mem>>) src(%dma_wait3A_251 : memref<40x128xf32, #tpu.memory_space<vmem>>) dst(%dma_wait3A_257 : memref<10240x128xf32, #tpu.memory_space<vmem_shared>>)
      %add3A_258 = arith.constant 1 : i32
      %add3A_259 = arith.addi %add3A_192, %add3A_258 : i32
      %dma_start3A_260 = arith.constant 40 : i32
      %dma_start3A_261 = arith.constant 0 : i32
      %dma_start3A_262 = tpu.memref_slice %arg9[%dma_start3A_260, %dma_start3A_261] : memref<80x128xf32, #tpu.memory_space<vmem>> -> memref<40x128xf32, #tpu.memory_space<vmem>>
      %dma_start3A_263 = arith.constant 40 : i32
      %dma_start3A_264 = tpu.memref_slice %arg7[%add3A_259, %dma_start3A_263] : memref<125x80xi32, #tpu.memory_space<vmem>> -> memref<1x40xi32, #tpu.memory_space<vmem>>
      %dma_start3A_265 = tpu.memref_squeeze %dma_start3A_264 : memref<1x40xi32, #tpu.memory_space<vmem>> -> memref<40xi32, #tpu.memory_space<vmem>>
      %dma_start3A_266 = arith.constant 0 : i32
      %dma_start3A_267 = arith.constant 0 : i32
      %dma_start3A_268 = tpu.memref_slice %arg2[%dma_start3A_266, %dma_start3A_267] : memref<10240x128xf32, #tpu.memory_space<hbm>> -> memref<10240x128xf32, #tpu.memory_space<hbm>>
      tpu.enqueue_indirect_dma source(%dma_start3A_268 : memref<10240x128xf32, #tpu.memory_space<hbm>>) target(%dma_start3A_262 : memref<40x128xf32, #tpu.memory_space<vmem>>) offsets(%dma_start3A_265 : memref<40xi32, #tpu.memory_space<vmem>>) semaphore(%arg14 : memref<!tpu.dma_semaphore, #tpu.memory_space<semaphore_mem>>)
      %add3A_269 = arith.constant 3 : i32
      %add3A_270 = arith.addi %mul3A_16, %add3A_269 : i32
      %dma_wait3A_271 = arith.constant 0 : i32
      %dma_wait3A_272 = arith.constant 0 : i32
      %dma_wait3A_273 = tpu.memref_slice %arg9[%dma_wait3A_271, %dma_wait3A_272] : memref<80x128xf32, #tpu.memory_space<vmem>> -> memref<40x128xf32, #tpu.memory_space<vmem>>
      %dma_wait3A_274 = arith.constant 0 : i32
      %dma_wait3A_275 = tpu.memref_slice %arg7[%add3A_239, %dma_wait3A_274] : memref<125x80xi32, #tpu.memory_space<vmem>> -> memref<1x40xi32, #tpu.memory_space<vmem>>
      %dma_wait3A_276 = tpu.memref_squeeze %dma_wait3A_275 : memref<1x40xi32, #tpu.memory_space<vmem>> -> memref<40xi32, #tpu.memory_space<vmem>>
      %dma_wait3A_277 = arith.constant 0 : i32
      %dma_wait3A_278 = arith.constant 0 : i32
      %dma_wait3A_279 = tpu.memref_slice %arg2[%dma_wait3A_277, %dma_wait3A_278] : memref<10240x128xf32, #tpu.memory_space<hbm>> -> memref<10240x128xf32, #tpu.memory_space<hbm>>
      tpu.wait_indirect_dma semaphore(%arg13 : memref<!tpu.dma_semaphore, #tpu.memory_space<semaphore_mem>>) src(%dma_wait3A_279 : memref<10240x128xf32, #tpu.memory_space<hbm>>) dst(%dma_wait3A_273 : memref<40x128xf32, #tpu.memory_space<vmem>>)
      %dma_start3A_280 = arith.constant 0 : i32
      %dma_start3A_281 = arith.constant 0 : i32
      %dma_start3A_282 = tpu.memref_slice %arg9[%dma_start3A_280, %dma_start3A_281] : memref<80x128xf32, #tpu.memory_space<vmem>> -> memref<40x128xf32, #tpu.memory_space<vmem>>
      %dma_start3A_283 = arith.constant 0 : i32
      %dma_start3A_284 = tpu.memref_slice %arg8[%add3A_270, %dma_start3A_283] : memref<125x80xi32, #tpu.memory_space<vmem>> -> memref<1x40xi32, #tpu.memory_space<vmem>>
      %dma_start3A_285 = tpu.memref_squeeze %dma_start3A_284 : memref<1x40xi32, #tpu.memory_space<vmem>> -> memref<40xi32, #tpu.memory_space<vmem>>
      %dma_start3A_286 = arith.constant 0 : i32
      %dma_start3A_287 = arith.constant 0 : i32
      %dma_start3A_288 = tpu.memref_slice %arg11[%dma_start3A_286, %dma_start3A_287] : memref<10240x128xf32, #tpu.memory_space<vmem_shared>> -> memref<10240x128xf32, #tpu.memory_space<vmem_shared>>
      tpu.enqueue_indirect_dma source(%dma_start3A_282 : memref<40x128xf32, #tpu.memory_space<vmem>>) target(%dma_start3A_288 : memref<10240x128xf32, #tpu.memory_space<vmem_shared>>) offsets(%dma_start3A_285 : memref<40xi32, #tpu.memory_space<vmem>>) semaphore(%arg15 : memref<!tpu.dma_semaphore, #tpu.memory_space<semaphore_mem>>) {add = true}
      %dma_wait3A_289 = arith.constant 40 : i32
      %dma_wait3A_290 = arith.constant 0 : i32
      %dma_wait3A_291 = tpu.memref_slice %arg9[%dma_wait3A_289, %dma_wait3A_290] : memref<80x128xf32, #tpu.memory_space<vmem>> -> memref<40x128xf32, #tpu.memory_space<vmem>>
      %dma_wait3A_292 = arith.constant 40 : i32
      %dma_wait3A_293 = tpu.memref_slice %arg7[%add3A_259, %dma_wait3A_292] : memref<125x80xi32, #tpu.memory_space<vmem>> -> memref<1x40xi32, #tpu.memory_space<vmem>>
      %dma_wait3A_294 = tpu.memref_squeeze %dma_wait3A_293 : memref<1x40xi32, #tpu.memory_space<vmem>> -> memref<40xi32, #tpu.memory_space<vmem>>
      %dma_wait3A_295 = arith.constant 0 : i32
      %dma_wait3A_296 = arith.constant 0 : i32
      %dma_wait3A_297 = tpu.memref_slice %arg2[%dma_wait3A_295, %dma_wait3A_296] : memref<10240x128xf32, #tpu.memory_space<hbm>> -> memref<10240x128xf32, #tpu.memory_space<hbm>>
      tpu.wait_indirect_dma semaphore(%arg14 : memref<!tpu.dma_semaphore, #tpu.memory_space<semaphore_mem>>) src(%dma_wait3A_297 : memref<10240x128xf32, #tpu.memory_space<hbm>>) dst(%dma_wait3A_291 : memref<40x128xf32, #tpu.memory_space<vmem>>)
      %dma_start3A_298 = arith.constant 40 : i32
      %dma_start3A_299 = arith.constant 0 : i32
      %dma_start3A_300 = tpu.memref_slice %arg9[%dma_start3A_298, %dma_start3A_299] : memref<80x128xf32, #tpu.memory_space<vmem>> -> memref<40x128xf32, #tpu.memory_space<vmem>>
      %dma_start3A_301 = arith.constant 40 : i32
      %dma_start3A_302 = tpu.memref_slice %arg8[%add3A_270, %dma_start3A_301] : memref<125x80xi32, #tpu.memory_space<vmem>> -> memref<1x40xi32, #tpu.memory_space<vmem>>
      %dma_start3A_303 = tpu.memref_squeeze %dma_start3A_302 : memref<1x40xi32, #tpu.memory_space<vmem>> -> memref<40xi32, #tpu.memory_space<vmem>>
      %dma_start3A_304 = arith.constant 0 : i32
      %dma_start3A_305 = arith.constant 0 : i32
      %dma_start3A_306 = tpu.memref_slice %arg11[%dma_start3A_304, %dma_start3A_305] : memref<10240x128xf32, #tpu.memory_space<vmem_shared>> -> memref<10240x128xf32, #tpu.memory_space<vmem_shared>>
      tpu.enqueue_indirect_dma source(%dma_start3A_300 : memref<40x128xf32, #tpu.memory_space<vmem>>) target(%dma_start3A_306 : memref<10240x128xf32, #tpu.memory_space<vmem_shared>>) offsets(%dma_start3A_303 : memref<40xi32, #tpu.memory_space<vmem>>) semaphore(%arg16 : memref<!tpu.dma_semaphore, #tpu.memory_space<semaphore_mem>>) {add = true}
      %dma_wait3A_307 = arith.constant 0 : i32
      %dma_wait3A_308 = arith.constant 0 : i32
      %dma_wait3A_309 = tpu.memref_slice %arg9[%dma_wait3A_307, %dma_wait3A_308] : memref<80x128xf32, #tpu.memory_space<vmem>> -> memref<40x128xf32, #tpu.memory_space<vmem>>
      %dma_wait3A_310 = arith.constant 0 : i32
      %dma_wait3A_311 = tpu.memref_slice %arg8[%add3A_270, %dma_wait3A_310] : memref<125x80xi32, #tpu.memory_space<vmem>> -> memref<1x40xi32, #tpu.memory_space<vmem>>
      %dma_wait3A_312 = tpu.memref_squeeze %dma_wait3A_311 : memref<1x40xi32, #tpu.memory_space<vmem>> -> memref<40xi32, #tpu.memory_space<vmem>>
      %dma_wait3A_313 = arith.constant 0 : i32
      %dma_wait3A_314 = arith.constant 0 : i32
      %dma_wait3A_315 = tpu.memref_slice %arg11[%dma_wait3A_313, %dma_wait3A_314] : memref<10240x128xf32, #tpu.memory_space<vmem_shared>> -> memref<10240x128xf32, #tpu.memory_space<vmem_shared>>
      tpu.wait_indirect_dma semaphore(%arg15 : memref<!tpu.dma_semaphore, #tpu.memory_space<semaphore_mem>>) src(%dma_wait3A_309 : memref<40x128xf32, #tpu.memory_space<vmem>>) dst(%dma_wait3A_315 : memref<10240x128xf32, #tpu.memory_space<vmem_shared>>)
      %add3A_316 = arith.constant 1 : i32
      %add3A_317 = arith.addi %add3A_270, %add3A_316 : i32
      %dma_start3A_318 = arith.constant 0 : i32
      %dma_start3A_319 = arith.constant 0 : i32
      %dma_start3A_320 = tpu.memref_slice %arg9[%dma_start3A_318, %dma_start3A_319] : memref<80x128xf32, #tpu.memory_space<vmem>> -> memref<40x128xf32, #tpu.memory_space<vmem>>
      %dma_start3A_321 = arith.constant 0 : i32
      %dma_start3A_322 = tpu.memref_slice %arg7[%add3A_317, %dma_start3A_321] : memref<125x80xi32, #tpu.memory_space<vmem>> -> memref<1x40xi32, #tpu.memory_space<vmem>>
      %dma_start3A_323 = tpu.memref_squeeze %dma_start3A_322 : memref<1x40xi32, #tpu.memory_space<vmem>> -> memref<40xi32, #tpu.memory_space<vmem>>
      %dma_start3A_324 = arith.constant 0 : i32
      %dma_start3A_325 = arith.constant 0 : i32
      %dma_start3A_326 = tpu.memref_slice %arg2[%dma_start3A_324, %dma_start3A_325] : memref<10240x128xf32, #tpu.memory_space<hbm>> -> memref<10240x128xf32, #tpu.memory_space<hbm>>
      tpu.enqueue_indirect_dma source(%dma_start3A_326 : memref<10240x128xf32, #tpu.memory_space<hbm>>) target(%dma_start3A_320 : memref<40x128xf32, #tpu.memory_space<vmem>>) offsets(%dma_start3A_323 : memref<40xi32, #tpu.memory_space<vmem>>) semaphore(%arg13 : memref<!tpu.dma_semaphore, #tpu.memory_space<semaphore_mem>>)
      %dma_wait3A_327 = arith.constant 40 : i32
      %dma_wait3A_328 = arith.constant 0 : i32
      %dma_wait3A_329 = tpu.memref_slice %arg9[%dma_wait3A_327, %dma_wait3A_328] : memref<80x128xf32, #tpu.memory_space<vmem>> -> memref<40x128xf32, #tpu.memory_space<vmem>>
      %dma_wait3A_330 = arith.constant 40 : i32
      %dma_wait3A_331 = tpu.memref_slice %arg8[%add3A_270, %dma_wait3A_330] : memref<125x80xi32, #tpu.memory_space<vmem>> -> memref<1x40xi32, #tpu.memory_space<vmem>>
      %dma_wait3A_332 = tpu.memref_squeeze %dma_wait3A_331 : memref<1x40xi32, #tpu.memory_space<vmem>> -> memref<40xi32, #tpu.memory_space<vmem>>
      %dma_wait3A_333 = arith.constant 0 : i32
      %dma_wait3A_334 = arith.constant 0 : i32
      %dma_wait3A_335 = tpu.memref_slice %arg11[%dma_wait3A_333, %dma_wait3A_334] : memref<10240x128xf32, #tpu.memory_space<vmem_shared>> -> memref<10240x128xf32, #tpu.memory_space<vmem_shared>>
      tpu.wait_indirect_dma semaphore(%arg16 : memref<!tpu.dma_semaphore, #tpu.memory_space<semaphore_mem>>) src(%dma_wait3A_329 : memref<40x128xf32, #tpu.memory_space<vmem>>) dst(%dma_wait3A_335 : memref<10240x128xf32, #tpu.memory_space<vmem_shared>>)
      %add3A_336 = arith.constant 1 : i32
      %add3A_337 = arith.addi %add3A_270, %add3A_336 : i32
      %dma_start3A_338 = arith.constant 40 : i32
      %dma_start3A_339 = arith.constant 0 : i32
      %dma_start3A_340 = tpu.memref_slice %arg9[%dma_start3A_338, %dma_start3A_339] : memref<80x128xf32, #tpu.memory_space<vmem>> -> memref<40x128xf32, #tpu.memory_space<vmem>>
      %dma_start3A_341 = arith.constant 40 : i32
      %dma_start3A_342 = tpu.memref_slice %arg7[%add3A_337, %dma_start3A_341] : memref<125x80xi32, #tpu.memory_space<vmem>> -> memref<1x40xi32, #tpu.memory_space<vmem>>
      %dma_start3A_343 = tpu.memref_squeeze %dma_start3A_342 : memref<1x40xi32, #tpu.memory_space<vmem>> -> memref<40xi32, #tpu.memory_space<vmem>>
      %dma_start3A_344 = arith.constant 0 : i32
      %dma_start3A_345 = arith.constant 0 : i32
      %dma_start3A_346 = tpu.memref_slice %arg2[%dma_start3A_344, %dma_start3A_345] : memref<10240x128xf32, #tpu.memory_space<hbm>> -> memref<10240x128xf32, #tpu.memory_space<hbm>>
      tpu.enqueue_indirect_dma source(%dma_start3A_346 : memref<10240x128xf32, #tpu.memory_space<hbm>>) target(%dma_start3A_340 : memref<40x128xf32, #tpu.memory_space<vmem>>) offsets(%dma_start3A_343 : memref<40xi32, #tpu.memory_space<vmem>>) semaphore(%arg14 : memref<!tpu.dma_semaphore, #tpu.memory_space<semaphore_mem>>)
      %add3A_347 = arith.constant 4 : i32
      %add3A_348 = arith.addi %mul3A_16, %add3A_347 : i32
      %dma_wait3A_349 = arith.constant 0 : i32
      %dma_wait3A_350 = arith.constant 0 : i32
      %dma_wait3A_351 = tpu.memref_slice %arg9[%dma_wait3A_349, %dma_wait3A_350] : memref<80x128xf32, #tpu.memory_space<vmem>> -> memref<40x128xf32, #tpu.memory_space<vmem>>
      %dma_wait3A_352 = arith.constant 0 : i32
      %dma_wait3A_353 = tpu.memref_slice %arg7[%add3A_317, %dma_wait3A_352] : memref<125x80xi32, #tpu.memory_space<vmem>> -> memref<1x40xi32, #tpu.memory_space<vmem>>
      %dma_wait3A_354 = tpu.memref_squeeze %dma_wait3A_353 : memref<1x40xi32, #tpu.memory_space<vmem>> -> memref<40xi32, #tpu.memory_space<vmem>>
      %dma_wait3A_355 = arith.constant 0 : i32
      %dma_wait3A_356 = arith.constant 0 : i32
      %dma_wait3A_357 = tpu.memref_slice %arg2[%dma_wait3A_355, %dma_wait3A_356] : memref<10240x128xf32, #tpu.memory_space<hbm>> -> memref<10240x128xf32, #tpu.memory_space<hbm>>
      tpu.wait_indirect_dma semaphore(%arg13 : memref<!tpu.dma_semaphore, #tpu.memory_space<semaphore_mem>>) src(%dma_wait3A_357 : memref<10240x128xf32, #tpu.memory_space<hbm>>) dst(%dma_wait3A_351 : memref<40x128xf32, #tpu.memory_space<vmem>>)
      %dma_start3A_358 = arith.constant 0 : i32
      %dma_start3A_359 = arith.constant 0 : i32
      %dma_start3A_360 = tpu.memref_slice %arg9[%dma_start3A_358, %dma_start3A_359] : memref<80x128xf32, #tpu.memory_space<vmem>> -> memref<40x128xf32, #tpu.memory_space<vmem>>
      %dma_start3A_361 = arith.constant 0 : i32
      %dma_start3A_362 = tpu.memref_slice %arg8[%add3A_348, %dma_start3A_361] : memref<125x80xi32, #tpu.memory_space<vmem>> -> memref<1x40xi32, #tpu.memory_space<vmem>>
      %dma_start3A_363 = tpu.memref_squeeze %dma_start3A_362 : memref<1x40xi32, #tpu.memory_space<vmem>> -> memref<40xi32, #tpu.memory_space<vmem>>
      %dma_start3A_364 = arith.constant 0 : i32
      %dma_start3A_365 = arith.constant 0 : i32
      %dma_start3A_366 = tpu.memref_slice %arg11[%dma_start3A_364, %dma_start3A_365] : memref<10240x128xf32, #tpu.memory_space<vmem_shared>> -> memref<10240x128xf32, #tpu.memory_space<vmem_shared>>
      tpu.enqueue_indirect_dma source(%dma_start3A_360 : memref<40x128xf32, #tpu.memory_space<vmem>>) target(%dma_start3A_366 : memref<10240x128xf32, #tpu.memory_space<vmem_shared>>) offsets(%dma_start3A_363 : memref<40xi32, #tpu.memory_space<vmem>>) semaphore(%arg15 : memref<!tpu.dma_semaphore, #tpu.memory_space<semaphore_mem>>) {add = true}
      %dma_wait3A_367 = arith.constant 40 : i32
      %dma_wait3A_368 = arith.constant 0 : i32
      %dma_wait3A_369 = tpu.memref_slice %arg9[%dma_wait3A_367, %dma_wait3A_368] : memref<80x128xf32, #tpu.memory_space<vmem>> -> memref<40x128xf32, #tpu.memory_space<vmem>>
      %dma_wait3A_370 = arith.constant 40 : i32
      %dma_wait3A_371 = tpu.memref_slice %arg7[%add3A_337, %dma_wait3A_370] : memref<125x80xi32, #tpu.memory_space<vmem>> -> memref<1x40xi32, #tpu.memory_space<vmem>>
      %dma_wait3A_372 = tpu.memref_squeeze %dma_wait3A_371 : memref<1x40xi32, #tpu.memory_space<vmem>> -> memref<40xi32, #tpu.memory_space<vmem>>
      %dma_wait3A_373 = arith.constant 0 : i32
      %dma_wait3A_374 = arith.constant 0 : i32
      %dma_wait3A_375 = tpu.memref_slice %arg2[%dma_wait3A_373, %dma_wait3A_374] : memref<10240x128xf32, #tpu.memory_space<hbm>> -> memref<10240x128xf32, #tpu.memory_space<hbm>>
      tpu.wait_indirect_dma semaphore(%arg14 : memref<!tpu.dma_semaphore, #tpu.memory_space<semaphore_mem>>) src(%dma_wait3A_375 : memref<10240x128xf32, #tpu.memory_space<hbm>>) dst(%dma_wait3A_369 : memref<40x128xf32, #tpu.memory_space<vmem>>)
      %dma_start3A_376 = arith.constant 40 : i32
      %dma_start3A_377 = arith.constant 0 : i32
      %dma_start3A_378 = tpu.memref_slice %arg9[%dma_start3A_376, %dma_start3A_377] : memref<80x128xf32, #tpu.memory_space<vmem>> -> memref<40x128xf32, #tpu.memory_space<vmem>>
      %dma_start3A_379 = arith.constant 40 : i32
      %dma_start3A_380 = tpu.memref_slice %arg8[%add3A_348, %dma_start3A_379] : memref<125x80xi32, #tpu.memory_space<vmem>> -> memref<1x40xi32, #tpu.memory_space<vmem>>
      %dma_start3A_381 = tpu.memref_squeeze %dma_start3A_380 : memref<1x40xi32, #tpu.memory_space<vmem>> -> memref<40xi32, #tpu.memory_space<vmem>>
      %dma_start3A_382 = arith.constant 0 : i32
      %dma_start3A_383 = arith.constant 0 : i32
      %dma_start3A_384 = tpu.memref_slice %arg11[%dma_start3A_382, %dma_start3A_383] : memref<10240x128xf32, #tpu.memory_space<vmem_shared>> -> memref<10240x128xf32, #tpu.memory_space<vmem_shared>>
      tpu.enqueue_indirect_dma source(%dma_start3A_378 : memref<40x128xf32, #tpu.memory_space<vmem>>) target(%dma_start3A_384 : memref<10240x128xf32, #tpu.memory_space<vmem_shared>>) offsets(%dma_start3A_381 : memref<40xi32, #tpu.memory_space<vmem>>) semaphore(%arg16 : memref<!tpu.dma_semaphore, #tpu.memory_space<semaphore_mem>>) {add = true}
      %dma_wait3A_385 = arith.constant 0 : i32
      %dma_wait3A_386 = arith.constant 0 : i32
      %dma_wait3A_387 = tpu.memref_slice %arg9[%dma_wait3A_385, %dma_wait3A_386] : memref<80x128xf32, #tpu.memory_space<vmem>> -> memref<40x128xf32, #tpu.memory_space<vmem>>
      %dma_wait3A_388 = arith.constant 0 : i32
      %dma_wait3A_389 = tpu.memref_slice %arg8[%add3A_348, %dma_wait3A_388] : memref<125x80xi32, #tpu.memory_space<vmem>> -> memref<1x40xi32, #tpu.memory_space<vmem>>
      %dma_wait3A_390 = tpu.memref_squeeze %dma_wait3A_389 : memref<1x40xi32, #tpu.memory_space<vmem>> -> memref<40xi32, #tpu.memory_space<vmem>>
      %dma_wait3A_391 = arith.constant 0 : i32
      %dma_wait3A_392 = arith.constant 0 : i32
      %dma_wait3A_393 = tpu.memref_slice %arg11[%dma_wait3A_391, %dma_wait3A_392] : memref<10240x128xf32, #tpu.memory_space<vmem_shared>> -> memref<10240x128xf32, #tpu.memory_space<vmem_shared>>
      tpu.wait_indirect_dma semaphore(%arg15 : memref<!tpu.dma_semaphore, #tpu.memory_space<semaphore_mem>>) src(%dma_wait3A_387 : memref<40x128xf32, #tpu.memory_space<vmem>>) dst(%dma_wait3A_393 : memref<10240x128xf32, #tpu.memory_space<vmem_shared>>)
      %dma_wait3A_394 = arith.constant 40 : i32
      %dma_wait3A_395 = arith.constant 0 : i32
      %dma_wait3A_396 = tpu.memref_slice %arg9[%dma_wait3A_394, %dma_wait3A_395] : memref<80x128xf32, #tpu.memory_space<vmem>> -> memref<40x128xf32, #tpu.memory_space<vmem>>
      %dma_wait3A_397 = arith.constant 40 : i32
      %dma_wait3A_398 = tpu.memref_slice %arg8[%add3A_348, %dma_wait3A_397] : memref<125x80xi32, #tpu.memory_space<vmem>> -> memref<1x40xi32, #tpu.memory_space<vmem>>
      %dma_wait3A_399 = tpu.memref_squeeze %dma_wait3A_398 : memref<1x40xi32, #tpu.memory_space<vmem>> -> memref<40xi32, #tpu.memory_space<vmem>>
      %dma_wait3A_400 = arith.constant 0 : i32
      %dma_wait3A_401 = arith.constant 0 : i32
      %dma_wait3A_402 = tpu.memref_slice %arg11[%dma_wait3A_400, %dma_wait3A_401] : memref<10240x128xf32, #tpu.memory_space<vmem_shared>> -> memref<10240x128xf32, #tpu.memory_space<vmem_shared>>
      tpu.wait_indirect_dma semaphore(%arg16 : memref<!tpu.dma_semaphore, #tpu.memory_space<semaphore_mem>>) src(%dma_wait3A_396 : memref<40x128xf32, #tpu.memory_space<vmem>>) dst(%dma_wait3A_402 : memref<10240x128xf32, #tpu.memory_space<vmem_shared>>)
    }
    %scan3A_9 = arith.constant 25 : i32
    %barrier3A_10 = arith.constant 0 : index
    tpu.barrier barrier_id(%barrier3A_10)
    %mul3A_11 = arith.constant 10240 : i32
    %mul3A_12 = arith.muli %arg0, %mul3A_11 : i32
    %add3A_13 = arith.addi %mul3A_12, %mul3A_2 : i32
    "tpu.region"() ({
      %run_scoped3A = tpu.sem_alloc : memref<!tpu.dma_semaphore, #tpu.memory_space<semaphore_mem>>
      %dma_start3A_14 = arith.constant 0 : i32
      %dma_start3A_15 = tpu.memref_slice %arg6[%add3A_13, %dma_start3A_14] : memref<20480x128xf32, #tpu.memory_space<hbm>> -> memref<640x128xf32, #tpu.memory_space<hbm>>
      %dma_start3A_16 = arith.constant 0 : i32
      %dma_start3A_17 = tpu.memref_slice %arg11[%mul3A_2, %dma_start3A_16] : memref<10240x128xf32, #tpu.memory_space<vmem_shared>> -> memref<640x128xf32, #tpu.memory_space<vmem_shared>>
      tpu.enqueue_dma source(%dma_start3A_17 : memref<640x128xf32, #tpu.memory_space<vmem_shared>>) target(%dma_start3A_15 : memref<640x128xf32, #tpu.memory_space<hbm>>) target_semaphore(%run_scoped3A : memref<!tpu.dma_semaphore, #tpu.memory_space<semaphore_mem>>)
      %dma_wait3A_18 = arith.constant 0 : i32
      %dma_wait3A_19 = tpu.memref_slice %arg6[%add3A_13, %dma_wait3A_18] : memref<20480x128xf32, #tpu.memory_space<hbm>> -> memref<640x128xf32, #tpu.memory_space<hbm>>
      %dma_wait3A_20 = arith.constant 0 : i32
      %dma_wait3A_21 = tpu.memref_slice %arg11[%mul3A_2, %dma_wait3A_20] : memref<10240x128xf32, #tpu.memory_space<vmem_shared>> -> memref<640x128xf32, #tpu.memory_space<vmem_shared>>
      tpu.wait_dma2 semaphore(%run_scoped3A : memref<!tpu.dma_semaphore, #tpu.memory_space<semaphore_mem>>) src(%dma_wait3A_21 : memref<640x128xf32, #tpu.memory_space<vmem_shared>>) dst(%dma_wait3A_19 : memref<640x128xf32, #tpu.memory_space<hbm>>)
      tpu.yield
    }) : () -> ()
    return
  }
}

module attributes {stable_mosaic.version = 14 : i64} {
  func.func @_dense_body(%arg0: i32, %arg1: memref<1024x128xf32, #tpu.memory_space<vmem>>, %arg2: memref<1024x128xf32, #tpu.memory_space<vmem>>, %arg3: memref<1024xf32, #tpu.memory_space<vmem>>, %arg4: memref<1024xf32, #tpu.memory_space<vmem>>, %arg5: memref<1024x128xf32, #tpu.memory_space<vmem>>, %arg6: memref<128x128xf32, #tpu.memory_space<vmem>>, %arg7: memref<128x128xf32, #tpu.memory_space<vmem>>, %arg8: memref<1x128xf32, #tpu.memory_space<vmem>>, %arg9: memref<1024x128xf32, #tpu.memory_space<vmem>>) attributes {dimension_semantics = [#tpu.dimension_semantics<arbitrary>], iteration_bounds = array<i64: 10>, scalar_prefetch = 0 : i64, scratch_operands = 0 : i64, tpu.core_type = #tpu.core_type<tc>, window_params = [{transform_indices = @transform_0, window_bounds = array<i64: 1024, 128>}, {transform_indices = @transform_1, window_bounds = array<i64: 1024, 128>}, {transform_indices = @transform_2, window_bounds = array<i64: 1024>}, {transform_indices = @transform_3, window_bounds = array<i64: 1024>}, {transform_indices = @transform_4, window_bounds = array<i64: 1024, 128>}, {pipeline_mode = #tpu.pipeline_mode<synchronous>, transform_indices = @transform_5, window_bounds = array<i64: 128, 128>}, {pipeline_mode = #tpu.pipeline_mode<synchronous>, transform_indices = @transform_6, window_bounds = array<i64: 128, 128>}, {pipeline_mode = #tpu.pipeline_mode<synchronous>, transform_indices = @transform_7, window_bounds = array<i64: 1, 128>}, {transform_indices = @transform_8, window_bounds = array<i64: 1024, 128>}]} {
    %get3A = arith.constant 0 : index
    %get3A_0 = vector.load %arg3[%get3A] : memref<1024xf32, #tpu.memory_space<vmem>>, vector<1024xf32>
    %get3A_1 = arith.constant 0 : index
    %get3A_2 = vector.load %arg4[%get3A_1] : memref<1024xf32, #tpu.memory_space<vmem>>, vector<1024xf32>
    %add3A = arith.addf %get3A_0, %get3A_2 : vector<1024xf32>
    %max3A = arith.constant 1.000000e+00 : f32
    %max3A_3 = vector.broadcast %max3A : f32 to vector<1024xf32>
    %max3A_4 = arith.maximumf %add3A, %max3A_3 : vector<1024xf32>
    %get3A_5 = arith.constant 0 : index
    %get3A_6 = arith.constant 0 : index
    %get3A_7 = vector.load %arg1[%get3A_5, %get3A_6] : memref<1024x128xf32, #tpu.memory_space<vmem>>, vector<1024x128xf32>
    %get3A_8 = arith.constant 0 : index
    %get3A_9 = arith.constant 0 : index
    %get3A_10 = vector.load %arg2[%get3A_8, %get3A_9] : memref<1024x128xf32, #tpu.memory_space<vmem>>, vector<1024x128xf32>
    %add3A_11 = arith.addf %get3A_7, %get3A_10 : vector<1024x128xf32>
    %div3A = arith.constant 1.000000e+00 : f32
    %div3A_12 = vector.broadcast %div3A : f32 to vector<1024xf32>
    %div3A_13 = arith.divf %div3A_12, %max3A_4 : vector<1024xf32>
    %broadcast_in_dim3A = vector.shape_cast %div3A_13 : vector<1024xf32> to vector<1024x1xf32>
    %mul3A = vector.broadcast %broadcast_in_dim3A : vector<1024x1xf32> to vector<1024x128xf32>
    %mul3A_14 = arith.mulf %add3A_11, %mul3A : vector<1024x128xf32>
    %get3A_15 = arith.constant 0 : index
    %get3A_16 = arith.constant 0 : index
    %get3A_17 = vector.load %arg6[%get3A_15, %get3A_16] : memref<128x128xf32, #tpu.memory_space<vmem>>, vector<128x128xf32>
    %dot_general3A = arith.constant dense<0.000000e+00> : vector<1024x128xf32>
    %dot_general3A_18 = tpu.matmul %mul3A_14, %get3A_17, %dot_general3A {dimension_numbers = #tpu.dot_dimension_numbers<[1], [0], [0], [1], [0, 0, 1, 1], [], []>, transpose_lhs_hint = false} : vector<1024x128xf32>, vector<128x128xf32>, vector<1024x128xf32> -> vector<1024x128xf32>
    %get3A_19 = arith.constant 0 : index
    %get3A_20 = arith.constant 0 : index
    %get3A_21 = vector.load %arg5[%get3A_19, %get3A_20] : memref<1024x128xf32, #tpu.memory_space<vmem>>, vector<1024x128xf32>
    %get3A_22 = arith.constant 0 : index
    %get3A_23 = arith.constant 0 : index
    %get3A_24 = vector.load %arg7[%get3A_22, %get3A_23] : memref<128x128xf32, #tpu.memory_space<vmem>>, vector<128x128xf32>
    %dot_general3A_25 = arith.constant dense<0.000000e+00> : vector<1024x128xf32>
    %dot_general3A_26 = tpu.matmul %get3A_21, %get3A_24, %dot_general3A_25 {dimension_numbers = #tpu.dot_dimension_numbers<[1], [0], [0], [1], [0, 0, 1, 1], [], []>, transpose_lhs_hint = false} : vector<1024x128xf32>, vector<128x128xf32>, vector<1024x128xf32> -> vector<1024x128xf32>
    %add3A_27 = arith.addf %dot_general3A_18, %dot_general3A_26 : vector<1024x128xf32>
    %get3A_28 = arith.constant 0 : index
    %get3A_29 = arith.constant 0 : index
    %get3A_30 = vector.load %arg8[%get3A_28, %get3A_29] : memref<1x128xf32, #tpu.memory_space<vmem>>, vector<1x128xf32>
    %add3A_31 = vector.broadcast %get3A_30 : vector<1x128xf32> to vector<1024x128xf32>
    %add3A_32 = arith.addf %add3A_27, %add3A_31 : vector<1024x128xf32>
    %max3A_33 = arith.constant 0.000000e+00 : f32
    %max3A_34 = vector.broadcast %max3A_33 : f32 to vector<1024x128xf32>
    %max3A_35 = arith.maximumf %add3A_32, %max3A_34 : vector<1024x128xf32>
    %swap3A = arith.constant 0 : index
    %swap3A_36 = arith.constant 0 : index
    %swap3A_37 = vector.load %arg9[%swap3A, %swap3A_36] : memref<1024x128xf32, #tpu.memory_space<vmem>>, vector<1024x128xf32>
    tpu.vector_store %arg9[%swap3A, %swap3A_36], %max3A_35 {strides = array<i32>} : memref<1024x128xf32, #tpu.memory_space<vmem>>, vector<1024x128xf32>,
    return
  }
  func.func @transform_0(%arg0: i32) -> (i32, i32) {
    %c0_i32 = arith.constant 0 : i32
    %c0_i32_0 = arith.constant 0 : i32
    return %arg0, %c0_i32 : i32, i32
  }
  func.func @transform_1(%arg0: i32) -> (i32, i32) {
    %add3A = arith.constant 10 : i32
    %add3A_0 = arith.addi %arg0, %add3A : i32
    %c0_i32 = arith.constant 0 : i32
    %c0_i32_1 = arith.constant 0 : i32
    return %add3A_0, %c0_i32 : i32, i32
  }
  func.func @transform_2(%arg0: i32) -> i32 {
    %c0_i32 = arith.constant 0 : i32
    return %arg0 : i32
  }
  func.func @transform_3(%arg0: i32) -> i32 {
    %add3A = arith.constant 10 : i32
    %add3A_0 = arith.addi %arg0, %add3A : i32
    %c0_i32 = arith.constant 0 : i32
    return %add3A_0 : i32
  }
  func.func @transform_4(%arg0: i32) -> (i32, i32) {
    %c0_i32 = arith.constant 0 : i32
    %c0_i32_0 = arith.constant 0 : i32
    return %arg0, %c0_i32 : i32, i32
  }
  func.func @transform_5(%arg0: i32) -> (i32, i32) {
    %c0_i32 = arith.constant 0 : i32
    %c0_i32_0 = arith.constant 0 : i32
    %c0_i32_1 = arith.constant 0 : i32
    return %c0_i32, %c0_i32_0 : i32, i32
  }
  func.func @transform_6(%arg0: i32) -> (i32, i32) {
    %c0_i32 = arith.constant 0 : i32
    %c0_i32_0 = arith.constant 0 : i32
    %c0_i32_1 = arith.constant 0 : i32
    return %c0_i32, %c0_i32_0 : i32, i32
  }
  func.func @transform_7(%arg0: i32) -> (i32, i32) {
    %c0_i32 = arith.constant 0 : i32
    %c0_i32_0 = arith.constant 0 : i32
    %c0_i32_1 = arith.constant 0 : i32
    return %c0_i32, %c0_i32_0 : i32, i32
  }
  func.func @transform_8(%arg0: i32) -> (i32, i32) {
    %c0_i32 = arith.constant 0 : i32
    %c0_i32_0 = arith.constant 0 : i32
    return %arg0, %c0_i32 : i32, i32
  }
}

module attributes {stable_mosaic.version = 14 : i64} {
  func.func @_dense_body(%arg0: i32, %arg1: memref<1024x128xf32, #tpu.memory_space<vmem>>, %arg2: memref<1024x128xf32, #tpu.memory_space<vmem>>, %arg3: memref<1024xf32, #tpu.memory_space<vmem>>, %arg4: memref<1024xf32, #tpu.memory_space<vmem>>, %arg5: memref<1024x128xf32, #tpu.memory_space<vmem>>, %arg6: memref<128x128xf32, #tpu.memory_space<vmem>>, %arg7: memref<128x128xf32, #tpu.memory_space<vmem>>, %arg8: memref<1x128xf32, #tpu.memory_space<vmem>>, %arg9: memref<1024x128xf32, #tpu.memory_space<vmem>>) attributes {dimension_semantics = [#tpu.dimension_semantics<arbitrary>], iteration_bounds = array<i64: 10>, scalar_prefetch = 0 : i64, scratch_operands = 0 : i64, tpu.core_type = #tpu.core_type<tc>, window_params = [{transform_indices = @transform_0, window_bounds = array<i64: 1024, 128>}, {transform_indices = @transform_1, window_bounds = array<i64: 1024, 128>}, {transform_indices = @transform_2, window_bounds = array<i64: 1024>}, {transform_indices = @transform_3, window_bounds = array<i64: 1024>}, {transform_indices = @transform_4, window_bounds = array<i64: 1024, 128>}, {pipeline_mode = #tpu.pipeline_mode<synchronous>, transform_indices = @transform_5, window_bounds = array<i64: 128, 128>}, {pipeline_mode = #tpu.pipeline_mode<synchronous>, transform_indices = @transform_6, window_bounds = array<i64: 128, 128>}, {pipeline_mode = #tpu.pipeline_mode<synchronous>, transform_indices = @transform_7, window_bounds = array<i64: 1, 128>}, {transform_indices = @transform_8, window_bounds = array<i64: 1024, 128>}]} {
    %get3A = arith.constant 0 : index
    %get3A_0 = vector.load %arg3[%get3A] : memref<1024xf32, #tpu.memory_space<vmem>>, vector<1024xf32>
    %get3A_1 = arith.constant 0 : index
    %get3A_2 = vector.load %arg4[%get3A_1] : memref<1024xf32, #tpu.memory_space<vmem>>, vector<1024xf32>
    %add3A = arith.addf %get3A_0, %get3A_2 : vector<1024xf32>
    %max3A = arith.constant 1.000000e+00 : f32
    %max3A_3 = vector.broadcast %max3A : f32 to vector<1024xf32>
    %max3A_4 = arith.maximumf %add3A, %max3A_3 : vector<1024xf32>
    %get3A_5 = arith.constant 0 : index
    %get3A_6 = arith.constant 0 : index
    %get3A_7 = vector.load %arg1[%get3A_5, %get3A_6] : memref<1024x128xf32, #tpu.memory_space<vmem>>, vector<1024x128xf32>
    %get3A_8 = arith.constant 0 : index
    %get3A_9 = arith.constant 0 : index
    %get3A_10 = vector.load %arg2[%get3A_8, %get3A_9] : memref<1024x128xf32, #tpu.memory_space<vmem>>, vector<1024x128xf32>
    %add3A_11 = arith.addf %get3A_7, %get3A_10 : vector<1024x128xf32>
    %div3A = arith.constant 1.000000e+00 : f32
    %div3A_12 = vector.broadcast %div3A : f32 to vector<1024xf32>
    %div3A_13 = arith.divf %div3A_12, %max3A_4 : vector<1024xf32>
    %broadcast_in_dim3A = vector.shape_cast %div3A_13 : vector<1024xf32> to vector<1024x1xf32>
    %mul3A = vector.broadcast %broadcast_in_dim3A : vector<1024x1xf32> to vector<1024x128xf32>
    %mul3A_14 = arith.mulf %add3A_11, %mul3A : vector<1024x128xf32>
    %get3A_15 = arith.constant 0 : index
    %get3A_16 = arith.constant 0 : index
    %get3A_17 = vector.load %arg6[%get3A_15, %get3A_16] : memref<128x128xf32, #tpu.memory_space<vmem>>, vector<128x128xf32>
    %dot_general3A = arith.constant dense<0.000000e+00> : vector<1024x128xf32>
    %dot_general3A_18 = tpu.matmul %mul3A_14, %get3A_17, %dot_general3A {dimension_numbers = #tpu.dot_dimension_numbers<[1], [0], [0], [1], [0, 0, 1, 1], [], []>, transpose_lhs_hint = false} : vector<1024x128xf32>, vector<128x128xf32>, vector<1024x128xf32> -> vector<1024x128xf32>
    %get3A_19 = arith.constant 0 : index
    %get3A_20 = arith.constant 0 : index
    %get3A_21 = vector.load %arg5[%get3A_19, %get3A_20] : memref<1024x128xf32, #tpu.memory_space<vmem>>, vector<1024x128xf32>
    %get3A_22 = arith.constant 0 : index
    %get3A_23 = arith.constant 0 : index
    %get3A_24 = vector.load %arg7[%get3A_22, %get3A_23] : memref<128x128xf32, #tpu.memory_space<vmem>>, vector<128x128xf32>
    %dot_general3A_25 = arith.constant dense<0.000000e+00> : vector<1024x128xf32>
    %dot_general3A_26 = tpu.matmul %get3A_21, %get3A_24, %dot_general3A_25 {dimension_numbers = #tpu.dot_dimension_numbers<[1], [0], [0], [1], [0, 0, 1, 1], [], []>, transpose_lhs_hint = false} : vector<1024x128xf32>, vector<128x128xf32>, vector<1024x128xf32> -> vector<1024x128xf32>
    %add3A_27 = arith.addf %dot_general3A_18, %dot_general3A_26 : vector<1024x128xf32>
    %get3A_28 = arith.constant 0 : index
    %get3A_29 = arith.constant 0 : index
    %get3A_30 = vector.load %arg8[%get3A_28, %get3A_29] : memref<1x128xf32, #tpu.memory_space<vmem>>, vector<1x128xf32>
    %add3A_31 = vector.broadcast %get3A_30 : vector<1x128xf32> to vector<1024x128xf32>
    %add3A_32 = arith.addf %add3A_27, %add3A_31 : vector<1024x128xf32>
    %swap3A = arith.constant 0 : index
    %swap3A_33 = arith.constant 0 : index
    %swap3A_34 = vector.load %arg9[%swap3A, %swap3A_33] : memref<1024x128xf32, #tpu.memory_space<vmem>>, vector<1024x128xf32>
    tpu.vector_store %arg9[%swap3A, %swap3A_33], %add3A_32 {strides = array<i32>} : memref<1024x128xf32, #tpu.memory_space<vmem>>, vector<1024x128xf32>,
    return
  }
  func.func @transform_0(%arg0: i32) -> (i32, i32) {
    %c0_i32 = arith.constant 0 : i32
    %c0_i32_0 = arith.constant 0 : i32
    return %arg0, %c0_i32 : i32, i32
  }
  func.func @transform_1(%arg0: i32) -> (i32, i32) {
    %add3A = arith.constant 10 : i32
    %add3A_0 = arith.addi %arg0, %add3A : i32
    %c0_i32 = arith.constant 0 : i32
    %c0_i32_1 = arith.constant 0 : i32
    return %add3A_0, %c0_i32 : i32, i32
  }
  func.func @transform_2(%arg0: i32) -> i32 {
    %c0_i32 = arith.constant 0 : i32
    return %arg0 : i32
  }
  func.func @transform_3(%arg0: i32) -> i32 {
    %add3A = arith.constant 10 : i32
    %add3A_0 = arith.addi %arg0, %add3A : i32
    %c0_i32 = arith.constant 0 : i32
    return %add3A_0 : i32
  }
  func.func @transform_4(%arg0: i32) -> (i32, i32) {
    %c0_i32 = arith.constant 0 : i32
    %c0_i32_0 = arith.constant 0 : i32
    return %arg0, %c0_i32 : i32, i32
  }
  func.func @transform_5(%arg0: i32) -> (i32, i32) {
    %c0_i32 = arith.constant 0 : i32
    %c0_i32_0 = arith.constant 0 : i32
    %c0_i32_1 = arith.constant 0 : i32
    return %c0_i32, %c0_i32_0 : i32, i32
  }
  func.func @transform_6(%arg0: i32) -> (i32, i32) {
    %c0_i32 = arith.constant 0 : i32
    %c0_i32_0 = arith.constant 0 : i32
    %c0_i32_1 = arith.constant 0 : i32
    return %c0_i32, %c0_i32_0 : i32, i32
  }
  func.func @transform_7(%arg0: i32) -> (i32, i32) {
    %c0_i32 = arith.constant 0 : i32
    %c0_i32_0 = arith.constant 0 : i32
    %c0_i32_1 = arith.constant 0 : i32
    return %c0_i32, %c0_i32_0 : i32, i32
  }
  func.func @transform_8(%arg0: i32) -> (i32, i32) {
    %c0_i32 = arith.constant 0 : i32
    %c0_i32_0 = arith.constant 0 : i32
    return %arg0, %c0_i32 : i32, i32
  }
}

</mosaic_0001>

<sc_bundles>
// kernel: kernel.6.cloned.1.call-start
scs
__scs_entry_jumppad:
0x0: {  	(pc) =	sbr.rel $0x88, $3  }
0x1: {  	(tag) =	ssettag $0x0;
	lr =	simm.s32 $0x1  }
0x2: {  	[smem:$0x3F99] =	sst lr;
	_ =	strace $0xD0000000  }
0x3: {  	_ = 	snop  }
0x4: {  	_ = 	snop  }
0x5: {  	_ = 	snop  }
0x6: {  	_ = 	snop  }
0x7: {  	_ = 	snop  }
__scs_overlays_trampoline_lowered:
0x8: {  	[smem:$0x3FA8] =	sst s0  }
0x9: {  	[smem:$0x3FA9] =	sst s1  }
0xa: {  	[smem:$0x3FAA] =	sst s2  }
0xb: {  	[smem:$0x3FAB] =	sst s3  }
0xc: {  	[smem:$0x3FAC] =	sst s4  }
0xd: {  	[smem:$0x3FAD] =	sst s5  }
0xe: {  	[smem:$0x3FAE] =	sst s6  }
0xf: {  	[smem:$0x3FAF] =	sst s7  }
0x10: {  	[smem:$0x3FB0] =	sst s8  }
0x11: {  	[smem:$0x3FB1] =	sst s9;
	s0 =	simm.s32 @!p0 $0x0  }
0x12: {  	s1 =	sld [smem:$0x3F97];
	s0 =	simm.s32 @p0 $0x1  }
0x13: {  	[smem:$0x3FB2] =	sst s0;
	s0 =	simm.s32 @!p1 $0x0  }
0x14: {  	s2 =	sld [smem:$0x3F96];
	s0 =	simm.s32 @p1 $0x1  }
0x15: {  	[smem:$0x3FB3] =	sst s0;
	s0 =	simm.s32 @!p2 $0x0  }
0x16: {  	s3 =	sld [smem:$0x3FDB];
	s0 =	simm.s32 @p2 $0x1  }
0x17: {  	s4 =	simm.s32 $0x1BF5;
	[smem:$0x3FB5] =	sst s0  }
0x18: {  	s0 =	sld [smem:$0x3F98];
	_ =	swait.ge [sflag:s4], $0x0  }
0x19: {  	s7 =	sld [smem:$0x3F99]  }
0x1a: {  	s8 =	sadd.s32 $0xFFFFE003, lr  }
0x1b: {  	s9 =	sadd.s32 $0xFFFFFEF7, lr;
	s5 =	simm.s32 $0xFFFFFFFF;
	p2 =	slt.u32 s8, $0xFFFFF086  }
0x1c: {  	p1 =	slt.u32 s9, $0xF7A;
	s5 =	simm.s32 @!p2 $0x0  }
0x1d: {  	s5 =	simm.s32 @p1 $0x1;
	p0 =	seq.s32 s7, s2  }
0x1e: {  	s7 =	smul.u32 @!p0 $0xF7A, s2;
	p2 =	seq.s32 @!p0 s5, $0x0  }
0x1f: {  	s9 =	smul.u32 $0xF7A, s1;
	s8 =	simm.s32 @!p0 $0x1BF5;
	p2 =	por !p2, p0  }
0x20: {  	[sflag:s8] =	ssyncset.s32 @!p0 $0xFFFFF086;
	s6 =	sadd.s32 @!p0 s3, s7;
	s7 =	simm.s32 @!p0 $0x108  }
0x21: {  	s3 =	sadd.s32 s3, s9;
	s6 =	sadd.s32 @!p0 $0x88, s6;
	s7 =	simm.s32 @p2 $0x1082  }
0x22: {  	[simem:s7], [sflag:s8] =	dma.local @!p0 [hbm:s6], $0xF7A  }
0x23: {  	s9 =	sor.u32 $0xD0000000, s2;
	s6 =	simm.s32 $0x108;
	_ =	swait.ge @!p0 [sflag:s8], $0x0  }
0x24: {  	s3 =	sadd.s32 $0x88, s3;
	s6 =	simm.s32 @!p1 $0x1082;
	[sflag:s4] =	ssyncset.s32 $0xFFFFF086  }
0x25: {  	[simem:s6], [sflag:s4] =	dma.local [hbm:s3], $0xF7A  }
0x26: {  	[smem:$0x3F99] =	sst s1;
	(tag) =	ssettag s2;
	_ =	strace s9  }
0x27: {  	s1 =	sld [smem:$0x3FA9]  }
0x28: {  	s2 =	sld [smem:$0x3FAA]  }
0x29: {  	s4 =	sld [smem:$0x3FAC]  }
0x2a: {  	p0 =	seq.s32 s5, $0x0;
	s5 =	sld [smem:$0x3FAD]  }
0x2b: {  	s6 =	sld [smem:$0x3FAE]  }
0x2c: {  	s7 =	sld [smem:$0x3FAF]  }
0x2d: {  	s3 =	simm.s32 $0x108;
	s8 =	sld [smem:$0x3FB0]  }
0x2e: {  	s3 =	simm.s32 @!p0 $0x1082;
	s9 =	sld [smem:$0x3FB1]  }
0x2f: {  	lr =	sadd.s32 s0, s3;
	s0 =	sld [smem:$0x3FA8]  }
0x30: {  	s3 =	sld [smem:$0x3FAB]  }
0x31: {  	[smem:$0x3FB4] =	sst s10  }
0x32: {  	s10 =	sld [smem:$0x3FB2];
	_ =	sdelay $0x3  }
0x33: {  	p0 =	seq.s32 s10, $0x1;
	s10 =	sld [smem:$0x3FB4];
	_ =	sdelay $0x3  }
0x34: {  	[smem:$0x3FB4] =	sst s10  }
0x35: {  	s10 =	sld [smem:$0x3FB3];
	_ =	sdelay $0x3  }
0x36: {  	p1 =	seq.s32 s10, $0x1;
	s10 =	sld [smem:$0x3FB4];
	_ =	sdelay $0x3  }
0x37: {  	[smem:$0x3FB4] =	sst s10  }
0x38: {  	s10 =	sld [smem:$0x3FB5]  }
0x39: {  	_ = 	snop;
	(pc) =	sbr.ind lr, $3  }
0x3a: {  	_ = 	snop  }
0x3b: {  	_ = 	snop  }
0x3c: {  	p2 =	seq.s32 s10, $0x1;
	s10 =	sld [smem:$0x3FB4]  }
0x3d: {  	_ =	shalt  }
0x3e: {  	_ =	shalt  }
0x3f: {  	_ =	shalt  }
0x40: {  	_ =	shalt  }
0x41: {  	_ =	shalt  }
0x42: {  	_ =	shalt  }
0x43: {  	_ =	shalt  }
0x44: {  	_ =	shalt  }
0x45: {  	_ =	shalt  }
0x46: {  	_ =	shalt  }
0x47: {  	_ =	shalt  }
0x48: {  	_ =	shalt  }
0x49: {  	_ =	shalt  }
0x4a: {  	_ =	shalt  }
0x4b: {  	_ =	shalt  }
0x4c: {  	_ =	shalt  }
0x4d: {  	_ =	shalt  }
0x4e: {  	_ =	shalt  }
0x4f: {  	_ =	shalt  }
0x50: {  	_ =	shalt  }
0x51: {  	_ =	shalt  }
0x52: {  	_ =	shalt  }
0x53: {  	_ =	shalt  }
0x54: {  	_ =	shalt  }
0x55: {  	_ =	shalt  }
0x56: {  	_ =	shalt  }
0x57: {  	_ =	shalt  }
0x58: {  	_ =	shalt  }
0x59: {  	_ =	shalt  }
0x5a: {  	_ =	shalt  }
0x5b: {  	_ =	shalt  }
0x5c: {  	_ =	shalt  }
0x5d: {  	_ =	shalt  }
0x5e: {  	_ =	shalt  }
0x5f: {  	_ =	shalt  }
0x60: {  	_ =	shalt  }
0x61: {  	_ =	shalt  }
0x62: {  	_ =	shalt  }
0x63: {  	_ =	shalt  }
0x64: {  	_ =	shalt  }
0x65: {  	_ =	shalt  }
0x66: {  	_ =	shalt  }
0x67: {  	_ =	shalt  }
0x68: {  	_ =	shalt  }
0x69: {  	_ =	shalt  }
0x6a: {  	_ =	shalt  }
0x6b: {  	_ =	shalt  }
0x6c: {  	_ =	shalt  }
0x6d: {  	_ =	shalt  }
0x6e: {  	_ =	shalt  }
0x6f: {  	_ =	shalt  }
0x70: {  	_ =	shalt  }
0x71: {  	_ =	shalt  }
0x72: {  	_ =	shalt  }
0x73: {  	_ =	shalt  }
0x74: {  	_ =	shalt  }
0x75: {  	_ =	shalt  }
0x76: {  	_ =	shalt  }
0x77: {  	_ =	shalt  }
0x78: {  	_ =	shalt  }
0x79: {  	_ =	shalt  }
0x7a: {  	_ =	shalt  }
0x7b: {  	_ =	shalt  }
0x7c: {  	_ =	shalt  }
0x7d: {  	_ =	shalt  }
0x7e: {  	_ =	shalt  }
0x7f: {  	_ =	shalt  }
0x80: {  	_ =	shalt  }
0x81: {  	_ =	shalt  }
0x82: {  	_ =	shalt  }
0x83: {  	_ =	shalt  }
0x84: {  	_ =	shalt  }
0x85: {  	_ =	shalt  }
0x86: {  	_ =	shalt  }
0x87: {  	_ =	shalt  }
.Lfunc_end0:
.L_simem_size_0:
called_computation_lowered:
.L_overlay_start_0:
0x88: {  	s2 =	sld [smem:$0x3FD9]  }
0x89: {  	s3 =	sld [smem:$0x3FFE];
	_ =	sdelay $0x1  }
0x8a: {  	s1 =	srdreg.scid  }
0x8b: {  	s0 =	sand.u32 $0x1, s1  }
0x8c: {  	s17 =	sshll.u32 s0, $0xA;
	s2 =	sadd.s32 s3, s2  }
0x8d: {  	s2 =	sadd.s32 s2, s17  }
0x8e: {  	[smem:$0x3FC0] =	sst s2  }
0x8f: {  	_ = 	snop  }
0x90: {  	s2 =	sld [smem:$0x3FC9]  }
0x91: {  	s18 =	sld [smem:$0x3FD0];
	(tm) =	ssettm $0x1  }
0x92: {  	s4 =	sld [smem:$0x3FFB];
	_ =	sdelay $0x3  }
0x93: {  	_ =	strace s4  }
0x94: {  	s4 =	sld [smem:$0x3FFC];
	_ =	sdelay $0x3  }
0x95: {  	_ =	strace s4  }
0x96: {  	s4 =	sld [smem:$0x3FFD];
	_ =	sdelay $0x3  }
0x97: {  	_ =	strace s4  }
0x98: {  	_ =	strace $0x8FFFFFFF  }
0x99: {  	s19 =	sld [smem:$0x3FDB];
	_ =	sdelay $0x1  }
0x9a: {  	s5 =	simm.s32 $_scs_section_size  }
0x9b: {  	s6 =	simm.s32 $_size__tile_overlayer_lowered;
	s7 =	simm.s32 $_tile_overlayer_lowered  }
0x9c: {  	s22 =	simm.s32 $0x1BFF;
	s21 =	sshll.u32 s7, $0x1;
	s4 =	sadd.s32 s5, s19  }
0x9d: {  	s8 =	simm.s32 $0x0;
	s20 =	sshll.u32 s6, $0x1;
	s6 =	sadd.s32 s21, s4  }
0x9e: {  	[timem:s8], [sflag:s22] =	dma.local [hbm:s6], s20  }
0x9f: {  	_ =	swait.ge [sflag:s22], s20  }
0xa0: {  	s5 =	ssub.s32 $0x0, s20;
	[sflag:s22] =	ssyncset.done $0x0  }
0xa1: {  	[sflag:s22] =	ssyncadd.s32 s5;
	_ =	sdelay $0x1  }
0xa2: {  	s23 =	simm.s32 $0x1B8B  }
0xa3: {  	_ =	swait.ge [sflag:s23], $0x1  }
0xa4: {  	[sflag:s23] =	ssyncset.done $0x0  }
0xa5: {  	s25 =	simm.s32 $0x1B8E;
	s24 =	sld [smem:$0x3FFE];
	[sflag:s23] =	ssyncadd.s32 $0xFFFFFFFF  }
0xa6: {  	s26 =	simm.s32 $execute0_lowered;
	[smem:$0x3FD2] =	sst s25  }
0xa7: {  	s6 =	sshll.u32 s26, $0x1;
	_ =	strace $0x80000046;
	[dreg:$0x1] =	wrdreg $0xFFFFFFFF  }
0xa8: {  	s28 =	simm.s32 $_size_execute0_lowered;
	s4 =	sadd.s32 s4, s6;
	[dreg:$0x0] =	wrdreg $0x0  }
0xa9: {  	s6 =	sshll.u32 s28, $0x1;
	[dreg:$0x2] =	wrdreg s4  }
0xaa: {  	[dreg:$0x3] =	wrdreg s6  }
0xab: {  	[dreg:$0x4] =	wrdreg $0xC0  }
0xac: {  	_ =	task [dreg:s8], $0x5FFFF  }
0xad: {  	[dreg:$0x1] =	wrdreg $0xFFFFFFFF  }
0xae: {  	[dreg:$0x0] =	wrdreg $0x60  }
0xaf: {  	[dreg:$0x2] =	wrdreg s2  }
0xb0: {  	[dreg:$0x3] =	wrdreg s18  }
0xb1: {  	[dreg:$0x4] =	wrdreg s24  }
0xb2: {  	[dreg:$0x5] =	wrdreg $0xA8800  }
0xb3: {  	[dreg:$0x6] =	wrdreg $0x1E8800  }
0xb4: {  	[dreg:$0x7] =	wrdreg $0x9  }
0xb5: {  	_ =	task.clear_ibuf [dreg:s8], $0x8FFFF;
	_ =	strace $0x90000046  }
0xb6: {  	s29 =	simm.s32 $0x9;
	_ =	strace $0x80000048  }
0xb7: {  	_ =	swait.ge [sflag:s29], $0x1  }
0xb8: {  	[sflag:s29] =	ssyncadd.s32 $0xFFFFFFFF  }
0xb9: {  	_ =	strace $0x90000048  }
0xba: {  	_ =	sfence  }
0xbb: {  	s30 =	sld [smem:$0x0];
	_ =	sdelay $0x2  }
0xbc: {  	s31 =	sshll.u32 s1, $0xD;
	s1 =	sshrl.u32 s1, $0x2  }
0xbd: {  	s3 =	sand.u32 $0x4000, s31;
	s1 =	sadd.s32 s1, s30  }
0xbe: {  	s0 =	sor.u32 s3, s0;
	s1 =	sshll.u32 s1, $0x11  }
0xbf: {  	s0 =	sor.u32 s1, s0  }
0xc0: {  	s0 =	sadd.s32 $0x8F2B, s0  }
0xc1: {  	[sflag:s0] =	ssyncadd.remote.s32 $0x1  }
0xc2: {  	_ =	sfence.sel $0xFFFF  }
0xc3: {  	[dreg:$0x0] =	wrdreg $0xFFFFFFFF;
	(pc) =	sbr.abs _section_cstart, $3  }
0xc4: {  	[dreg:$0x1] =	wrdreg $0xFFFFFFFF  }
0xc5: {  	_ =	task.clear_ibuf [dreg:s8], $0x2FFFF;
	_ =	strace $0x9FFFFFFF  }
0xc6: {  	(tm) =	ssettm $0x7FFFFFFF  }
0xc7: {  	_ =	shalt  }
tec
execute0_lowered:
.L_overlay_start_1:
0x0: {  	(tag) =	ssettag $0x1  }
0x1: {  	s1 =	rddreg [dreg:$0x0]  }
0x2: {  	s0 =	rddreg [dreg:$0x1]  }
0x3: {  	s2 =	rddreg [dreg:$0x2]  }
0x4: {  	s3 =	rddreg [dreg:$0x3]  }
0x5: {  	s4 =	rddreg [dreg:$0x4];
	s5 =	srdreg.scid  }
0x6: {  	s15 =	stileid.u32;
	s9 =	simm.s32 $0x0;
	s18 =	simm.s32 $0x6  }
0x7: {  	s20 =	simm.s32 $0x1;
	s21 =	simm.s32 $0x2;
	s28 =	simm.s32 $0x3  }
0x8: {  	s29 =	simm.s32 $0x4;
	s30 =	simm.s32 $0x5;
	s31 =	simm.s32 $0x0  }
0x9: {  	s5 =	sand.u32 $0x1, s5;
	s10 =	smul.u32 $0x280, s15;
	s6 =	sshll.u32 s15, $0xC  }
0xa: {  	[smem:$0x7FF] =	sst s9;
	s22 =	sadd.s32 $0x12600, s2;
	s13 =	smul.u32 $0x50000, s15  }
0xb: {  	s7 =	sshll.u32 s5, $0xB;
	s8 =	smul.u32 $0x2800, s5;
	_ =	strace $0x80000047  }
0xc: {  	[dreg:$0x6] =	wrdreg s22;
	s5 =	ssub.s32 $0x2, s5;
	s22 =	simm.s32 $0x28  }
0xd: {  	s11 =	sor.u32 s7, s6;
	s7 =	sadd.s32 $0x12400, s2;
	s24 =	sshrl.u32 s5, $0x1  }
0xe: {  	s25 =	sshrl.u32 s13, $0x2;
	s17 =	sadd.s32 s10, s4;
	s12 =	sadd.s32 s11, s2  }
0xf: {  	s8 =	sadd.s32 s10, s8;
	s5 =	ssub.s32 s5, s24;
	s26 =	sadd.s32 s25, s3  }
0x10: {  	s10 =	sadd.s32 s0, s11;
	s17 =	sshrl.u32 s17, $0x3;
	s24 =	simm.s32 $0x9400  }
0x11: {  	s25 =	simm.s32 $0x50;
	s23 =	sshll.u32 s8, $0x4;
	s8 =	sshrl.u32 s8, $0x3  }
0x12: {  	s11 =	sadd.s32 $0x2400, s12;
	s14 =	sadd.s32 s23, s2;
	s2 =	sadd.s32 s8, s2  }
0x13: {  	s8 =	sshll.u32 s15, $0x6;
	s15 =	sshrl.u32 s26, $0x3;
	s23 =	simm.s32 $0x8000  }
0x14: {  	s26 =	simm.s32 $0xA800;
	s9 =	sor.u32 $0x1C01, s8;
	s12 =	sadd.s32 $0x14E00, s14  }
0x15: {  	v0 =	vimm.f32 $1.000000000e+00;
	s13 =	sadd.s32 $0x64E00, s2;
	s14 =	smax.u32 s5, $0x1;
	s16 =	sor.u32 $0x1C02, s8  }
.LBB2_1:
0x16: {  	s0 =	rddreg [dreg:$0x6]  }
0x17: {  	[spmem:s15], [sflag:s9] =	dma.local [hbm:s0], $0x2800  }
0x18: {  	[spmem:s17], [sflag:s16] =	dma.local [hbm:s7], $0x50;
	[tilespmem:$0xA800] =	vst v0  }
0x19: {  	[tilespmem:$0xA810] =	vst v0  }
0x1a: {  	[tilespmem:$0xA820] =	vst v0  }
0x1b: {  	[tilespmem:$0xA830] =	vst v0  }
0x1c: {  	s19 =	simm.s32 $0x0;
	[tilespmem:$0xA840] =	vst v0  }
0x1d: {  	[tilespmem:s19], [sflag:$0x6] =	stream.linear.gather [hbm4b:s10+s19], $0x3E80, $0x38;
	[tilespmem:$0x1EB00] =	vst v63  }
0x1e: {  	_ =	swait.ge [sflag:s18], $0x3E80  }
0x1f: {  	[sflag:s18] =	ssyncset.done $0x0  }
0x20: {  	s2 =	simm.s32 $0x4000;
	[sflag:s18] =	ssyncadd.s32 $0xFFFFC180  }
0x21: {  	[tilespmem:s2], [sflag:$0x6] =	stream.linear.gather [hbm4b:s11+s19], $0x3E80, $0x38;
	[tilespmem:$0x1EB00] =	vst v63  }
0x22: {  	_ =	swait.ge [sflag:s18], $0x3E80  }
0x23: {  	[sflag:s18] =	ssyncset.done $0x0  }
0x24: {  	[sflag:s18] =	ssyncadd.s32 $0xFFFFC180  }
0x25: {  	_ =	swait.ge [sflag:s20], $0x2800  }
0x26: {  	[sflag:s20] =	ssyncset.done $0x0  }
0x27: {  	[sflag:s20] =	ssyncadd.s32 $0xFFFFD800  }
0x28: {  	_ =	swait.ge [sflag:s21], $0x50  }
0x29: {  	[sflag:s21] =	ssyncset.done $0x0  }
0x2a: {  	[sflag:s21] =	ssyncadd.s32 $0xFFFFFFB0  }
0x2b: {  	s2 =	simm.s32 $0x0;
	[bflag:$0x0] =	sbarrier.arrive $0xFFFF  }
0x2c: {  	[tilespmem:s23], [sflag:$0x1] =	stream.indirect.gather [hbm4b:s1+s22], $0x80, s2, s22, $0xb8;
	[tilespmem:$0x1EB00] =	vst v63  }
0x2d: {  	s5 =	simm.s32 $0x28  }
0x2e: {  	[tilespmem:s24], [sflag:$0x2] =	stream.indirect.gather [hbm4b:s1+s22], $0x80, s5, s22, $0xb8;
	[tilespmem:$0x1EB00] =	vst v63  }
0x2f: {  	_ =	swait.ge [sflag:s20], $0x1400  }
0x30: {  	[sflag:s20] =	ssyncset.done $0x0  }
0x31: {  	s6 =	simm.s32 $0x4000;
	[sflag:s20] =	ssyncadd.s32 $0xFFFFEC00  }
0x32: {  	[spmem:s3] =	stream.indirect.scatter.add.f32 [tilespmem:s23], [sflag:$0x3], $0x80, s6, s22, $0xb8;
	[tilespmem:$0x1EB00] =	vst v63  }
0x33: {  	_ =	swait.ge [sflag:s21], $0x1400  }
0x34: {  	[sflag:s21] =	ssyncset.done $0x0  }
0x35: {  	s19 =	simm.s32 $0x4028;
	[sflag:s21] =	ssyncadd.s32 $0xFFFFEC00  }
0x36: {  	[spmem:s3] =	stream.indirect.scatter.add.f32 [tilespmem:s24], [sflag:$0x4], $0x80, s19, s22, $0xb8;
	[tilespmem:$0x1EB00] =	vst v63  }
0x37: {  	_ = 	snop  }
0x38: {  	[spmem:s4] =	stream.indirect.scatter.add.f32 [tilespmem:s26], [sflag:$0x5], $0x1, s6, s25, $0xb8;
	[tilespmem:$0x1EB00] =	vst v63  }
0x39: {  	_ =	swait.ge [sflag:s28], $0x1400  }
0x3a: {  	[sflag:s28] =	ssyncset.done $0x0  }
0x3b: {  	s2 =	simm.s32 $0x80;
	[sflag:s28] =	ssyncadd.s32 $0xFFFFEC00  }
0x3c: {  	[tilespmem:s23], [sflag:$0x1] =	stream.indirect.gather [hbm4b:s1+s22], $0x80, s2, s22, $0xb8;
	[tilespmem:$0x1EB00] =	vst v63  }
0x3d: {  	_ =	swait.ge [sflag:s29], $0x1400  }
0x3e: {  	[sflag:s29] =	ssyncset.done $0x0  }
0x3f: {  	s5 =	simm.s32 $0xA8;
	[sflag:s29] =	ssyncadd.s32 $0xFFFFEC00  }
0x40: {  	[tilespmem:s24], [sflag:$0x2] =	stream.indirect.gather [hbm4b:s1+s22], $0x80, s5, s22, $0xb8;
	[tilespmem:$0x1EB00] =	vst v63  }
0x41: {  	_ =	swait.ge [sflag:s20], $0x1400  }
0x42: {  	[sflag:s20] =	ssyncset.done $0x0  }
0x43: {  	s6 =	simm.s32 $0x4080;
	[sflag:s20] =	ssyncadd.s32 $0xFFFFEC00  }
0x44: {  	[spmem:s3] =	stream.indirect.scatter.add.f32 [tilespmem:s23], [sflag:$0x3], $0x80, s6, s22, $0xb8;
	[tilespmem:$0x1EB00] =	vst v63  }
0x45: {  	_ =	swait.ge [sflag:s21], $0x1400  }
0x46: {  	[sflag:s21] =	ssyncset.done $0x0  }
0x47: {  	s19 =	simm.s32 $0x40A8;
	[sflag:s21] =	ssyncadd.s32 $0xFFFFEC00  }
0x48: {  	[spmem:s3] =	stream.indirect.scatter.add.f32 [tilespmem:s24], [sflag:$0x4], $0x80, s19, s22, $0xb8;
	[tilespmem:$0x1EB00] =	vst v63  }
0x49: {  	_ =	swait.ge [sflag:s30], $0x50  }
0x4a: {  	[sflag:s30] =	ssyncset.done $0x0  }
0x4b: {  	[sflag:s30] =	ssyncadd.s32 $0xFFFFFFB0  }
0x4c: {  	[spmem:s4] =	stream.indirect.scatter.add.f32 [tilespmem:s26], [sflag:$0x5], $0x1, s6, s25, $0xb8;
	[tilespmem:$0x1EB00] =	vst v63  }
0x4d: {  	_ =	swait.ge [sflag:s28], $0x1400  }
0x4e: {  	[sflag:s28] =	ssyncset.done $0x0  }
0x4f: {  	s2 =	simm.s32 $0x100;
	[sflag:s28] =	ssyncadd.s32 $0xFFFFEC00  }
0x50: {  	[tilespmem:s23], [sflag:$0x1] =	stream.indirect.gather [hbm4b:s1+s22], $0x80, s2, s22, $0xb8;
	[tilespmem:$0x1EB00] =	vst v63  }
0x51: {  	_ =	swait.ge [sflag:s29], $0x1400  }
0x52: {  	[sflag:s29] =	ssyncset.done $0x0  }
0x53: {  	s5 =	simm.s32 $0x128;
	[sflag:s29] =	ssyncadd.s32 $0xFFFFEC00  }
0x54: {  	[tilespmem:s24], [sflag:$0x2] =	stream.indirect.gather [hbm4b:s1+s22], $0x80, s5, s22, $0xb8;
	[tilespmem:$0x1EB00] =	vst v63  }
0x55: {  	_ =	swait.ge [sflag:s20], $0x1400  }
0x56: {  	[sflag:s20] =	ssyncset.done $0x0  }
0x57: {  	s6 =	simm.s32 $0x4100;
	[sflag:s20] =	ssyncadd.s32 $0xFFFFEC00  }
0x58: {  	[spmem:s3] =	stream.indirect.scatter.add.f32 [tilespmem:s23], [sflag:$0x3], $0x80, s6, s22, $0xb8;
	[tilespmem:$0x1EB00] =	vst v63  }
0x59: {  	_ =	swait.ge [sflag:s21], $0x1400  }
0x5a: {  	[sflag:s21] =	ssyncset.done $0x0  }
0x5b: {  	s19 =	simm.s32 $0x4128;
	[sflag:s21] =	ssyncadd.s32 $0xFFFFEC00  }
0x5c: {  	[spmem:s3] =	stream.indirect.scatter.add.f32 [tilespmem:s24], [sflag:$0x4], $0x80, s19, s22, $0xb8;
	[tilespmem:$0x1EB00] =	vst v63  }
0x5d: {  	_ =	swait.ge [sflag:s30], $0x50  }
0x5e: {  	[sflag:s30] =	ssyncset.done $0x0  }
0x5f: {  	[sflag:s30] =	ssyncadd.s32 $0xFFFFFFB0  }
0x60: {  	[spmem:s4] =	stream.indirect.scatter.add.f32 [tilespmem:s26], [sflag:$0x5], $0x1, s6, s25, $0xb8;
	[tilespmem:$0x1EB00] =	vst v63  }
0x61: {  	_ =	swait.ge [sflag:s28], $0x1400  }
0x62: {  	[sflag:s28] =	ssyncset.done $0x0  }
0x63: {  	s2 =	simm.s32 $0x180;
	[sflag:s28] =	ssyncadd.s32 $0xFFFFEC00  }
0x64: {  	[tilespmem:s23], [sflag:$0x1] =	stream.indirect.gather [hbm4b:s1+s22], $0x80, s2, s22, $0xb8;
	[tilespmem:$0x1EB00] =	vst v63  }
0x65: {  	_ =	swait.ge [sflag:s29], $0x1400  }
0x66: {  	[sflag:s29] =	ssyncset.done $0x0  }
0x67: {  	s5 =	simm.s32 $0x1A8;
	[sflag:s29] =	ssyncadd.s32 $0xFFFFEC00  }
0x68: {  	[tilespmem:s24], [sflag:$0x2] =	stream.indirect.gather [hbm4b:s1+s22], $0x80, s5, s22, $0xb8;
	[tilespmem:$0x1EB00] =	vst v63  }
0x69: {  	_ =	swait.ge [sflag:s20], $0x1400  }
0x6a: {  	[sflag:s20] =	ssyncset.done $0x0  }
0x6b: {  	s6 =	simm.s32 $0x4180;
	[sflag:s20] =	ssyncadd.s32 $0xFFFFEC00  }
0x6c: {  	[spmem:s3] =	stream.indirect.scatter.add.f32 [tilespmem:s23], [sflag:$0x3], $0x80, s6, s22, $0xb8;
	[tilespmem:$0x1EB00] =	vst v63  }
0x6d: {  	_ =	swait.ge [sflag:s21], $0x1400  }
0x6e: {  	[sflag:s21] =	ssyncset.done $0x0  }
0x6f: {  	s19 =	simm.s32 $0x41A8;
	[sflag:s21] =	ssyncadd.s32 $0xFFFFEC00  }
0x70: {  	[spmem:s3] =	stream.indirect.scatter.add.f32 [tilespmem:s24], [sflag:$0x4], $0x80, s19, s22, $0xb8;
	[tilespmem:$0x1EB00] =	vst v63  }
0x71: {  	_ =	swait.ge [sflag:s30], $0x50  }
0x72: {  	[sflag:s30] =	ssyncset.done $0x0  }
0x73: {  	[sflag:s30] =	ssyncadd.s32 $0xFFFFFFB0  }
0x74: {  	[spmem:s4] =	stream.indirect.scatter.add.f32 [tilespmem:s26], [sflag:$0x5], $0x1, s6, s25, $0xb8;
	[tilespmem:$0x1EB00] =	vst v63  }
0x75: {  	_ =	swait.ge [sflag:s28], $0x1400  }
0x76: {  	[sflag:s28] =	ssyncset.done $0x0  }
0x77: {  	s2 =	simm.s32 $0x200;
	[sflag:s28] =	ssyncadd.s32 $0xFFFFEC00  }
0x78: {  	[tilespmem:s23], [sflag:$0x1] =	stream.indirect.gather [hbm4b:s1+s22], $0x80, s2, s22, $0xb8;
	[tilespmem:$0x1EB00] =	vst v63  }
0x79: {  	_ =	swait.ge [sflag:s29], $0x1400  }
0x7a: {  	[sflag:s29] =	ssyncset.done $0x0  }
0x7b: {  	s5 =	simm.s32 $0x228;
	[sflag:s29] =	ssyncadd.s32 $0xFFFFEC00  }
0x7c: {  	[tilespmem:s24], [sflag:$0x2] =	stream.indirect.gather [hbm4b:s1+s22], $0x80, s5, s22, $0xb8;
	[tilespmem:$0x1EB00] =	vst v63  }
0x7d: {  	_ =	swait.ge [sflag:s20], $0x1400  }
0x7e: {  	[sflag:s20] =	ssyncset.done $0x0  }
0x7f: {  	s6 =	simm.s32 $0x4200;
	[sflag:s20] =	ssyncadd.s32 $0xFFFFEC00  }
0x80: {  	[spmem:s3] =	stream.indirect.scatter.add.f32 [tilespmem:s23], [sflag:$0x3], $0x80, s6, s22, $0xb8;
	[tilespmem:$0x1EB00] =	vst v63  }
0x81: {  	_ =	swait.ge [sflag:s21], $0x1400  }
0x82: {  	[sflag:s21] =	ssyncset.done $0x0  }
0x83: {  	s19 =	simm.s32 $0x4228;
	[sflag:s21] =	ssyncadd.s32 $0xFFFFEC00  }
0x84: {  	[spmem:s3] =	stream.indirect.scatter.add.f32 [tilespmem:s24], [sflag:$0x4], $0x80, s19, s22, $0xb8;
	[tilespmem:$0x1EB00] =	vst v63  }
0x85: {  	_ =	swait.ge [sflag:s30], $0x50  }
0x86: {  	[sflag:s30] =	ssyncset.done $0x0  }
0x87: {  	[sflag:s30] =	ssyncadd.s32 $0xFFFFFFB0  }
0x88: {  	[spmem:s4] =	stream.indirect.scatter.add.f32 [tilespmem:s26], [sflag:$0x5], $0x1, s6, s25, $0xb8;
	[tilespmem:$0x1EB00] =	vst v63  }
0x89: {  	_ =	swait.ge [sflag:s28], $0x1400  }
0x8a: {  	[sflag:s28] =	ssyncset.done $0x0  }
0x8b: {  	[sflag:s28] =	ssyncadd.s32 $0xFFFFEC00  }
0x8c: {  	_ =	swait.ge [sflag:s29], $0x1400  }
0x8d: {  	[sflag:s29] =	ssyncset.done $0x0  }
0x8e: {  	[sflag:s29] =	ssyncadd.s32 $0xFFFFEC00  }
0x8f: {  	_ =	swait.ge [sflag:s30], $0x50  }
0x90: {  	s0 =	simm.s32 $0xA00;
	s2 =	simm.s32 $0x1400;
	[sflag:s30] =	ssyncset.done $0x0  }
.LBB2_2:
0x91: {  	s19 =	sshra.s32 s0, $0x2  }
0x92: {  	[sflag:s30] =	ssyncadd.s32 $0xFFFFFFB0;
	s0 =	smov.u32 s2;
	s5 =	sadd.s32 $0xA00, s2  }
0x93: {  	[tilespmem:s23], [sflag:$0x1] =	stream.indirect.gather [hbm4b:s1+s22], $0x80, s19, s22, $0xb8;
	[tilespmem:$0x1EB00] =	vst v63  }
0x94: {  	p0 =	sne.s32 s2, $0xF000;
	s2 =	sadd.s32 $0x28, s19  }
0x95: {  	[tilespmem:s24], [sflag:$0x2] =	stream.indirect.gather [hbm4b:s1+s22], $0x80, s2, s22, $0xb8;
	[tilespmem:$0x1EB00] =	vst v63  }
0x96: {  	_ =	swait.ge [sflag:s20], $0x1400  }
0x97: {  	[sflag:s20] =	ssyncset.done $0x0  }
0x98: {  	s2 =	sadd.s32 $0x4000, s19;
	[sflag:s20] =	ssyncadd.s32 $0xFFFFEC00  }
0x99: {  	[spmem:s3] =	stream.indirect.scatter.add.f32 [tilespmem:s23], [sflag:$0x3], $0x80, s2, s22, $0xb8;
	[tilespmem:$0x1EB00] =	vst v63  }
0x9a: {  	_ =	swait.ge [sflag:s21], $0x1400  }
0x9b: {  	[sflag:s21] =	ssyncset.done $0x0  }
0x9c: {  	s6 =	sadd.s32 $0x4028, s19;
	[sflag:s21] =	ssyncadd.s32 $0xFFFFEC00  }
0x9d: {  	[spmem:s3] =	stream.indirect.scatter.add.f32 [tilespmem:s24], [sflag:$0x4], $0x80, s6, s22, $0xb8;
	[tilespmem:$0x1EB00] =	vst v63  }
0x9e: {  	_ = 	snop  }
0x9f: {  	[spmem:s4] =	stream.indirect.scatter.add.f32 [tilespmem:s26], [sflag:$0x5], $0x1, s2, s25, $0xb8;
	[tilespmem:$0x1EB00] =	vst v63  }
0xa0: {  	_ =	swait.ge [sflag:s28], $0x1400  }
0xa1: {  	[sflag:s28] =	ssyncset.done $0x0  }
0xa2: {  	s2 =	sadd.s32 $0x80, s19;
	[sflag:s28] =	ssyncadd.s32 $0xFFFFEC00  }
0xa3: {  	[tilespmem:s23], [sflag:$0x1] =	stream.indirect.gather [hbm4b:s1+s22], $0x80, s2, s22, $0xb8;
	[tilespmem:$0x1EB00] =	vst v63  }
0xa4: {  	_ =	swait.ge [sflag:s29], $0x1400  }
0xa5: {  	[sflag:s29] =	ssyncset.done $0x0  }
0xa6: {  	s2 =	sadd.s32 $0xA8, s19;
	[sflag:s29] =	ssyncadd.s32 $0xFFFFEC00  }
0xa7: {  	[tilespmem:s24], [sflag:$0x2] =	stream.indirect.gather [hbm4b:s1+s22], $0x80, s2, s22, $0xb8;
	[tilespmem:$0x1EB00] =	vst v63  }
0xa8: {  	_ =	swait.ge [sflag:s20], $0x1400  }
0xa9: {  	[sflag:s20] =	ssyncset.done $0x0  }
0xaa: {  	s2 =	sadd.s32 $0x4080, s19;
	[sflag:s20] =	ssyncadd.s32 $0xFFFFEC00  }
0xab: {  	[spmem:s3] =	stream.indirect.scatter.add.f32 [tilespmem:s23], [sflag:$0x3], $0x80, s2, s22, $0xb8;
	[tilespmem:$0x1EB00] =	vst v63  }
0xac: {  	_ =	swait.ge [sflag:s21], $0x1400  }
0xad: {  	[sflag:s21] =	ssyncset.done $0x0  }
0xae: {  	s6 =	sadd.s32 $0x40A8, s19;
	[sflag:s21] =	ssyncadd.s32 $0xFFFFEC00  }
0xaf: {  	[spmem:s3] =	stream.indirect.scatter.add.f32 [tilespmem:s24], [sflag:$0x4], $0x80, s6, s22, $0xb8;
	[tilespmem:$0x1EB00] =	vst v63  }
0xb0: {  	_ =	swait.ge [sflag:s30], $0x50  }
0xb1: {  	[sflag:s30] =	ssyncset.done $0x0  }
0xb2: {  	[sflag:s30] =	ssyncadd.s32 $0xFFFFFFB0  }
0xb3: {  	[spmem:s4] =	stream.indirect.scatter.add.f32 [tilespmem:s26], [sflag:$0x5], $0x1, s2, s25, $0xb8;
	[tilespmem:$0x1EB00] =	vst v63  }
0xb4: {  	_ =	swait.ge [sflag:s28], $0x1400  }
0xb5: {  	[sflag:s28] =	ssyncset.done $0x0  }
0xb6: {  	s2 =	sadd.s32 $0x100, s19;
	[sflag:s28] =	ssyncadd.s32 $0xFFFFEC00  }
0xb7: {  	[tilespmem:s23], [sflag:$0x1] =	stream.indirect.gather [hbm4b:s1+s22], $0x80, s2, s22, $0xb8;
	[tilespmem:$0x1EB00] =	vst v63  }
0xb8: {  	_ =	swait.ge [sflag:s29], $0x1400  }
0xb9: {  	[sflag:s29] =	ssyncset.done $0x0  }
0xba: {  	s2 =	sadd.s32 $0x128, s19;
	[sflag:s29] =	ssyncadd.s32 $0xFFFFEC00  }
0xbb: {  	[tilespmem:s24], [sflag:$0x2] =	stream.indirect.gather [hbm4b:s1+s22], $0x80, s2, s22, $0xb8;
	[tilespmem:$0x1EB00] =	vst v63  }
0xbc: {  	_ =	swait.ge [sflag:s20], $0x1400  }
0xbd: {  	[sflag:s20] =	ssyncset.done $0x0  }
0xbe: {  	s2 =	sadd.s32 $0x4100, s19;
	[sflag:s20] =	ssyncadd.s32 $0xFFFFEC00  }
0xbf: {  	[spmem:s3] =	stream.indirect.scatter.add.f32 [tilespmem:s23], [sflag:$0x3], $0x80, s2, s22, $0xb8;
	[tilespmem:$0x1EB00] =	vst v63  }
0xc0: {  	_ =	swait.ge [sflag:s21], $0x1400  }
0xc1: {  	[sflag:s21] =	ssyncset.done $0x0  }
0xc2: {  	s6 =	sadd.s32 $0x4128, s19;
	[sflag:s21] =	ssyncadd.s32 $0xFFFFEC00  }
0xc3: {  	[spmem:s3] =	stream.indirect.scatter.add.f32 [tilespmem:s24], [sflag:$0x4], $0x80, s6, s22, $0xb8;
	[tilespmem:$0x1EB00] =	vst v63  }
0xc4: {  	_ =	swait.ge [sflag:s30], $0x50  }
0xc5: {  	[sflag:s30] =	ssyncset.done $0x0  }
0xc6: {  	[sflag:s30] =	ssyncadd.s32 $0xFFFFFFB0  }
0xc7: {  	[spmem:s4] =	stream.indirect.scatter.add.f32 [tilespmem:s26], [sflag:$0x5], $0x1, s2, s25, $0xb8;
	[tilespmem:$0x1EB00] =	vst v63  }
0xc8: {  	_ =	swait.ge [sflag:s28], $0x1400  }
0xc9: {  	[sflag:s28] =	ssyncset.done $0x0  }
0xca: {  	s2 =	sadd.s32 $0x180, s19;
	[sflag:s28] =	ssyncadd.s32 $0xFFFFEC00  }
0xcb: {  	[tilespmem:s23], [sflag:$0x1] =	stream.indirect.gather [hbm4b:s1+s22], $0x80, s2, s22, $0xb8;
	[tilespmem:$0x1EB00] =	vst v63  }
0xcc: {  	_ =	swait.ge [sflag:s29], $0x1400  }
0xcd: {  	[sflag:s29] =	ssyncset.done $0x0  }
0xce: {  	s2 =	sadd.s32 $0x1A8, s19;
	[sflag:s29] =	ssyncadd.s32 $0xFFFFEC00  }
0xcf: {  	[tilespmem:s24], [sflag:$0x2] =	stream.indirect.gather [hbm4b:s1+s22], $0x80, s2, s22, $0xb8;
	[tilespmem:$0x1EB00] =	vst v63  }
0xd0: {  	_ =	swait.ge [sflag:s20], $0x1400  }
0xd1: {  	[sflag:s20] =	ssyncset.done $0x0  }
0xd2: {  	s2 =	sadd.s32 $0x4180, s19;
	[sflag:s20] =	ssyncadd.s32 $0xFFFFEC00  }
0xd3: {  	[spmem:s3] =	stream.indirect.scatter.add.f32 [tilespmem:s23], [sflag:$0x3], $0x80, s2, s22, $0xb8;
	[tilespmem:$0x1EB00] =	vst v63  }
0xd4: {  	_ =	swait.ge [sflag:s21], $0x1400  }
0xd5: {  	[sflag:s21] =	ssyncset.done $0x0  }
0xd6: {  	s6 =	sadd.s32 $0x41A8, s19;
	[sflag:s21] =	ssyncadd.s32 $0xFFFFEC00  }
0xd7: {  	[spmem:s3] =	stream.indirect.scatter.add.f32 [tilespmem:s24], [sflag:$0x4], $0x80, s6, s22, $0xb8;
	[tilespmem:$0x1EB00] =	vst v63  }
0xd8: {  	_ =	swait.ge [sflag:s30], $0x50  }
0xd9: {  	[sflag:s30] =	ssyncset.done $0x0  }
0xda: {  	[sflag:s30] =	ssyncadd.s32 $0xFFFFFFB0  }
0xdb: {  	[spmem:s4] =	stream.indirect.scatter.add.f32 [tilespmem:s26], [sflag:$0x5], $0x1, s2, s25, $0xb8;
	[tilespmem:$0x1EB00] =	vst v63  }
0xdc: {  	_ =	swait.ge [sflag:s28], $0x1400  }
0xdd: {  	[sflag:s28] =	ssyncset.done $0x0  }
0xde: {  	s2 =	sadd.s32 $0x200, s19;
	[sflag:s28] =	ssyncadd.s32 $0xFFFFEC00  }
0xdf: {  	[tilespmem:s23], [sflag:$0x1] =	stream.indirect.gather [hbm4b:s1+s22], $0x80, s2, s22, $0xb8;
	[tilespmem:$0x1EB00] =	vst v63  }
0xe0: {  	_ =	swait.ge [sflag:s29], $0x1400  }
0xe1: {  	[sflag:s29] =	ssyncset.done $0x0  }
0xe2: {  	s2 =	sadd.s32 $0x228, s19;
	[sflag:s29] =	ssyncadd.s32 $0xFFFFEC00  }
0xe3: {  	[tilespmem:s24], [sflag:$0x2] =	stream.indirect.gather [hbm4b:s1+s22], $0x80, s2, s22, $0xb8;
	[tilespmem:$0x1EB00] =	vst v63  }
0xe4: {  	_ =	swait.ge [sflag:s20], $0x1400  }
0xe5: {  	[sflag:s20] =	ssyncset.done $0x0  }
0xe6: {  	s2 =	sadd.s32 $0x4200, s19;
	[sflag:s20] =	ssyncadd.s32 $0xFFFFEC00  }
0xe7: {  	[spmem:s3] =	stream.indirect.scatter.add.f32 [tilespmem:s23], [sflag:$0x3], $0x80, s2, s22, $0xb8;
	[tilespmem:$0x1EB00] =	vst v63  }
0xe8: {  	_ =	swait.ge [sflag:s21], $0x1400  }
0xe9: {  	[sflag:s21] =	ssyncset.done $0x0  }
0xea: {  	s6 =	sadd.s32 $0x4228, s19;
	[sflag:s21] =	ssyncadd.s32 $0xFFFFEC00  }
0xeb: {  	[spmem:s3] =	stream.indirect.scatter.add.f32 [tilespmem:s24], [sflag:$0x4], $0x80, s6, s22, $0xb8;
	[tilespmem:$0x1EB00] =	vst v63  }
0xec: {  	_ =	swait.ge [sflag:s30], $0x50  }
0xed: {  	[sflag:s30] =	ssyncset.done $0x0  }
0xee: {  	[sflag:s30] =	ssyncadd.s32 $0xFFFFFFB0  }
0xef: {  	[spmem:s4] =	stream.indirect.scatter.add.f32 [tilespmem:s26], [sflag:$0x5], $0x1, s2, s25, $0xb8;
	[tilespmem:$0x1EB00] =	vst v63  }
0xf0: {  	_ =	swait.ge [sflag:s28], $0x1400  }
0xf1: {  	[sflag:s28] =	ssyncset.done $0x0  }
0xf2: {  	[sflag:s28] =	ssyncadd.s32 $0xFFFFEC00  }
.Ltmp0:
0xf3: {  	_ =	swait.ge [sflag:s29], $0x1400;
	(pc) =	sbr.rel @p0 .LBB2_2-.Ltmp0, $4  }
0xf4: {  	[sflag:s29] =	ssyncset.done $0x0  }
0xf5: {  	[sflag:s29] =	ssyncadd.s32 $0xFFFFEC00  }
0xf6: {  	_ =	swait.ge [sflag:s30], $0x50  }
0xf7: {  	s2 =	smov.u32 s5;
	[sflag:s30] =	ssyncset.done $0x0  }
0xf8: {  	s0 =	sshra.s32 s0, $0x2;
	[sflag:s30] =	ssyncadd.s32 $0xFFFFFFB0  }
0xf9: {  	[tilespmem:s23], [sflag:$0x1] =	stream.indirect.gather [hbm4b:s1+s22], $0x80, s0, s22, $0xb8;
	[tilespmem:$0x1EB00] =	vst v63  }
0xfa: {  	s2 =	sadd.s32 $0x28, s0  }
0xfb: {  	[tilespmem:s24], [sflag:$0x2] =	stream.indirect.gather [hbm4b:s1+s22], $0x80, s2, s22, $0xb8;
	[tilespmem:$0x1EB00] =	vst v63  }
0xfc: {  	_ =	swait.ge [sflag:s20], $0x1400  }
0xfd: {  	[sflag:s20] =	ssyncset.done $0x0  }
0xfe: {  	s19 =	sadd.s32 $0x4000, s0;
	[sflag:s20] =	ssyncadd.s32 $0xFFFFEC00  }
0xff: {  	[spmem:s3] =	stream.indirect.scatter.add.f32 [tilespmem:s23], [sflag:$0x3], $0x80, s19, s22, $0xb8;
	[tilespmem:$0x1EB00] =	vst v63  }
0x100: {  	_ =	swait.ge [sflag:s21], $0x1400  }
0x101: {  	[sflag:s21] =	ssyncset.done $0x0  }
0x102: {  	s5 =	sadd.s32 $0x4028, s0;
	[sflag:s21] =	ssyncadd.s32 $0xFFFFEC00  }
0x103: {  	[spmem:s3] =	stream.indirect.scatter.add.f32 [tilespmem:s24], [sflag:$0x4], $0x80, s5, s22, $0xb8;
	[tilespmem:$0x1EB00] =	vst v63  }
0x104: {  	_ = 	snop  }
0x105: {  	[spmem:s4] =	stream.indirect.scatter.add.f32 [tilespmem:s26], [sflag:$0x5], $0x1, s19, s25, $0xb8;
	[tilespmem:$0x1EB00] =	vst v63  }
0x106: {  	_ =	swait.ge [sflag:s28], $0x1400  }
0x107: {  	[sflag:s28] =	ssyncset.done $0x0  }
0x108: {  	s5 =	sadd.s32 $0x80, s0;
	[sflag:s28] =	ssyncadd.s32 $0xFFFFEC00  }
0x109: {  	[tilespmem:s23], [sflag:$0x1] =	stream.indirect.gather [hbm4b:s1+s22], $0x80, s5, s22, $0xb8;
	[tilespmem:$0x1EB00] =	vst v63  }
0x10a: {  	_ =	swait.ge [sflag:s29], $0x1400  }
0x10b: {  	[sflag:s29] =	ssyncset.done $0x0  }
0x10c: {  	s6 =	sadd.s32 $0xA8, s0;
	[sflag:s29] =	ssyncadd.s32 $0xFFFFEC00  }
0x10d: {  	[tilespmem:s24], [sflag:$0x2] =	stream.indirect.gather [hbm4b:s1+s22], $0x80, s6, s22, $0xb8;
	[tilespmem:$0x1EB00] =	vst v63  }
0x10e: {  	_ =	swait.ge [sflag:s20], $0x1400  }
0x10f: {  	[sflag:s20] =	ssyncset.done $0x0  }
0x110: {  	s19 =	sadd.s32 $0x4080, s0;
	[sflag:s20] =	ssyncadd.s32 $0xFFFFEC00  }
0x111: {  	[spmem:s3] =	stream.indirect.scatter.add.f32 [tilespmem:s23], [sflag:$0x3], $0x80, s19, s22, $0xb8;
	[tilespmem:$0x1EB00] =	vst v63  }
0x112: {  	_ =	swait.ge [sflag:s21], $0x1400  }
0x113: {  	[sflag:s21] =	ssyncset.done $0x0  }
0x114: {  	s6 =	sadd.s32 $0x40A8, s0;
	[sflag:s21] =	ssyncadd.s32 $0xFFFFEC00  }
0x115: {  	[spmem:s3] =	stream.indirect.scatter.add.f32 [tilespmem:s24], [sflag:$0x4], $0x80, s6, s22, $0xb8;
	[tilespmem:$0x1EB00] =	vst v63  }
0x116: {  	_ =	swait.ge [sflag:s30], $0x50  }
0x117: {  	[sflag:s30] =	ssyncset.done $0x0  }
0x118: {  	[sflag:s30] =	ssyncadd.s32 $0xFFFFFFB0  }
0x119: {  	[spmem:s4] =	stream.indirect.scatter.add.f32 [tilespmem:s26], [sflag:$0x5], $0x1, s19, s25, $0xb8;
	[tilespmem:$0x1EB00] =	vst v63  }
0x11a: {  	_ =	swait.ge [sflag:s28], $0x1400  }
0x11b: {  	[sflag:s28] =	ssyncset.done $0x0  }
0x11c: {  	s19 =	sadd.s32 $0x100, s0;
	[sflag:s28] =	ssyncadd.s32 $0xFFFFEC00  }
0x11d: {  	[tilespmem:s23], [sflag:$0x1] =	stream.indirect.gather [hbm4b:s1+s22], $0x80, s19, s22, $0xb8;
	[tilespmem:$0x1EB00] =	vst v63  }
0x11e: {  	_ =	swait.ge [sflag:s29], $0x1400  }
0x11f: {  	[sflag:s29] =	ssyncset.done $0x0  }
0x120: {  	s5 =	sadd.s32 $0x128, s0;
	[sflag:s29] =	ssyncadd.s32 $0xFFFFEC00  }
0x121: {  	[tilespmem:s24], [sflag:$0x2] =	stream.indirect.gather [hbm4b:s1+s22], $0x80, s5, s22, $0xb8;
	[tilespmem:$0x1EB00] =	vst v63  }
0x122: {  	_ =	swait.ge [sflag:s20], $0x1400  }
0x123: {  	[sflag:s20] =	ssyncset.done $0x0  }
0x124: {  	s6 =	sadd.s32 $0x4100, s0;
	[sflag:s20] =	ssyncadd.s32 $0xFFFFEC00  }
0x125: {  	[spmem:s3] =	stream.indirect.scatter.add.f32 [tilespmem:s23], [sflag:$0x3], $0x80, s6, s22, $0xb8;
	[tilespmem:$0x1EB00] =	vst v63  }
0x126: {  	_ =	swait.ge [sflag:s21], $0x1400  }
0x127: {  	[sflag:s21] =	ssyncset.done $0x0  }
0x128: {  	s19 =	sadd.s32 $0x4128, s0;
	[sflag:s21] =	ssyncadd.s32 $0xFFFFEC00  }
0x129: {  	[spmem:s3] =	stream.indirect.scatter.add.f32 [tilespmem:s24], [sflag:$0x4], $0x80, s19, s22, $0xb8;
	[tilespmem:$0x1EB00] =	vst v63  }
0x12a: {  	_ =	swait.ge [sflag:s30], $0x50  }
0x12b: {  	[sflag:s30] =	ssyncset.done $0x0  }
0x12c: {  	[sflag:s30] =	ssyncadd.s32 $0xFFFFFFB0  }
0x12d: {  	[spmem:s4] =	stream.indirect.scatter.add.f32 [tilespmem:s26], [sflag:$0x5], $0x1, s6, s25, $0xb8;
	[tilespmem:$0x1EB00] =	vst v63  }
0x12e: {  	_ =	swait.ge [sflag:s28], $0x1400  }
0x12f: {  	[sflag:s28] =	ssyncset.done $0x0  }
0x130: {  	s5 =	sadd.s32 $0x180, s0;
	[sflag:s28] =	ssyncadd.s32 $0xFFFFEC00  }
0x131: {  	[tilespmem:s23], [sflag:$0x1] =	stream.indirect.gather [hbm4b:s1+s22], $0x80, s5, s22, $0xb8;
	[tilespmem:$0x1EB00] =	vst v63  }
0x132: {  	_ =	swait.ge [sflag:s29], $0x1400  }
0x133: {  	[sflag:s29] =	ssyncset.done $0x0  }
0x134: {  	s6 =	sadd.s32 $0x1A8, s0;
	[sflag:s29] =	ssyncadd.s32 $0xFFFFEC00  }
0x135: {  	[tilespmem:s24], [sflag:$0x2] =	stream.indirect.gather [hbm4b:s1+s22], $0x80, s6, s22, $0xb8;
	[tilespmem:$0x1EB00] =	vst v63  }
0x136: {  	_ =	swait.ge [sflag:s20], $0x1400  }
0x137: {  	[sflag:s20] =	ssyncset.done $0x0  }
0x138: {  	s19 =	sadd.s32 $0x4180, s0;
	[sflag:s20] =	ssyncadd.s32 $0xFFFFEC00  }
0x139: {  	[spmem:s3] =	stream.indirect.scatter.add.f32 [tilespmem:s23], [sflag:$0x3], $0x80, s19, s22, $0xb8;
	[tilespmem:$0x1EB00] =	vst v63  }
0x13a: {  	_ =	swait.ge [sflag:s21], $0x1400  }
0x13b: {  	[sflag:s21] =	ssyncset.done $0x0  }
0x13c: {  	s6 =	sadd.s32 $0x41A8, s0;
	[sflag:s21] =	ssyncadd.s32 $0xFFFFEC00  }
0x13d: {  	[spmem:s3] =	stream.indirect.scatter.add.f32 [tilespmem:s24], [sflag:$0x4], $0x80, s6, s22, $0xb8;
	[tilespmem:$0x1EB00] =	vst v63  }
0x13e: {  	_ =	swait.ge [sflag:s30], $0x50  }
0x13f: {  	[sflag:s30] =	ssyncset.done $0x0  }
0x140: {  	[sflag:s30] =	ssyncadd.s32 $0xFFFFFFB0  }
0x141: {  	[spmem:s4] =	stream.indirect.scatter.add.f32 [tilespmem:s26], [sflag:$0x5], $0x1, s19, s25, $0xb8;
	[tilespmem:$0x1EB00] =	vst v63  }
0x142: {  	_ =	swait.ge [sflag:s28], $0x1400  }
0x143: {  	[sflag:s28] =	ssyncset.done $0x0  }
0x144: {  	s19 =	sadd.s32 $0x200, s0;
	[sflag:s28] =	ssyncadd.s32 $0xFFFFEC00  }
0x145: {  	[tilespmem:s23], [sflag:$0x1] =	stream.indirect.gather [hbm4b:s1+s22], $0x80, s19, s22, $0xb8;
	[tilespmem:$0x1EB00] =	vst v63  }
0x146: {  	_ =	swait.ge [sflag:s29], $0x1400  }
0x147: {  	[sflag:s29] =	ssyncset.done $0x0  }
0x148: {  	s5 =	sadd.s32 $0x228, s0;
	[sflag:s29] =	ssyncadd.s32 $0xFFFFEC00  }
0x149: {  	[tilespmem:s24], [sflag:$0x2] =	stream.indirect.gather [hbm4b:s1+s22], $0x80, s5, s22, $0xb8;
	[tilespmem:$0x1EB00] =	vst v63  }
0x14a: {  	_ =	swait.ge [sflag:s20], $0x1400  }
0x14b: {  	[sflag:s20] =	ssyncset.done $0x0  }
0x14c: {  	s6 =	sadd.s32 $0x4200, s0;
	[sflag:s20] =	ssyncadd.s32 $0xFFFFEC00  }
0x14d: {  	[spmem:s3] =	stream.indirect.scatter.add.f32 [tilespmem:s23], [sflag:$0x3], $0x80, s6, s22, $0xb8;
	[tilespmem:$0x1EB00] =	vst v63  }
0x14e: {  	_ =	swait.ge [sflag:s21], $0x1400  }
0x14f: {  	[sflag:s21] =	ssyncset.done $0x0  }
0x150: {  	s0 =	sadd.s32 $0x4228, s0;
	[sflag:s21] =	ssyncadd.s32 $0xFFFFEC00  }
0x151: {  	[spmem:s3] =	stream.indirect.scatter.add.f32 [tilespmem:s24], [sflag:$0x4], $0x80, s0, s22, $0xb8;
	[tilespmem:$0x1EB00] =	vst v63  }
0x152: {  	_ =	swait.ge [sflag:s30], $0x50  }
0x153: {  	[sflag:s30] =	ssyncset.done $0x0  }
0x154: {  	[sflag:s30] =	ssyncadd.s32 $0xFFFFFFB0  }
0x155: {  	[spmem:s4] =	stream.indirect.scatter.add.f32 [tilespmem:s26], [sflag:$0x5], $0x1, s6, s25, $0xb8;
	[tilespmem:$0x1EB00] =	vst v63  }
0x156: {  	_ =	swait.ge [sflag:s28], $0x1400  }
0x157: {  	[sflag:s28] =	ssyncset.done $0x0  }
0x158: {  	[sflag:s28] =	ssyncadd.s32 $0xFFFFEC00  }
0x159: {  	_ =	swait.ge [sflag:s29], $0x1400  }
0x15a: {  	[sflag:s29] =	ssyncset.done $0x0  }
0x15b: {  	[sflag:s29] =	ssyncadd.s32 $0xFFFFEC00  }
0x15c: {  	_ =	swait.ge [sflag:s30], $0x50  }
0x15d: {  	[sflag:s30] =	ssyncset.done $0x0  }
0x15e: {  	[sflag:s30] =	ssyncadd.s32 $0xFFFFFFB0  }
0x15f: {  	s19 =	sor.u32 $0x1C06, s8;
	[bflag:$0x0] =	sbarrier.arrive $0xFFFF  }
0x160: {  	[hbm:s12], [sflag:s19] =	dma.local [spmem:s15], $0x2800  }
0x161: {  	s31 =	sadd.s32 $0x1, s31;
	_ =	swait.ge [sflag:s18], $0x2800  }
0x162: {  	p0 =	sne.s32 s31, s14;
	[sflag:s18] =	ssyncset.done $0x0  }
.Ltmp1:
0x163: {  	[sflag:s18] =	ssyncadd.s32 $0xFFFFD800;
	(pc) =	sbr.rel @p0 .LBB2_1-.Ltmp1, $4  }
0x164: {  	[hbm:s13], [sflag:s19] =	dma.local [spmem:s17], $0x50  }
0x165: {  	_ =	swait.ge [sflag:s18], $0x50  }
0x166: {  	[sflag:s18] =	ssyncset.done $0x0  }
0x167: {  	[sflag:s18] =	ssyncadd.s32 $0xFFFFFFB0  }
0x168: {  	_ =	sfence.sel $0x180000  }
0x169: {  	[bflag:$0x0] =	sbarrier.arrive $0xFFFF  }
0x16a: {  	_ =	strace $0x90000047  }
0x16b: {  	s0 =	stileid.u32;
	[bflag:$0x2] =	sbarrier.arrive $0xFFFF  }
0x16c: {  	p0 =	sne.s32 s0, $0x0;
	s0 =	rddreg [dreg:$0x5]  }
0x16d: {  	s0 =	sadd.s32 @!p0 $0x100000, s0  }
0x16e: {  	[sflag:s0] =	ssyncadd.tile.s32 @!p0 $0x1;
	_ =	shalt  }
.Lfunc_end2:
_tile_overlayer_lowered:
.L_overlay_start_2:
0x16f: {  	(tag) =	ssettag $0x2  }
0x170: {  	s0 =	rddreg [dreg:$0x0];
	s2 =	stileid.u32  }
0x171: {  	s1 =	rddreg [dreg:$0x1];
	p0 =	sne.s32 s2, $0x0  }
0x172: {  	s3 =	rddreg [dreg:$0x2];
	[bflag:$0x3] =	sbarrier.arrive $0xFFFF;
	s2 =	simm.s32 @!p0 $0x1C06  }
0x173: {  	[timem:s3], [sflag:s2] =	dma.local @!p0 [hbm:s0], s1  }
0x174: {  	s0 =	simm.s32 @!p0 $0x6  }
0x175: {  	_ =	swait.ge @!p0 [sflag:s0], s1  }
0x176: {  	s1 =	ssub.s32 @!p0 $0x0, s1;
	[sflag:s0] =	ssyncset.done @!p0 $0x0  }
0x177: {  	[sflag:s0] =	ssyncadd.s32 @!p0 s1  }
0x178: {  	[bflag:$0x3] =	sbarrier.arrive $0xFFFF  }
0x179: {  	_ =	shalt  }

// kernel: kernel.9.cloned.1.call-start
scs
__scs_entry_jumppad:
0x0: {  	(pc) =	sbr.rel $0x88, $3  }
0x1: {  	(tag) =	ssettag $0x0;
	lr =	simm.s32 $0x1  }
0x2: {  	[smem:$0x3F99] =	sst lr;
	_ =	strace $0xD0000000  }
0x3: {  	_ = 	snop  }
0x4: {  	_ = 	snop  }
0x5: {  	_ = 	snop  }
0x6: {  	_ = 	snop  }
0x7: {  	_ = 	snop  }
__scs_overlays_trampoline_lowered:
0x8: {  	[smem:$0x3FA8] =	sst s0  }
0x9: {  	[smem:$0x3FA9] =	sst s1  }
0xa: {  	[smem:$0x3FAA] =	sst s2  }
0xb: {  	[smem:$0x3FAB] =	sst s3  }
0xc: {  	[smem:$0x3FAC] =	sst s4  }
0xd: {  	[smem:$0x3FAD] =	sst s5  }
0xe: {  	[smem:$0x3FAE] =	sst s6  }
0xf: {  	[smem:$0x3FAF] =	sst s7  }
0x10: {  	[smem:$0x3FB0] =	sst s8  }
0x11: {  	[smem:$0x3FB1] =	sst s9;
	s0 =	simm.s32 @!p0 $0x0  }
0x12: {  	s1 =	sld [smem:$0x3F97];
	s0 =	simm.s32 @p0 $0x1  }
0x13: {  	[smem:$0x3FB2] =	sst s0;
	s0 =	simm.s32 @!p1 $0x0  }
0x14: {  	s2 =	sld [smem:$0x3F96];
	s0 =	simm.s32 @p1 $0x1  }
0x15: {  	[smem:$0x3FB3] =	sst s0;
	s0 =	simm.s32 @!p2 $0x0  }
0x16: {  	s3 =	sld [smem:$0x3FDB];
	s0 =	simm.s32 @p2 $0x1  }
0x17: {  	s4 =	simm.s32 $0x1BF5;
	[smem:$0x3FB5] =	sst s0  }
0x18: {  	s0 =	sld [smem:$0x3F98];
	_ =	swait.ge [sflag:s4], $0x0  }
0x19: {  	s7 =	sld [smem:$0x3F99]  }
0x1a: {  	s8 =	sadd.s32 $0xFFFFE003, lr  }
0x1b: {  	s9 =	sadd.s32 $0xFFFFFEF7, lr;
	s5 =	simm.s32 $0xFFFFFFFF;
	p2 =	slt.u32 s8, $0xFFFFF086  }
0x1c: {  	p1 =	slt.u32 s9, $0xF7A;
	s5 =	simm.s32 @!p2 $0x0  }
0x1d: {  	s5 =	simm.s32 @p1 $0x1;
	p0 =	seq.s32 s7, s2  }
0x1e: {  	s7 =	smul.u32 @!p0 $0xF7A, s2;
	p2 =	seq.s32 @!p0 s5, $0x0  }
0x1f: {  	s9 =	smul.u32 $0xF7A, s1;
	s8 =	simm.s32 @!p0 $0x1BF5;
	p2 =	por !p2, p0  }
0x20: {  	[sflag:s8] =	ssyncset.s32 @!p0 $0xFFFFF086;
	s6 =	sadd.s32 @!p0 s3, s7;
	s7 =	simm.s32 @!p0 $0x108  }
0x21: {  	s3 =	sadd.s32 s3, s9;
	s6 =	sadd.s32 @!p0 $0x88, s6;
	s7 =	simm.s32 @p2 $0x1082  }
0x22: {  	[simem:s7], [sflag:s8] =	dma.local @!p0 [hbm:s6], $0xF7A  }
0x23: {  	s9 =	sor.u32 $0xD0000000, s2;
	s6 =	simm.s32 $0x108;
	_ =	swait.ge @!p0 [sflag:s8], $0x0  }
0x24: {  	s3 =	sadd.s32 $0x88, s3;
	s6 =	simm.s32 @!p1 $0x1082;
	[sflag:s4] =	ssyncset.s32 $0xFFFFF086  }
0x25: {  	[simem:s6], [sflag:s4] =	dma.local [hbm:s3], $0xF7A  }
0x26: {  	[smem:$0x3F99] =	sst s1;
	(tag) =	ssettag s2;
	_ =	strace s9  }
0x27: {  	s1 =	sld [smem:$0x3FA9]  }
0x28: {  	s2 =	sld [smem:$0x3FAA]  }
0x29: {  	s4 =	sld [smem:$0x3FAC]  }
0x2a: {  	p0 =	seq.s32 s5, $0x0;
	s5 =	sld [smem:$0x3FAD]  }
0x2b: {  	s6 =	sld [smem:$0x3FAE]  }
0x2c: {  	s7 =	sld [smem:$0x3FAF]  }
0x2d: {  	s3 =	simm.s32 $0x108;
	s8 =	sld [smem:$0x3FB0]  }
0x2e: {  	s3 =	simm.s32 @!p0 $0x1082;
	s9 =	sld [smem:$0x3FB1]  }
0x2f: {  	lr =	sadd.s32 s0, s3;
	s0 =	sld [smem:$0x3FA8]  }
0x30: {  	s3 =	sld [smem:$0x3FAB]  }
0x31: {  	[smem:$0x3FB4] =	sst s10  }
0x32: {  	s10 =	sld [smem:$0x3FB2];
	_ =	sdelay $0x3  }
0x33: {  	p0 =	seq.s32 s10, $0x1;
	s10 =	sld [smem:$0x3FB4];
	_ =	sdelay $0x3  }
0x34: {  	[smem:$0x3FB4] =	sst s10  }
0x35: {  	s10 =	sld [smem:$0x3FB3];
	_ =	sdelay $0x3  }
0x36: {  	p1 =	seq.s32 s10, $0x1;
	s10 =	sld [smem:$0x3FB4];
	_ =	sdelay $0x3  }
0x37: {  	[smem:$0x3FB4] =	sst s10  }
0x38: {  	s10 =	sld [smem:$0x3FB5]  }
0x39: {  	_ = 	snop;
	(pc) =	sbr.ind lr, $3  }
0x3a: {  	_ = 	snop  }
0x3b: {  	_ = 	snop  }
0x3c: {  	p2 =	seq.s32 s10, $0x1;
	s10 =	sld [smem:$0x3FB4]  }
0x3d: {  	_ =	shalt  }
0x3e: {  	_ =	shalt  }
0x3f: {  	_ =	shalt  }
0x40: {  	_ =	shalt  }
0x41: {  	_ =	shalt  }
0x42: {  	_ =	shalt  }
0x43: {  	_ =	shalt  }
0x44: {  	_ =	shalt  }
0x45: {  	_ =	shalt  }
0x46: {  	_ =	shalt  }
0x47: {  	_ =	shalt  }
0x48: {  	_ =	shalt  }
0x49: {  	_ =	shalt  }
0x4a: {  	_ =	shalt  }
0x4b: {  	_ =	shalt  }
0x4c: {  	_ =	shalt  }
0x4d: {  	_ =	shalt  }
0x4e: {  	_ =	shalt  }
0x4f: {  	_ =	shalt  }
0x50: {  	_ =	shalt  }
0x51: {  	_ =	shalt  }
0x52: {  	_ =	shalt  }
0x53: {  	_ =	shalt  }
0x54: {  	_ =	shalt  }
0x55: {  	_ =	shalt  }
0x56: {  	_ =	shalt  }
0x57: {  	_ =	shalt  }
0x58: {  	_ =	shalt  }
0x59: {  	_ =	shalt  }
0x5a: {  	_ =	shalt  }
0x5b: {  	_ =	shalt  }
0x5c: {  	_ =	shalt  }
0x5d: {  	_ =	shalt  }
0x5e: {  	_ =	shalt  }
0x5f: {  	_ =	shalt  }
0x60: {  	_ =	shalt  }
0x61: {  	_ =	shalt  }
0x62: {  	_ =	shalt  }
0x63: {  	_ =	shalt  }
0x64: {  	_ =	shalt  }
0x65: {  	_ =	shalt  }
0x66: {  	_ =	shalt  }
0x67: {  	_ =	shalt  }
0x68: {  	_ =	shalt  }
0x69: {  	_ =	shalt  }
0x6a: {  	_ =	shalt  }
0x6b: {  	_ =	shalt  }
0x6c: {  	_ =	shalt  }
0x6d: {  	_ =	shalt  }
0x6e: {  	_ =	shalt  }
0x6f: {  	_ =	shalt  }
0x70: {  	_ =	shalt  }
0x71: {  	_ =	shalt  }
0x72: {  	_ =	shalt  }
0x73: {  	_ =	shalt  }
0x74: {  	_ =	shalt  }
0x75: {  	_ =	shalt  }
0x76: {  	_ =	shalt  }
0x77: {  	_ =	shalt  }
0x78: {  	_ =	shalt  }
0x79: {  	_ =	shalt  }
0x7a: {  	_ =	shalt  }
0x7b: {  	_ =	shalt  }
0x7c: {  	_ =	shalt  }
0x7d: {  	_ =	shalt  }
0x7e: {  	_ =	shalt  }
0x7f: {  	_ =	shalt  }
0x80: {  	_ =	shalt  }
0x81: {  	_ =	shalt  }
0x82: {  	_ =	shalt  }
0x83: {  	_ =	shalt  }
0x84: {  	_ =	shalt  }
0x85: {  	_ =	shalt  }
0x86: {  	_ =	shalt  }
0x87: {  	_ =	shalt  }
.Lfunc_end0:
.L_simem_size_0:
called_computation.1_lowered:
.L_overlay_start_0:
0x88: {  	s2 =	sld [smem:$0x3FD9]  }
0x89: {  	s3 =	sld [smem:$0x3FFE];
	_ =	sdelay $0x1  }
0x8a: {  	s1 =	srdreg.scid  }
0x8b: {  	s0 =	sand.u32 $0x1, s1  }
0x8c: {  	s17 =	sshll.u32 s0, $0xA;
	s2 =	sadd.s32 s3, s2  }
0x8d: {  	s2 =	sadd.s32 s2, s17  }
0x8e: {  	[smem:$0x3FC0] =	sst s2  }
0x8f: {  	_ = 	snop  }
0x90: {  	s2 =	sld [smem:$0x3FD0];
	(tm) =	ssettm $0x1  }
0x91: {  	s18 =	sld [smem:$0x3FFB];
	_ =	sdelay $0x3  }
0x92: {  	_ =	strace s18  }
0x93: {  	s3 =	sld [smem:$0x3FFC];
	_ =	sdelay $0x3  }
0x94: {  	_ =	strace s3  }
0x95: {  	s3 =	sld [smem:$0x3FFD];
	_ =	sdelay $0x3  }
0x96: {  	_ =	strace s3  }
0x97: {  	_ =	strace $0x8FFFFFFF  }
0x98: {  	s19 =	sld [smem:$0x3FDB];
	_ =	sdelay $0x1  }
0x99: {  	s4 =	simm.s32 $_scs_section_size  }
0x9a: {  	s5 =	simm.s32 $_size__tile_overlayer_lowered;
	s6 =	simm.s32 $_tile_overlayer_lowered  }
0x9b: {  	s22 =	simm.s32 $0x1BFF;
	s21 =	sshll.u32 s6, $0x1;
	s3 =	sadd.s32 s4, s19  }
0x9c: {  	s7 =	simm.s32 $0x0;
	s20 =	sshll.u32 s5, $0x1;
	s5 =	sadd.s32 s21, s3  }
0x9d: {  	[timem:s7], [sflag:s22] =	dma.local [hbm:s5], s20  }
0x9e: {  	_ =	swait.ge [sflag:s22], s20  }
0x9f: {  	s4 =	ssub.s32 $0x0, s20;
	[sflag:s22] =	ssyncset.done $0x0  }
0xa0: {  	[sflag:s22] =	ssyncadd.s32 s4;
	_ =	sdelay $0x1  }
0xa1: {  	s23 =	simm.s32 $0x1B8B  }
0xa2: {  	_ =	swait.ge [sflag:s23], $0x1  }
0xa3: {  	[sflag:s23] =	ssyncset.done $0x0  }
0xa4: {  	s25 =	simm.s32 $0x1B8E;
	s24 =	sld [smem:$0x3FFE];
	[sflag:s23] =	ssyncadd.s32 $0xFFFFFFFF  }
0xa5: {  	s26 =	simm.s32 $execute0_lowered;
	[smem:$0x3FD2] =	sst s25  }
0xa6: {  	s5 =	sshll.u32 s26, $0x1;
	_ =	strace $0x80000049;
	[dreg:$0x1] =	wrdreg $0xFFFFFFFF  }
0xa7: {  	s28 =	simm.s32 $_size_execute0_lowered;
	s3 =	sadd.s32 s3, s5;
	[dreg:$0x0] =	wrdreg $0x0  }
0xa8: {  	s5 =	sshll.u32 s28, $0x1;
	[dreg:$0x2] =	wrdreg s3  }
0xa9: {  	[dreg:$0x3] =	wrdreg s5  }
0xaa: {  	[dreg:$0x4] =	wrdreg $0xC0  }
0xab: {  	_ =	task [dreg:s7], $0x5FFFF  }
0xac: {  	[dreg:$0x1] =	wrdreg $0xFFFFFFFF  }
0xad: {  	[dreg:$0x0] =	wrdreg $0x60  }
0xae: {  	[dreg:$0x2] =	wrdreg s24  }
0xaf: {  	[dreg:$0x3] =	wrdreg s2  }
0xb0: {  	[dreg:$0x4] =	wrdreg $0xA8000  }
0xb1: {  	[dreg:$0x5] =	wrdreg $0x9  }
0xb2: {  	_ =	task.clear_ibuf [dreg:s7], $0x6FFFF;
	_ =	strace $0x90000049  }
0xb3: {  	s29 =	simm.s32 $0x9;
	_ =	strace $0x8000004B  }
0xb4: {  	_ =	swait.ge [sflag:s29], $0x1  }
0xb5: {  	[sflag:s29] =	ssyncadd.s32 $0xFFFFFFFF  }
0xb6: {  	_ =	strace $0x9000004B  }
0xb7: {  	_ =	sfence  }
0xb8: {  	s30 =	sld [smem:$0x0];
	_ =	sdelay $0x2  }
0xb9: {  	s31 =	sshll.u32 s1, $0xD;
	s1 =	sshrl.u32 s1, $0x2  }
0xba: {  	s3 =	sand.u32 $0x4000, s31;
	s1 =	sadd.s32 s1, s30  }
0xbb: {  	s0 =	sor.u32 s3, s0;
	s1 =	sshll.u32 s1, $0x11  }
0xbc: {  	s0 =	sor.u32 s1, s0  }
0xbd: {  	s0 =	sadd.s32 $0x8F2B, s0  }
0xbe: {  	[sflag:s0] =	ssyncadd.remote.s32 $0x1  }
0xbf: {  	_ =	sfence.sel $0xFFFF  }
0xc0: {  	[dreg:$0x0] =	wrdreg $0xFFFFFFFF;
	(pc) =	sbr.abs _section_cstart, $3  }
0xc1: {  	[dreg:$0x1] =	wrdreg $0xFFFFFFFF  }
0xc2: {  	_ =	task.clear_ibuf [dreg:s7], $0x2FFFF;
	_ =	strace $0x9FFFFFFF  }
0xc3: {  	(tm) =	ssettm $0x7FFFFFFF  }
tec
execute0_lowered:
.L_overlay_start_1:
0x0: {  	(tag) =	ssettag $0x1  }
0x1: {  	s6 =	rddreg [dreg:$0x0]  }
0x2: {  	s7 =	rddreg [dreg:$0x1]  }
0x3: {  	s2 =	rddreg [dreg:$0x2]  }
0x4: {  	s0 =	rddreg [dreg:$0x3];
	s4 =	srdreg.scid  }
0x5: {  	s3 =	simm.s32 $0x0;
	s1 =	stileid.u32;
	s13 =	simm.s32 $0x4000  }
0x6: {  	s14 =	simm.s32 $0x1;
	s15 =	simm.s32 $0x28;
	s16 =	simm.s32 $0x8000  }
0x7: {  	s17 =	simm.s32 $0x9400;
	s18 =	simm.s32 $0x2;
	s19 =	simm.s32 $0x3  }
0x8: {  	s20 =	simm.s32 $0x4;
	s22 =	simm.s32 $0x0;
	s5 =	sand.u32 $0x1, s4  }
0x9: {  	s28 =	sshll.u32 s1, $0xC;
	s9 =	smul.u32 $0x2800, s1;
	[smem:$0x7FF] =	sst s3  }
0xa: {  	s4 =	sadd.s32 $0x14E00, s6;
	s12 =	smul.u32 $0x50000, s1;
	s21 =	sshll.u32 s1, $0x6  }
0xb: {  	s8 =	sshll.u32 s5, $0xB;
	s10 =	smul.u32 $0x28000, s5;
	_ =	strace $0x8000004A  }
0xc: {  	s29 =	ssub.s32 $0x2, s5;
	s5 =	sadd.s32 $0x12600, s6;
	s8 =	sor.u32 s8, s28  }
0xd: {  	s30 =	sshrl.u32 s29, $0x1;
	s31 =	sshrl.u32 s12, $0x2;
	s11 =	sadd.s32 s8, s6  }
0xe: {  	s9 =	sadd.s32 s9, s10;
	s10 =	ssub.s32 s29, s30;
	s12 =	sadd.s32 s31, s2  }
0xf: {  	s7 =	sadd.s32 s7, s8;
	s9 =	sadd.s32 s9, s6;
	s6 =	sor.u32 $0x1C01, s21  }
0x10: {  	s8 =	sadd.s32 $0x2400, s11;
	s10 =	smax.u32 s10, $0x1;
	s11 =	sshrl.u32 s12, $0x3  }
0x11: {  	s12 =	simm.s32 $0x5;
	s21 =	sor.u32 $0x1C05, s21;
	s9 =	sadd.s32 $0x65800, s9  }
.LBB2_1:
0x12: {  	[spmem:s11], [sflag:s6] =	dma.local [hbm:s5], $0x2800  }
0x13: {  	[tilespmem:s3], [sflag:$0x5] =	stream.linear.gather [hbm4b:s7+s3], $0x3E80, $0x38;
	[tilespmem:$0x1E800] =	vst v63  }
0x14: {  	_ =	swait.ge [sflag:s12], $0x3E80  }
0x15: {  	[sflag:s12] =	ssyncset.done $0x0  }
0x16: {  	[sflag:s12] =	ssyncadd.s32 $0xFFFFC180  }
0x17: {  	[tilespmem:s13], [sflag:$0x5] =	stream.linear.gather [hbm4b:s8+s3], $0x3E80, $0x38;
	[tilespmem:$0x1E800] =	vst v63  }
0x18: {  	_ =	swait.ge [sflag:s12], $0x3E80  }
0x19: {  	[sflag:s12] =	ssyncset.done $0x0  }
0x1a: {  	[sflag:s12] =	ssyncadd.s32 $0xFFFFC180  }
0x1b: {  	_ =	swait.ge [sflag:s14], $0x2800  }
0x1c: {  	[sflag:s14] =	ssyncset.done $0x0  }
0x1d: {  	[sflag:s14] =	ssyncadd.s32 $0xFFFFD800  }
0x1e: {  	s23 =	simm.s32 $0x0;
	[bflag:$0x0] =	sbarrier.arrive $0xFFFF  }
0x1f: {  	[tilespmem:s16], [sflag:$0x1] =	stream.indirect.gather [hbm4b:s4+s15], $0x80, s23, s15, $0xb8;
	[tilespmem:$0x1E800] =	vst v63  }
0x20: {  	s26 =	simm.s32 $0x28  }
0x21: {  	[tilespmem:s17], [sflag:$0x2] =	stream.indirect.gather [hbm4b:s4+s15], $0x80, s26, s15, $0xb8;
	[tilespmem:$0x1E800] =	vst v63  }
0x22: {  	_ =	swait.ge [sflag:s14], $0x1400  }
0x23: {  	[sflag:s14] =	ssyncset.done $0x0  }
0x24: {  	s28 =	simm.s32 $0x4000;
	[sflag:s14] =	ssyncadd.s32 $0xFFFFEC00  }
0x25: {  	[spmem:s2] =	stream.indirect.scatter.add.f32 [tilespmem:s16], [sflag:$0x3], $0x80, s28, s15, $0xb8;
	[tilespmem:$0x1E800] =	vst v63  }
0x26: {  	_ =	swait.ge [sflag:s18], $0x1400  }
0x27: {  	[sflag:s18] =	ssyncset.done $0x0  }
0x28: {  	s29 =	simm.s32 $0x4028;
	[sflag:s18] =	ssyncadd.s32 $0xFFFFEC00  }
0x29: {  	[spmem:s2] =	stream.indirect.scatter.add.f32 [tilespmem:s17], [sflag:$0x4], $0x80, s29, s15, $0xb8;
	[tilespmem:$0x1E800] =	vst v63  }
0x2a: {  	_ =	swait.ge [sflag:s19], $0x1400  }
0x2b: {  	[sflag:s19] =	ssyncset.done $0x0  }
0x2c: {  	s30 =	simm.s32 $0x80;
	[sflag:s19] =	ssyncadd.s32 $0xFFFFEC00  }
0x2d: {  	[tilespmem:s16], [sflag:$0x1] =	stream.indirect.gather [hbm4b:s4+s15], $0x80, s30, s15, $0xb8;
	[tilespmem:$0x1E800] =	vst v63  }
0x2e: {  	_ =	swait.ge [sflag:s20], $0x1400  }
0x2f: {  	[sflag:s20] =	ssyncset.done $0x0  }
0x30: {  	s31 =	simm.s32 $0xA8;
	[sflag:s20] =	ssyncadd.s32 $0xFFFFEC00  }
0x31: {  	[tilespmem:s17], [sflag:$0x2] =	stream.indirect.gather [hbm4b:s4+s15], $0x80, s31, s15, $0xb8;
	[tilespmem:$0x1E800] =	vst v63  }
0x32: {  	_ =	swait.ge [sflag:s14], $0x1400  }
0x33: {  	[sflag:s14] =	ssyncset.done $0x0  }
0x34: {  	s24 =	simm.s32 $0x4080;
	[sflag:s14] =	ssyncadd.s32 $0xFFFFEC00  }
0x35: {  	[spmem:s2] =	stream.indirect.scatter.add.f32 [tilespmem:s16], [sflag:$0x3], $0x80, s24, s15, $0xb8;
	[tilespmem:$0x1E800] =	vst v63  }
0x36: {  	_ =	swait.ge [sflag:s18], $0x1400  }
0x37: {  	[sflag:s18] =	ssyncset.done $0x0  }
0x38: {  	s25 =	simm.s32 $0x40A8;
	[sflag:s18] =	ssyncadd.s32 $0xFFFFEC00  }
0x39: {  	[spmem:s2] =	stream.indirect.scatter.add.f32 [tilespmem:s17], [sflag:$0x4], $0x80, s25, s15, $0xb8;
	[tilespmem:$0x1E800] =	vst v63  }
0x3a: {  	_ =	swait.ge [sflag:s19], $0x1400  }
0x3b: {  	[sflag:s19] =	ssyncset.done $0x0  }
0x3c: {  	s26 =	simm.s32 $0x100;
	[sflag:s19] =	ssyncadd.s32 $0xFFFFEC00  }
0x3d: {  	[tilespmem:s16], [sflag:$0x1] =	stream.indirect.gather [hbm4b:s4+s15], $0x80, s26, s15, $0xb8;
	[tilespmem:$0x1E800] =	vst v63  }
0x3e: {  	_ =	swait.ge [sflag:s20], $0x1400  }
0x3f: {  	[sflag:s20] =	ssyncset.done $0x0  }
0x40: {  	s28 =	simm.s32 $0x128;
	[sflag:s20] =	ssyncadd.s32 $0xFFFFEC00  }
0x41: {  	[tilespmem:s17], [sflag:$0x2] =	stream.indirect.gather [hbm4b:s4+s15], $0x80, s28, s15, $0xb8;
	[tilespmem:$0x1E800] =	vst v63  }
0x42: {  	_ =	swait.ge [sflag:s14], $0x1400  }
0x43: {  	[sflag:s14] =	ssyncset.done $0x0  }
0x44: {  	s29 =	simm.s32 $0x4100;
	[sflag:s14] =	ssyncadd.s32 $0xFFFFEC00  }
0x45: {  	[spmem:s2] =	stream.indirect.scatter.add.f32 [tilespmem:s16], [sflag:$0x3], $0x80, s29, s15, $0xb8;
	[tilespmem:$0x1E800] =	vst v63  }
0x46: {  	_ =	swait.ge [sflag:s18], $0x1400  }
0x47: {  	[sflag:s18] =	ssyncset.done $0x0  }
0x48: {  	s30 =	simm.s32 $0x4128;
	[sflag:s18] =	ssyncadd.s32 $0xFFFFEC00  }
0x49: {  	[spmem:s2] =	stream.indirect.scatter.add.f32 [tilespmem:s17], [sflag:$0x4], $0x80, s30, s15, $0xb8;
	[tilespmem:$0x1E800] =	vst v63  }
0x4a: {  	_ =	swait.ge [sflag:s19], $0x1400  }
0x4b: {  	[sflag:s19] =	ssyncset.done $0x0  }
0x4c: {  	s31 =	simm.s32 $0x180;
	[sflag:s19] =	ssyncadd.s32 $0xFFFFEC00  }
0x4d: {  	[tilespmem:s16], [sflag:$0x1] =	stream.indirect.gather [hbm4b:s4+s15], $0x80, s31, s15, $0xb8;
	[tilespmem:$0x1E800] =	vst v63  }
0x4e: {  	_ =	swait.ge [sflag:s20], $0x1400  }
0x4f: {  	[sflag:s20] =	ssyncset.done $0x0  }
0x50: {  	s24 =	simm.s32 $0x1A8;
	[sflag:s20] =	ssyncadd.s32 $0xFFFFEC00  }
0x51: {  	[tilespmem:s17], [sflag:$0x2] =	stream.indirect.gather [hbm4b:s4+s15], $0x80, s24, s15, $0xb8;
	[tilespmem:$0x1E800] =	vst v63  }
0x52: {  	_ =	swait.ge [sflag:s14], $0x1400  }
0x53: {  	[sflag:s14] =	ssyncset.done $0x0  }
0x54: {  	s25 =	simm.s32 $0x4180;
	[sflag:s14] =	ssyncadd.s32 $0xFFFFEC00  }
0x55: {  	[spmem:s2] =	stream.indirect.scatter.add.f32 [tilespmem:s16], [sflag:$0x3], $0x80, s25, s15, $0xb8;
	[tilespmem:$0x1E800] =	vst v63  }
0x56: {  	_ =	swait.ge [sflag:s18], $0x1400  }
0x57: {  	[sflag:s18] =	ssyncset.done $0x0  }
0x58: {  	s26 =	simm.s32 $0x41A8;
	[sflag:s18] =	ssyncadd.s32 $0xFFFFEC00  }
0x59: {  	[spmem:s2] =	stream.indirect.scatter.add.f32 [tilespmem:s17], [sflag:$0x4], $0x80, s26, s15, $0xb8;
	[tilespmem:$0x1E800] =	vst v63  }
0x5a: {  	_ =	swait.ge [sflag:s19], $0x1400  }
0x5b: {  	[sflag:s19] =	ssyncset.done $0x0  }
0x5c: {  	s28 =	simm.s32 $0x200;
	[sflag:s19] =	ssyncadd.s32 $0xFFFFEC00  }
0x5d: {  	[tilespmem:s16], [sflag:$0x1] =	stream.indirect.gather [hbm4b:s4+s15], $0x80, s28, s15, $0xb8;
	[tilespmem:$0x1E800] =	vst v63  }
0x5e: {  	_ =	swait.ge [sflag:s20], $0x1400  }
0x5f: {  	[sflag:s20] =	ssyncset.done $0x0  }
0x60: {  	s29 =	simm.s32 $0x228;
	[sflag:s20] =	ssyncadd.s32 $0xFFFFEC00  }
0x61: {  	[tilespmem:s17], [sflag:$0x2] =	stream.indirect.gather [hbm4b:s4+s15], $0x80, s29, s15, $0xb8;
	[tilespmem:$0x1E800] =	vst v63  }
0x62: {  	_ =	swait.ge [sflag:s14], $0x1400  }
0x63: {  	[sflag:s14] =	ssyncset.done $0x0  }
0x64: {  	s30 =	simm.s32 $0x4200;
	[sflag:s14] =	ssyncadd.s32 $0xFFFFEC00  }
0x65: {  	[spmem:s2] =	stream.indirect.scatter.add.f32 [tilespmem:s16], [sflag:$0x3], $0x80, s30, s15, $0xb8;
	[tilespmem:$0x1E800] =	vst v63  }
0x66: {  	_ =	swait.ge [sflag:s18], $0x1400  }
0x67: {  	[sflag:s18] =	ssyncset.done $0x0  }
0x68: {  	s31 =	simm.s32 $0x4228;
	[sflag:s18] =	ssyncadd.s32 $0xFFFFEC00  }
0x69: {  	[spmem:s2] =	stream.indirect.scatter.add.f32 [tilespmem:s17], [sflag:$0x4], $0x80, s31, s15, $0xb8;
	[tilespmem:$0x1E800] =	vst v63  }
0x6a: {  	_ =	swait.ge [sflag:s19], $0x1400  }
0x6b: {  	[sflag:s19] =	ssyncset.done $0x0  }
0x6c: {  	[sflag:s19] =	ssyncadd.s32 $0xFFFFEC00  }
0x6d: {  	_ =	swait.ge [sflag:s20], $0x1400  }
0x6e: {  	s23 =	simm.s32 $0xA00;
	s26 =	simm.s32 $0x1400;
	[sflag:s20] =	ssyncset.done $0x0  }
.LBB2_2:
0x6f: {  	s25 =	sshra.s32 s23, $0x2  }
0x70: {  	[sflag:s20] =	ssyncadd.s32 $0xFFFFEC00;
	s23 =	smov.u32 s26;
	s24 =	sadd.s32 $0xA00, s26  }
0x71: {  	[tilespmem:s16], [sflag:$0x1] =	stream.indirect.gather [hbm4b:s4+s15], $0x80, s25, s15, $0xb8;
	[tilespmem:$0x1E800] =	vst v63  }
0x72: {  	p0 =	sne.s32 s26, $0xF000;
	s26 =	sadd.s32 $0x28, s25  }
0x73: {  	[tilespmem:s17], [sflag:$0x2] =	stream.indirect.gather [hbm4b:s4+s15], $0x80, s26, s15, $0xb8;
	[tilespmem:$0x1E800] =	vst v63  }
0x74: {  	_ =	swait.ge [sflag:s14], $0x1400  }
0x75: {  	[sflag:s14] =	ssyncset.done $0x0  }
0x76: {  	s26 =	sadd.s32 $0x4000, s25;
	[sflag:s14] =	ssyncadd.s32 $0xFFFFEC00  }
0x77: {  	[spmem:s2] =	stream.indirect.scatter.add.f32 [tilespmem:s16], [sflag:$0x3], $0x80, s26, s15, $0xb8;
	[tilespmem:$0x1E800] =	vst v63  }
0x78: {  	_ =	swait.ge [sflag:s18], $0x1400  }
0x79: {  	[sflag:s18] =	ssyncset.done $0x0  }
0x7a: {  	s26 =	sadd.s32 $0x4028, s25;
	[sflag:s18] =	ssyncadd.s32 $0xFFFFEC00  }
0x7b: {  	[spmem:s2] =	stream.indirect.scatter.add.f32 [tilespmem:s17], [sflag:$0x4], $0x80, s26, s15, $0xb8;
	[tilespmem:$0x1E800] =	vst v63  }
0x7c: {  	_ =	swait.ge [sflag:s19], $0x1400  }
0x7d: {  	[sflag:s19] =	ssyncset.done $0x0  }
0x7e: {  	s26 =	sadd.s32 $0x80, s25;
	[sflag:s19] =	ssyncadd.s32 $0xFFFFEC00  }
0x7f: {  	[tilespmem:s16], [sflag:$0x1] =	stream.indirect.gather [hbm4b:s4+s15], $0x80, s26, s15, $0xb8;
	[tilespmem:$0x1E800] =	vst v63  }
0x80: {  	_ =	swait.ge [sflag:s20], $0x1400  }
0x81: {  	[sflag:s20] =	ssyncset.done $0x0  }
0x82: {  	s26 =	sadd.s32 $0xA8, s25;
	[sflag:s20] =	ssyncadd.s32 $0xFFFFEC00  }
0x83: {  	[tilespmem:s17], [sflag:$0x2] =	stream.indirect.gather [hbm4b:s4+s15], $0x80, s26, s15, $0xb8;
	[tilespmem:$0x1E800] =	vst v63  }
0x84: {  	_ =	swait.ge [sflag:s14], $0x1400  }
0x85: {  	[sflag:s14] =	ssyncset.done $0x0  }
0x86: {  	s26 =	sadd.s32 $0x4080, s25;
	[sflag:s14] =	ssyncadd.s32 $0xFFFFEC00  }
0x87: {  	[spmem:s2] =	stream.indirect.scatter.add.f32 [tilespmem:s16], [sflag:$0x3], $0x80, s26, s15, $0xb8;
	[tilespmem:$0x1E800] =	vst v63  }
0x88: {  	_ =	swait.ge [sflag:s18], $0x1400  }
0x89: {  	[sflag:s18] =	ssyncset.done $0x0  }
0x8a: {  	s26 =	sadd.s32 $0x40A8, s25;
	[sflag:s18] =	ssyncadd.s32 $0xFFFFEC00  }
0x8b: {  	[spmem:s2] =	stream.indirect.scatter.add.f32 [tilespmem:s17], [sflag:$0x4], $0x80, s26, s15, $0xb8;
	[tilespmem:$0x1E800] =	vst v63  }
0x8c: {  	_ =	swait.ge [sflag:s19], $0x1400  }
0x8d: {  	[sflag:s19] =	ssyncset.done $0x0  }
0x8e: {  	s26 =	sadd.s32 $0x100, s25;
	[sflag:s19] =	ssyncadd.s32 $0xFFFFEC00  }
0x8f: {  	[tilespmem:s16], [sflag:$0x1] =	stream.indirect.gather [hbm4b:s4+s15], $0x80, s26, s15, $0xb8;
	[tilespmem:$0x1E800] =	vst v63  }
0x90: {  	_ =	swait.ge [sflag:s20], $0x1400  }
0x91: {  	[sflag:s20] =	ssyncset.done $0x0  }
0x92: {  	s26 =	sadd.s32 $0x128, s25;
	[sflag:s20] =	ssyncadd.s32 $0xFFFFEC00  }
0x93: {  	[tilespmem:s17], [sflag:$0x2] =	stream.indirect.gather [hbm4b:s4+s15], $0x80, s26, s15, $0xb8;
	[tilespmem:$0x1E800] =	vst v63  }
0x94: {  	_ =	swait.ge [sflag:s14], $0x1400  }
0x95: {  	[sflag:s14] =	ssyncset.done $0x0  }
0x96: {  	s26 =	sadd.s32 $0x4100, s25;
	[sflag:s14] =	ssyncadd.s32 $0xFFFFEC00  }
0x97: {  	[spmem:s2] =	stream.indirect.scatter.add.f32 [tilespmem:s16], [sflag:$0x3], $0x80, s26, s15, $0xb8;
	[tilespmem:$0x1E800] =	vst v63  }
0x98: {  	_ =	swait.ge [sflag:s18], $0x1400  }
0x99: {  	[sflag:s18] =	ssyncset.done $0x0  }
0x9a: {  	s26 =	sadd.s32 $0x4128, s25;
	[sflag:s18] =	ssyncadd.s32 $0xFFFFEC00  }
0x9b: {  	[spmem:s2] =	stream.indirect.scatter.add.f32 [tilespmem:s17], [sflag:$0x4], $0x80, s26, s15, $0xb8;
	[tilespmem:$0x1E800] =	vst v63  }
0x9c: {  	_ =	swait.ge [sflag:s19], $0x1400  }
0x9d: {  	[sflag:s19] =	ssyncset.done $0x0  }
0x9e: {  	s26 =	sadd.s32 $0x180, s25;
	[sflag:s19] =	ssyncadd.s32 $0xFFFFEC00  }
0x9f: {  	[tilespmem:s16], [sflag:$0x1] =	stream.indirect.gather [hbm4b:s4+s15], $0x80, s26, s15, $0xb8;
	[tilespmem:$0x1E800] =	vst v63  }
0xa0: {  	_ =	swait.ge [sflag:s20], $0x1400  }
0xa1: {  	[sflag:s20] =	ssyncset.done $0x0  }
0xa2: {  	s26 =	sadd.s32 $0x1A8, s25;
	[sflag:s20] =	ssyncadd.s32 $0xFFFFEC00  }
0xa3: {  	[tilespmem:s17], [sflag:$0x2] =	stream.indirect.gather [hbm4b:s4+s15], $0x80, s26, s15, $0xb8;
	[tilespmem:$0x1E800] =	vst v63  }
0xa4: {  	_ =	swait.ge [sflag:s14], $0x1400  }
0xa5: {  	[sflag:s14] =	ssyncset.done $0x0  }
0xa6: {  	s26 =	sadd.s32 $0x4180, s25;
	[sflag:s14] =	ssyncadd.s32 $0xFFFFEC00  }
0xa7: {  	[spmem:s2] =	stream.indirect.scatter.add.f32 [tilespmem:s16], [sflag:$0x3], $0x80, s26, s15, $0xb8;
	[tilespmem:$0x1E800] =	vst v63  }
0xa8: {  	_ =	swait.ge [sflag:s18], $0x1400  }
0xa9: {  	[sflag:s18] =	ssyncset.done $0x0  }
0xaa: {  	s26 =	sadd.s32 $0x41A8, s25;
	[sflag:s18] =	ssyncadd.s32 $0xFFFFEC00  }
0xab: {  	[spmem:s2] =	stream.indirect.scatter.add.f32 [tilespmem:s17], [sflag:$0x4], $0x80, s26, s15, $0xb8;
	[tilespmem:$0x1E800] =	vst v63  }
0xac: {  	_ =	swait.ge [sflag:s19], $0x1400  }
0xad: {  	[sflag:s19] =	ssyncset.done $0x0  }
0xae: {  	s26 =	sadd.s32 $0x200, s25;
	[sflag:s19] =	ssyncadd.s32 $0xFFFFEC00  }
0xaf: {  	[tilespmem:s16], [sflag:$0x1] =	stream.indirect.gather [hbm4b:s4+s15], $0x80, s26, s15, $0xb8;
	[tilespmem:$0x1E800] =	vst v63  }
0xb0: {  	_ =	swait.ge [sflag:s20], $0x1400  }
0xb1: {  	[sflag:s20] =	ssyncset.done $0x0  }
0xb2: {  	s26 =	sadd.s32 $0x228, s25;
	[sflag:s20] =	ssyncadd.s32 $0xFFFFEC00  }
0xb3: {  	[tilespmem:s17], [sflag:$0x2] =	stream.indirect.gather [hbm4b:s4+s15], $0x80, s26, s15, $0xb8;
	[tilespmem:$0x1E800] =	vst v63  }
0xb4: {  	_ =	swait.ge [sflag:s14], $0x1400  }
0xb5: {  	[sflag:s14] =	ssyncset.done $0x0  }
0xb6: {  	s26 =	sadd.s32 $0x4200, s25;
	[sflag:s14] =	ssyncadd.s32 $0xFFFFEC00  }
0xb7: {  	[spmem:s2] =	stream.indirect.scatter.add.f32 [tilespmem:s16], [sflag:$0x3], $0x80, s26, s15, $0xb8;
	[tilespmem:$0x1E800] =	vst v63  }
0xb8: {  	_ =	swait.ge [sflag:s18], $0x1400  }
0xb9: {  	[sflag:s18] =	ssyncset.done $0x0  }
0xba: {  	s25 =	sadd.s32 $0x4228, s25;
	[sflag:s18] =	ssyncadd.s32 $0xFFFFEC00  }
0xbb: {  	[spmem:s2] =	stream.indirect.scatter.add.f32 [tilespmem:s17], [sflag:$0x4], $0x80, s25, s15, $0xb8;
	[tilespmem:$0x1E800] =	vst v63  }
.Ltmp0:
0xbc: {  	_ =	swait.ge [sflag:s19], $0x1400;
	(pc) =	sbr.rel @p0 .LBB2_2-.Ltmp0, $4  }
0xbd: {  	[sflag:s19] =	ssyncset.done $0x0  }
0xbe: {  	[sflag:s19] =	ssyncadd.s32 $0xFFFFEC00  }
0xbf: {  	_ =	swait.ge [sflag:s20], $0x1400  }
0xc0: {  	s26 =	smov.u32 s24;
	[sflag:s20] =	ssyncset.done $0x0  }
0xc1: {  	s23 =	sshra.s32 s23, $0x2;
	[sflag:s20] =	ssyncadd.s32 $0xFFFFEC00  }
0xc2: {  	[tilespmem:s16], [sflag:$0x1] =	stream.indirect.gather [hbm4b:s4+s15], $0x80, s23, s15, $0xb8;
	[tilespmem:$0x1E800] =	vst v63  }
0xc3: {  	s24 =	sadd.s32 $0x28, s23  }
0xc4: {  	[tilespmem:s17], [sflag:$0x2] =	stream.indirect.gather [hbm4b:s4+s15], $0x80, s24, s15, $0xb8;
	[tilespmem:$0x1E800] =	vst v63  }
0xc5: {  	_ =	swait.ge [sflag:s14], $0x1400  }
0xc6: {  	[sflag:s14] =	ssyncset.done $0x0  }
0xc7: {  	s26 =	sadd.s32 $0x4000, s23;
	[sflag:s14] =	ssyncadd.s32 $0xFFFFEC00  }
0xc8: {  	[spmem:s2] =	stream.indirect.scatter.add.f32 [tilespmem:s16], [sflag:$0x3], $0x80, s26, s15, $0xb8;
	[tilespmem:$0x1E800] =	vst v63  }
0xc9: {  	_ =	swait.ge [sflag:s18], $0x1400  }
0xca: {  	[sflag:s18] =	ssyncset.done $0x0  }
0xcb: {  	s28 =	sadd.s32 $0x4028, s23;
	[sflag:s18] =	ssyncadd.s32 $0xFFFFEC00  }
0xcc: {  	[spmem:s2] =	stream.indirect.scatter.add.f32 [tilespmem:s17], [sflag:$0x4], $0x80, s28, s15, $0xb8;
	[tilespmem:$0x1E800] =	vst v63  }
0xcd: {  	_ =	swait.ge [sflag:s19], $0x1400  }
0xce: {  	[sflag:s19] =	ssyncset.done $0x0  }
0xcf: {  	s29 =	sadd.s32 $0x80, s23;
	[sflag:s19] =	ssyncadd.s32 $0xFFFFEC00  }
0xd0: {  	[tilespmem:s16], [sflag:$0x1] =	stream.indirect.gather [hbm4b:s4+s15], $0x80, s29, s15, $0xb8;
	[tilespmem:$0x1E800] =	vst v63  }
0xd1: {  	_ =	swait.ge [sflag:s20], $0x1400  }
0xd2: {  	[sflag:s20] =	ssyncset.done $0x0  }
0xd3: {  	s30 =	sadd.s32 $0xA8, s23;
	[sflag:s20] =	ssyncadd.s32 $0xFFFFEC00  }
0xd4: {  	[tilespmem:s17], [sflag:$0x2] =	stream.indirect.gather [hbm4b:s4+s15], $0x80, s30, s15, $0xb8;
	[tilespmem:$0x1E800] =	vst v63  }
0xd5: {  	_ =	swait.ge [sflag:s14], $0x1400  }
0xd6: {  	[sflag:s14] =	ssyncset.done $0x0  }
0xd7: {  	s31 =	sadd.s32 $0x4080, s23;
	[sflag:s14] =	ssyncadd.s32 $0xFFFFEC00  }
0xd8: {  	[spmem:s2] =	stream.indirect.scatter.add.f32 [tilespmem:s16], [sflag:$0x3], $0x80, s31, s15, $0xb8;
	[tilespmem:$0x1E800] =	vst v63  }
0xd9: {  	_ =	swait.ge [sflag:s18], $0x1400  }
0xda: {  	[sflag:s18] =	ssyncset.done $0x0  }
0xdb: {  	s25 =	sadd.s32 $0x40A8, s23;
	[sflag:s18] =	ssyncadd.s32 $0xFFFFEC00  }
0xdc: {  	[spmem:s2] =	stream.indirect.scatter.add.f32 [tilespmem:s17], [sflag:$0x4], $0x80, s25, s15, $0xb8;
	[tilespmem:$0x1E800] =	vst v63  }
0xdd: {  	_ =	swait.ge [sflag:s19], $0x1400  }
0xde: {  	[sflag:s19] =	ssyncset.done $0x0  }
0xdf: {  	s26 =	sadd.s32 $0x100, s23;
	[sflag:s19] =	ssyncadd.s32 $0xFFFFEC00  }
0xe0: {  	[tilespmem:s16], [sflag:$0x1] =	stream.indirect.gather [hbm4b:s4+s15], $0x80, s26, s15, $0xb8;
	[tilespmem:$0x1E800] =	vst v63  }
0xe1: {  	_ =	swait.ge [sflag:s20], $0x1400  }
0xe2: {  	[sflag:s20] =	ssyncset.done $0x0  }
0xe3: {  	s28 =	sadd.s32 $0x128, s23;
	[sflag:s20] =	ssyncadd.s32 $0xFFFFEC00  }
0xe4: {  	[tilespmem:s17], [sflag:$0x2] =	stream.indirect.gather [hbm4b:s4+s15], $0x80, s28, s15, $0xb8;
	[tilespmem:$0x1E800] =	vst v63  }
0xe5: {  	_ =	swait.ge [sflag:s14], $0x1400  }
0xe6: {  	[sflag:s14] =	ssyncset.done $0x0  }
0xe7: {  	s29 =	sadd.s32 $0x4100, s23;
	[sflag:s14] =	ssyncadd.s32 $0xFFFFEC00  }
0xe8: {  	[spmem:s2] =	stream.indirect.scatter.add.f32 [tilespmem:s16], [sflag:$0x3], $0x80, s29, s15, $0xb8;
	[tilespmem:$0x1E800] =	vst v63  }
0xe9: {  	_ =	swait.ge [sflag:s18], $0x1400  }
0xea: {  	[sflag:s18] =	ssyncset.done $0x0  }
0xeb: {  	s30 =	sadd.s32 $0x4128, s23;
	[sflag:s18] =	ssyncadd.s32 $0xFFFFEC00  }
0xec: {  	[spmem:s2] =	stream.indirect.scatter.add.f32 [tilespmem:s17], [sflag:$0x4], $0x80, s30, s15, $0xb8;
	[tilespmem:$0x1E800] =	vst v63  }
0xed: {  	_ =	swait.ge [sflag:s19], $0x1400  }
0xee: {  	[sflag:s19] =	ssyncset.done $0x0  }
0xef: {  	s31 =	sadd.s32 $0x180, s23;
	[sflag:s19] =	ssyncadd.s32 $0xFFFFEC00  }
0xf0: {  	[tilespmem:s16], [sflag:$0x1] =	stream.indirect.gather [hbm4b:s4+s15], $0x80, s31, s15, $0xb8;
	[tilespmem:$0x1E800] =	vst v63  }
0xf1: {  	_ =	swait.ge [sflag:s20], $0x1400  }
0xf2: {  	[sflag:s20] =	ssyncset.done $0x0  }
0xf3: {  	s25 =	sadd.s32 $0x1A8, s23;
	[sflag:s20] =	ssyncadd.s32 $0xFFFFEC00  }
0xf4: {  	[tilespmem:s17], [sflag:$0x2] =	stream.indirect.gather [hbm4b:s4+s15], $0x80, s25, s15, $0xb8;
	[tilespmem:$0x1E800] =	vst v63  }
0xf5: {  	_ =	swait.ge [sflag:s14], $0x1400  }
0xf6: {  	[sflag:s14] =	ssyncset.done $0x0  }
0xf7: {  	s26 =	sadd.s32 $0x4180, s23;
	[sflag:s14] =	ssyncadd.s32 $0xFFFFEC00  }
0xf8: {  	[spmem:s2] =	stream.indirect.scatter.add.f32 [tilespmem:s16], [sflag:$0x3], $0x80, s26, s15, $0xb8;
	[tilespmem:$0x1E800] =	vst v63  }
0xf9: {  	_ =	swait.ge [sflag:s18], $0x1400  }
0xfa: {  	[sflag:s18] =	ssyncset.done $0x0  }
0xfb: {  	s28 =	sadd.s32 $0x41A8, s23;
	[sflag:s18] =	ssyncadd.s32 $0xFFFFEC00  }
0xfc: {  	[spmem:s2] =	stream.indirect.scatter.add.f32 [tilespmem:s17], [sflag:$0x4], $0x80, s28, s15, $0xb8;
	[tilespmem:$0x1E800] =	vst v63  }
0xfd: {  	_ =	swait.ge [sflag:s19], $0x1400  }
0xfe: {  	[sflag:s19] =	ssyncset.done $0x0  }
0xff: {  	s29 =	sadd.s32 $0x200, s23;
	[sflag:s19] =	ssyncadd.s32 $0xFFFFEC00  }
0x100: {  	[tilespmem:s16], [sflag:$0x1] =	stream.indirect.gather [hbm4b:s4+s15], $0x80, s29, s15, $0xb8;
	[tilespmem:$0x1E800] =	vst v63  }
0x101: {  	_ =	swait.ge [sflag:s20], $0x1400  }
0x102: {  	[sflag:s20] =	ssyncset.done $0x0  }
0x103: {  	s30 =	sadd.s32 $0x228, s23;
	[sflag:s20] =	ssyncadd.s32 $0xFFFFEC00  }
0x104: {  	[tilespmem:s17], [sflag:$0x2] =	stream.indirect.gather [hbm4b:s4+s15], $0x80, s30, s15, $0xb8;
	[tilespmem:$0x1E800] =	vst v63  }
0x105: {  	_ =	swait.ge [sflag:s14], $0x1400  }
0x106: {  	[sflag:s14] =	ssyncset.done $0x0  }
0x107: {  	s31 =	sadd.s32 $0x4200, s23;
	[sflag:s14] =	ssyncadd.s32 $0xFFFFEC00  }
0x108: {  	[spmem:s2] =	stream.indirect.scatter.add.f32 [tilespmem:s16], [sflag:$0x3], $0x80, s31, s15, $0xb8;
	[tilespmem:$0x1E800] =	vst v63  }
0x109: {  	_ =	swait.ge [sflag:s18], $0x1400  }
0x10a: {  	[sflag:s18] =	ssyncset.done $0x0  }
0x10b: {  	s23 =	sadd.s32 $0x4228, s23;
	[sflag:s18] =	ssyncadd.s32 $0xFFFFEC00  }
0x10c: {  	[spmem:s2] =	stream.indirect.scatter.add.f32 [tilespmem:s17], [sflag:$0x4], $0x80, s23, s15, $0xb8;
	[tilespmem:$0x1E800] =	vst v63  }
0x10d: {  	_ =	swait.ge [sflag:s19], $0x1400  }
0x10e: {  	[sflag:s19] =	ssyncset.done $0x0  }
0x10f: {  	[sflag:s19] =	ssyncadd.s32 $0xFFFFEC00  }
0x110: {  	_ =	swait.ge [sflag:s20], $0x1400  }
0x111: {  	s22 =	sadd.s32 $0x1, s22;
	[sflag:s20] =	ssyncset.done $0x0  }
0x112: {  	p0 =	sne.s32 s22, s10;
	[sflag:s20] =	ssyncadd.s32 $0xFFFFEC00  }
.Ltmp1:
0x113: {  	[bflag:$0x0] =	sbarrier.arrive $0xFFFF;
	(pc) =	sbr.rel @p0 .LBB2_1-.Ltmp1, $4  }
0x114: {  	[hbm:s9], [sflag:s21] =	dma.local [spmem:s11], $0x2800  }
0x115: {  	_ =	swait.ge [sflag:s12], $0x2800  }
0x116: {  	[sflag:s12] =	ssyncset.done $0x0  }
0x117: {  	[sflag:s12] =	ssyncadd.s32 $0xFFFFD800  }
0x118: {  	_ =	sfence.sel $0x180000  }
0x119: {  	[bflag:$0x0] =	sbarrier.arrive $0xFFFF  }
0x11a: {  	p0 =	sne.s32 s1, $0x0;
	_ =	strace $0x9000004A  }
0x11b: {  	s0 =	sadd.s32 @!p0 $0x100000, s0;
	[bflag:$0x2] =	sbarrier.arrive $0xFFFF  }
0x11c: {  	[sflag:s0] =	ssyncadd.tile.s32 @!p0 $0x1;
	_ =	shalt  }
.Lfunc_end2:
_tile_overlayer_lowered:
.L_overlay_start_2:
0x11d: {  	(tag) =	ssettag $0x2  }
0x11e: {  	s0 =	rddreg [dreg:$0x0];
	s2 =	stileid.u32  }
0x11f: {  	s1 =	rddreg [dreg:$0x1];
	p0 =	sne.s32 s2, $0x0  }
0x120: {  	s3 =	rddreg [dreg:$0x2];
	[bflag:$0x3] =	sbarrier.arrive $0xFFFF;
	s2 =	simm.s32 @!p0 $0x1C05  }
0x121: {  	[timem:s3], [sflag:s2] =	dma.local @!p0 [hbm:s0], s1  }
0x122: {  	s0 =	simm.s32 @!p0 $0x5  }
0x123: {  	_ =	swait.ge @!p0 [sflag:s0], s1  }
0x124: {  	s1 =	ssub.s32 @!p0 $0x0, s1;
	[sflag:s0] =	ssyncset.done @!p0 $0x0  }
0x125: {  	[sflag:s0] =	ssyncadd.s32 @!p0 s1  }
0x126: {  	[bflag:$0x3] =	sbarrier.arrive $0xFFFF  }
0x127: {  	_ =	shalt  }

</sc_bundles>
